<compile_context>
chip_gen: v7x
topology: tpu7x:2x2x1
jax: 0.10.2.dev20260603
libtpu: 0.0.44.dev20260713+nightly
codegen_flags: <defaults>
</compile_context>

<pallas_src>
import functools
import math

import jax
import jax.numpy as jnp
from jax import lax
from jax.experimental import pallas as pl
from jax.experimental.pallas import tpu as pltpu
from jax.experimental.pallas import tpu_sc as plsc

NC = 2
NS = 16
NW = NC * NS
BQ = 256
BK = 256


def _sc_multi_gather(jobs):
    nj = len(jobs)
    chunks = []
    out_types = []
    for t, i in jobs:
        n = i.shape[0]
        c = n // NW
        assert n % NW == 0 and c % 8 == 0 and t.shape[1] % 128 == 0
        sub = []
        off = 0
        while off < c:
            sc = min(128, c - off)
            sub.append((off, sc))
            off += sc
        chunks.append(sub)
        out_types.append(jax.ShapeDtypeStruct((n, t.shape[1]), t.dtype))

    scratch = []
    for (t, i), sub in zip(jobs, chunks):
        for (_, sc) in sub:
            scratch.append(pltpu.VMEM((sc,), jnp.int32))
            scratch.append(pltpu.VMEM((sc, t.shape[1]), jnp.float32))
            scratch.append(pltpu.SemaphoreType.DMA)

    mesh = plsc.VectorSubcoreMesh(core_axis_name="c", subcore_axis_name="s")

    def body(*refs):
        wid = lax.axis_index("s") * NC + lax.axis_index("c")
        k = 2 * nj + nj
        copies = []
        for j, sub in enumerate(chunks):
            th, ih = refs[2 * j], refs[2 * j + 1]
            oh = refs[2 * nj + j]
            c = jobs[j][1].shape[0] // NW
            base = wid * c
            for (off, sc) in sub:
                ibuf, rbuf, sem = refs[k], refs[k + 1], refs[k + 2]
                k += 3
                pltpu.sync_copy(ih.at[pl.ds(base + off, sc)], ibuf)
                cp = pltpu.async_copy(th.at[ibuf], rbuf, sem)
                copies.append((cp, rbuf, oh, base + off, sc))
        for (cp, rbuf, oh, o, sc) in copies:
            cp.wait()
            pltpu.sync_copy(rbuf, oh.at[pl.ds(o, sc)])

    fn = pl.kernel(body, out_type=tuple(out_types), mesh=mesh,
                   scratch_types=scratch)
    flat = []
    for t, i in jobs:
        flat += [t, i]
    out = fn(*flat)
    if not isinstance(out, (list, tuple)):
        out = [out]
    return list(out)


def _block_body(lo_ref, nb_ref, cid_ref, pos_ref, feat_ref,
                w12_ref, wf_ref, nrow_ref, b12_ref,
                wqk_ref, bqk_ref, wvo_ref,
                bo_ref, g_ref, bt_ref,
                o_ref,
                cog_s, q_s, k_s, v_s, hp_s, *, K, d_emb, N):
    b = pl.program_id(0)
    s = pl.program_id(1)
    NQ = N // BQ
    kiota = lax.broadcasted_iota(jnp.int32, (1, K), 1).astype(jnp.float32)

    @pl.when(s == 0)
    def _cog():
        cid = cid_ref[0, 0]
        onehot = (cid[:, None] == kiota).astype(jnp.float32)
        seg = lax.dot_general(onehot, pos_ref[0], (((0,), (0,)), ((), ())),
                              preferred_element_type=jnp.float32)
        cog_s[...] = seg / jnp.maximum(seg[:, 127:128], 1.0)

    @pl.when((s >= 1) & (s <= NQ))
    def _lpe():
        qi = s - 1
        cid = cid_ref[0, 0, pl.ds(qi * BQ, BQ)]
        onehot = (cid[:, None] == kiota).astype(jnp.float32)
        cogq = jnp.dot(onehot, cog_s[...], preferred_element_type=jnp.float32)
        local_p = pos_ref[0, pl.ds(qi * BQ, BQ), :] - cogq
        nrm = jnp.sqrt(jnp.sum(local_p * local_p, axis=1, keepdims=True))
        hh = (jnp.dot(local_p, w12_ref[...],
                      preferred_element_type=jnp.float32)
              + jnp.dot(feat_ref[0], wf_ref[...],
                        preferred_element_type=jnp.float32)
              + nrm * nrow_ref[...] + b12_ref[...])
        h_pos = hh[:, :d_emb]
        h_geo = hh[:, d_emb:]
        qk = jnp.dot(h_geo, wqk_ref[...],
                     preferred_element_type=jnp.float32) + bqk_ref[...]
        q_s[pl.ds(qi * BQ, BQ), :] = qk[:, :d_emb]
        k_s[pl.ds(qi * BQ, BQ), :] = qk[:, d_emb:]
        v_s[pl.ds(qi * BQ, BQ), :] = jnp.dot(
            h_pos, wvo_ref[...], preferred_element_type=jnp.float32)
        hp_s[pl.ds(qi * BQ, BQ), :] = h_pos

    @pl.when(s > NQ)
    def _attn():
        qi = s - NQ - 1
        lo = lo_ref[b, qi]
        nb = nb_ref[b, qi]
        q = q_s[pl.ds(qi * BQ, BQ), :]
        qc = cid_ref[0, 0, pl.ds(qi * BQ, BQ)]
        scale = 1.0 / math.sqrt(d_emb)
        m0 = jnp.full((BQ, 1), -1e9, jnp.float32)
        l0 = jnp.zeros((BQ, 1), jnp.float32)
        a0 = jnp.zeros((BQ, d_emb), jnp.float32)

        def step(i, carry):
            m, l, acc = carry
            start = (lo + i) * BK
            ks = k_s[pl.ds(start, BK), :]
            kc = cid_ref[0, 0, pl.ds(start, BK)]
            sc = lax.dot_general(q, ks, (((1,), (1,)), ((), ())),
                                 preferred_element_type=jnp.float32) * scale
            sc = jnp.where(qc[:, None] == kc[None, :], sc, -1e9)
            mb = jnp.max(sc, axis=1, keepdims=True)
            mn = jnp.maximum(m, mb)
            p = jnp.exp(sc - mn)
            alpha = jnp.exp(m - mn)
            vs = v_s[pl.ds(start, BK), :]
            l2 = l * alpha + jnp.sum(p, axis=1, keepdims=True)
            a2 = acc * alpha + jnp.dot(p, vs,
                                       preferred_element_type=jnp.float32)
            return mn, l2, a2

        m, l, acc = lax.fori_loop(0, nb, step, (m0, l0, a0))
        y = acc / l + bo_ref[...] + hp_s[pl.ds(qi * BQ, BQ), :]
        mu = jnp.mean(y, axis=1, keepdims=True)
        var = jnp.mean((y - mu) * (y - mu), axis=1, keepdims=True)
        o_ref[0] = (y - mu) * lax.rsqrt(var + 1e-5) * g_ref[...] + bt_ref[...]


def _fused_block(lo, nb, cid_f3, pos_s, feat_s, wp, K, d_emb):
    B, N, _ = pos_s.shape
    df = feat_s.shape[2]
    NQ = N // BQ
    full = lambda *sh: pl.BlockSpec(sh, lambda b, s: tuple(0 for _ in sh))
    smem = pl.BlockSpec(memory_space=pltpu.MemorySpace.SMEM)
    featmap = lambda b, s: (b, jnp.clip(s - 1, 0, NQ - 1), 0)
    outmap = lambda b, s: (b, jnp.clip(s - (NQ + 1), 0, NQ - 1), 0)
    return pl.pallas_call(
        functools.partial(_block_body, K=K, d_emb=d_emb, N=N),
        grid=(B, 1 + 2 * NQ),
        in_specs=[
            smem, smem,
            pl.BlockSpec((1, 1, N), lambda b, s: (b, 0, 0)),
            pl.BlockSpec((1, N, 128), lambda b, s: (b, 0, 0)),
            pl.BlockSpec((1, BQ, df), featmap),
            full(128, 2 * d_emb), full(df, 2 * d_emb),
            full(1, 2 * d_emb), full(1, 2 * d_emb),
            full(d_emb, 2 * d_emb), full(1, 2 * d_emb),
            full(d_emb, d_emb),
            full(1, d_emb), full(1, d_emb), full(1, d_emb),
        ],
        out_specs=pl.BlockSpec((1, BQ, d_emb), outmap),
        out_shape=jax.ShapeDtypeStruct((B, N, d_emb), jnp.float32),
        scratch_shapes=[
            pltpu.VMEM((K, 128), jnp.float32),
            pltpu.VMEM((N, d_emb), jnp.float32),
            pltpu.VMEM((N, d_emb), jnp.float32),
            pltpu.VMEM((N, d_emb), jnp.float32),
            pltpu.VMEM((N, d_emb), jnp.float32),
        ],
    )(lo, nb, cid_f3, pos_s, feat_s,
      wp['W12'], wp['Wf'], wp['nrow'], wp['b12'],
      wp['Wqk'], wp['bqk'], wp['Wvo'],
      wp['bout'], wp['ln_g'], wp['ln_b'])


def _prep_weights(p, dpe):
    row = lambda a: a.reshape(1, -1)
    d_emb = p['wq'].shape[0]
    df = p['w1b'].shape[0] - dpe
    w1aP = jnp.zeros((128, dpe), jnp.float32).at[0:4].set(p['w1a'])
    w2aP = jnp.zeros((128, dpe), jnp.float32).at[0:3].set(p['w2a'][3:6])
    padf = lambda a: jnp.zeros((128, a.shape[1]), jnp.float32).at[:df].set(a)
    W1 = w1aP @ p['w1b'][:dpe]
    W2 = w2aP @ p['w2b'][:dpe]
    W12 = jnp.concatenate([W1, W2], axis=1)
    Wf = jnp.concatenate([padf(p['w1b'][dpe:]), padf(p['w2b'][dpe:])], axis=1)
    nrow = jnp.concatenate([W1[3], jnp.zeros((d_emb,), jnp.float32)]
                           ).reshape(1, -1)
    b12 = jnp.concatenate([p['b1b'], p['b2b']]).reshape(1, -1)
    Wqk = jnp.concatenate([p['wq'], p['wk']], axis=1)
    bqk = jnp.concatenate([p['bq'], p['bk']]).reshape(1, -1)
    Wvo = p['wv'] @ p['wo']
    bout = row(p['bv'] @ p['wo'] + p['bo'])
    return {
        'W12': W12, 'Wf': Wf, 'nrow': nrow, 'b12': b12,
        'Wqk': Wqk, 'bqk': bqk, 'Wvo': Wvo, 'bout': bout,
        'ln_g': row(p['ln_g']), 'ln_b': row(p['ln_b']),
    }


def _window_bounds(cids_s):
    qc_lo = cids_s[:, 0::BQ]
    qc_hi = cids_s[:, BQ - 1::BQ]
    ss = lambda side: jax.vmap(
        lambda a, v: jnp.searchsorted(a, v, side=side))
    kstart = ss('left')(cids_s, qc_lo)
    kend = ss('right')(cids_s, qc_hi)
    lo = (kstart // BK).astype(jnp.int32)
    nb = ((kend + BK - 1) // BK).astype(jnp.int32) - lo
    return lo, nb


def _run_block(pos_s, feat_s, cids_s, wp, K, d_emb):
    B, N, _ = pos_s.shape
    cid_f3 = cids_s.astype(jnp.float32).reshape(B, 1, N)
    lo, nb = _window_bounds(cids_s)
    return _fused_block(lo, nb, cid_f3, pos_s, feat_s, wp, K, d_emb)


def kernel(pos, feat, params, fps_preprocess, cluster_ids_1, cluster_ids_2):
    B, N, _ = pos.shape
    M = fps_preprocess.shape[1]
    K1, K2 = 256, 128

    posP = jnp.concatenate(
        [pos, jnp.zeros((B, N, 124), jnp.float32),
         jnp.ones((B, N, 1), jnp.float32)], axis=2)
    pos2d = posP.reshape(B * N, 128)
    featP = jnp.concatenate(
        [feat, jnp.zeros((B, N, 128 - feat.shape[2]), jnp.float32)], axis=2)

    flat = lambda idx: (idx.astype(jnp.int32)
                        + (jnp.arange(B, dtype=jnp.int32) * N)[:, None]
                        ).reshape(-1)
    take = lambda a, i: jnp.take_along_axis(a, i, axis=1)

    c1 = cluster_ids_1.astype(jnp.int32)
    c2 = cluster_ids_2.astype(jnp.int32)
    fps = fps_preprocess.astype(jnp.int32)
    c12 = jnp.concatenate([c1, c2], axis=0)
    p12 = jnp.argsort(c12, axis=1)
    invp12 = jnp.argsort(p12, axis=1)
    p1, p2 = p12[:B], p12[B:]
    invp1, invp2 = invp12[:B], invp12[B:]
    cids12_s = jnp.take_along_axis(c12, p12, axis=1)
    cids1_s, cids2_s = cids12_s[:B], cids12_s[B:]

    wp1 = _prep_weights(params['block1'], 64)
    wp2 = _prep_weights(params['block2'], 128)

    g1 = flat(p1)
    gp2 = flat(p2)
    gpds = flat(fps)
    pos_s1, feat_s1, pos_s2, pos_ds = _sc_multi_gather(
        [(pos2d, g1), (featP.reshape(B * N, -1), g1),
         (pos2d, gp2), (pos2d, gpds)])
    f1_s1 = _run_block(pos_s1.reshape(B, N, 128),
                       feat_s1.reshape(B, N, -1), cids1_s, wp1, K1, 128)

    g12 = flat(take(invp1, p2))
    feat_s2 = _sc_multi_gather([(f1_s1.reshape(B * N, -1), g12)])[0]
    f2_s2 = _run_block(pos_s2.reshape(B, N, 128),
                       feat_s2.reshape(B, N, -1), cids2_s, wp2, K2, 256)

    gfin = flat(take(invp2, fps))
    feat_ds = _sc_multi_gather([(f2_s2.reshape(B * N, -1), gfin)])[0]
    return (pos_ds.reshape(B, M, 128)[:, :, :3],
            feat_ds.reshape(B, M, -1))

# --- scband reference (transcript-rebuilt; emitter-appended) ---
"""Pipeline reference for scband-dlptlayer-9612136808567 (READ-ONLY COPY).

The authoritative reference and input builder live on the scoring server;
editing this copy changes nothing except your own understanding.
"""

import jax, jax.numpy as jnp
import numpy as np
import math


def _linear(x, W, b):
    return x @ W + b


def _ln(x, g, b):
    m = jnp.mean(x, axis=-1, keepdims=True)
    v = jnp.var(x, axis=-1, keepdims=True)
    return (x - m) / jnp.sqrt(v + 1e-5) * g + b


def _make_block_params(key, d_feat, d_pe, d_emb):
    ks = jax.random.split(key, 12)
    w = lambda k, s: jax.random.normal(k, s, jnp.float32) * 0.05
    return {
        'w1a': w(ks[0], (4, d_pe)), 'b1a': jnp.zeros((d_pe,), jnp.float32),
        'w1b': w(ks[1], (d_pe + d_feat, d_emb)), 'b1b': jnp.zeros((d_emb,), jnp.float32),
        'w2a': w(ks[2], (6, d_pe)), 'b2a': jnp.zeros((d_pe,), jnp.float32),
        'w2b': w(ks[3], (d_pe + d_feat, d_emb)), 'b2b': jnp.zeros((d_emb,), jnp.float32),
        'wq': w(ks[4], (d_emb, d_emb)), 'bq': jnp.zeros((d_emb,), jnp.float32),
        'wk': w(ks[5], (d_emb, d_emb)), 'bk': jnp.zeros((d_emb,), jnp.float32),
        'wv': w(ks[6], (d_emb, d_emb)), 'bv': jnp.zeros((d_emb,), jnp.float32),
        'wo': w(ks[7], (d_emb, d_emb)), 'bo': jnp.zeros((d_emb,), jnp.float32),
        'ln_g': jnp.ones((d_emb,), jnp.float32), 'ln_b': jnp.zeros((d_emb,), jnp.float32),
        'wff': w(ks[8], (d_emb, d_emb)), 'bff': jnp.zeros((d_emb,), jnp.float32),
    }


def _dlpt_block(pos, feat, cids, p, K, d_emb):
    # LPE block: per-cluster center-of-gravity + local embeddings (segment ops)
    def lpe_b(pb, fb, cb):
        N = pb.shape[0]
        counts = jax.ops.segment_sum(jnp.ones((N,), jnp.float32), cb, num_segments=K)
        denom = jnp.maximum(counts, 1.0)[:, None]
        cog = jax.ops.segment_sum(pb, cb, num_segments=K) / denom
        local_p = pb - cog[cb]
        n = jnp.linalg.norm(local_p, axis=1, keepdims=True)
        r = _linear(jnp.concatenate([local_p, n], axis=1), p['w1a'], p['b1a'])
        h_pos = _linear(jnp.concatenate([r, fb], axis=1), p['w1b'], p['b1b'])
        avg = jax.ops.segment_sum(local_p, cb, num_segments=K) / denom
        r_hat = _linear(jnp.concatenate([avg[cb], local_p], axis=1), p['w2a'], p['b2a'])
        h_geo = _linear(jnp.concatenate([r_hat, fb], axis=1), p['w2b'], p['b2b'])
        return h_pos, h_geo

    h_pos, h_geo = jax.vmap(lpe_b)(pos, feat, cids)
    # DLSA block: per-cluster attention == cluster-masked softmax attention
    Q = _linear(h_geo, p['wq'], p['bq'])
    Kk = _linear(h_geo, p['wk'], p['bk'])
    V = _linear(h_pos, p['wv'], p['bv'])
    scores = jnp.einsum('bnd,bmd->bnm', Q, Kk) / math.sqrt(d_emb)
    mask = cids[:, :, None] == cids[:, None, :]
    scores = jnp.where(mask, scores, -1e9)
    attn = jax.nn.softmax(scores, axis=-1)
    out = jnp.einsum('bnm,bmd->bnd', attn, V)
    out = _linear(out, p['wo'], p['bo'])
    feat_out = h_pos + out
    feat_out = _ln(feat_out, p['ln_g'], p['ln_b'])
    # final_out is computed but the torch module returns feat_out
    final_out = _linear(feat_out, p['wff'], p['bff']) + feat_out
    final_out = _ln(final_out, p['ln_g'], p['ln_b'])
    return feat_out


def setup_inputs(seed: int = 0):
    key = jax.random.key(seed)
    B, N, M = 2, 4096, 1024
    d_in, d_hid, d_out = 64, 128, 256
    K1, K2 = 256, 128
    ks = jax.random.split(key, 8)
    pos = jax.random.normal(ks[0], (B, N, 3), jnp.float32)
    feat = jax.random.normal(ks[1], (B, N, d_in), jnp.float32)
    fps = jax.random.randint(ks[2], (B, M), 0, N)
    c1 = jax.random.randint(ks[3], (B, N), 0, K1)
    c2 = jax.random.randint(ks[4], (B, N), 0, K2)
    params = {
        'block1': _make_block_params(ks[5], d_in, d_in, d_hid),
        'block2': _make_block_params(ks[6], d_hid, d_hid, d_out),
    }
    return {'pos': pos, 'feat': feat, 'params': params, 'fps_preprocess': fps,
            'cluster_ids_1': c1, 'cluster_ids_2': c2}


def reference(pos, feat, params, fps_preprocess, cluster_ids_1, cluster_ids_2):
    K1, K2 = 256, 128
    f1 = _dlpt_block(pos, feat, cluster_ids_1, params['block1'], K1, 128)
    f2 = _dlpt_block(pos, f1, cluster_ids_2, params['block2'], K2, 256)
    # FPS downsample: gather rows by precomputed indices
    pos_ds = jax.vmap(lambda a, i: a[i])(pos, fps_preprocess)
    feat_ds = jax.vmap(lambda a, i: a[i])(f2, fps_preprocess)
    return (pos_ds, feat_ds)

if __name__ == "__main__":
    import jax
    _d = setup_inputs()
    print(jax.jit(kernel)(*tuple(_d.values())))

</pallas_src>

<mosaic_0001>
#map = affine_map<(d0, d1) -> (0, 0)>
#map1 = affine_map<(d0, d1) -> (0)>
module attributes {stable_mosaic.version = 14 : i64} {
  func.func @body(%arg0: i32, %arg1: i32, %arg2: memref<8192x128xf32, #tpu.memory_space<hbm>>, %arg3: memref<8192xi32, #tpu.memory_space<hbm>>, %arg4: memref<8192x128xf32, #tpu.memory_space<hbm>>, %arg5: memref<8192xi32, #tpu.memory_space<hbm>>, %arg6: memref<8192x128xf32, #tpu.memory_space<hbm>>, %arg7: memref<8192xi32, #tpu.memory_space<hbm>>, %arg8: memref<8192x128xf32, #tpu.memory_space<hbm>>, %arg9: memref<2048xi32, #tpu.memory_space<hbm>>, %arg10: memref<8192x128xf32, #tpu.memory_space<hbm>>, %arg11: memref<8192x128xf32, #tpu.memory_space<hbm>>, %arg12: memref<8192x128xf32, #tpu.memory_space<hbm>>, %arg13: memref<2048x128xf32, #tpu.memory_space<hbm>>, %arg14: memref<128xi32, #tpu.memory_space<vmem>>, %arg15: memref<128x128xf32, #tpu.memory_space<vmem>>, %arg16: memref<!tpu.dma_semaphore, #tpu.memory_space<semaphore_mem>>, %arg17: memref<128xi32, #tpu.memory_space<vmem>>, %arg18: memref<128x128xf32, #tpu.memory_space<vmem>>, %arg19: memref<!tpu.dma_semaphore, #tpu.memory_space<semaphore_mem>>, %arg20: memref<128xi32, #tpu.memory_space<vmem>>, %arg21: memref<128x128xf32, #tpu.memory_space<vmem>>, %arg22: memref<!tpu.dma_semaphore, #tpu.memory_space<semaphore_mem>>, %arg23: memref<128xi32, #tpu.memory_space<vmem>>, %arg24: memref<128x128xf32, #tpu.memory_space<vmem>>, %arg25: memref<!tpu.dma_semaphore, #tpu.memory_space<semaphore_mem>>, %arg26: memref<128xi32, #tpu.memory_space<vmem>>, %arg27: memref<128x128xf32, #tpu.memory_space<vmem>>, %arg28: memref<!tpu.dma_semaphore, #tpu.memory_space<semaphore_mem>>, %arg29: memref<128xi32, #tpu.memory_space<vmem>>, %arg30: memref<128x128xf32, #tpu.memory_space<vmem>>, %arg31: memref<!tpu.dma_semaphore, #tpu.memory_space<semaphore_mem>>, %arg32: memref<64xi32, #tpu.memory_space<vmem>>, %arg33: memref<64x128xf32, #tpu.memory_space<vmem>>, %arg34: memref<!tpu.dma_semaphore, #tpu.memory_space<semaphore_mem>>) attributes {dimension_semantics = [#tpu.dimension_semantics<core_parallel>, #tpu.dimension_semantics<subcore_parallel>], iteration_bounds = array<i64: 2, 16>, scalar_prefetch = 0 : i64, scratch_operands = 21 : i64, tpu.core_type = #tpu.core_type<sc_vector_subcore>, window_params = [{transform_indices = #map}, {transform_indices = #map1}, {transform_indices = #map}, {transform_indices = #map1}, {transform_indices = #map}, {transform_indices = #map1}, {transform_indices = #map}, {transform_indices = #map1}, {transform_indices = #map}, {transform_indices = #map}, {transform_indices = #map}, {transform_indices = #map}]} {
    %mul3A = arith.constant 2 : i32
    %mul3A_0 = arith.muli %arg1, %mul3A : i32
    %add3A = arith.addi %mul3A_0, %arg0 : i32
    %mul3A_1 = arith.constant 256 : i32
    %mul3A_2 = arith.muli %add3A, %mul3A_1 : i32
    %add3A_3 = arith.constant 0 : i32
    %add3A_4 = arith.addi %mul3A_2, %add3A_3 : i32
    "tpu.region"() ({
      %run_scoped3A = tpu.sem_alloc : memref<!tpu.dma_semaphore, #tpu.memory_space<semaphore_mem>>
      %dma_start3A_77 = tpu.memref_slice %arg3[%add3A_4] : memref<8192xi32, #tpu.memory_space<hbm>> -> memref<128xi32, #tpu.memory_space<hbm>>
      %dma_start3A_78 = tpu.memref_slice %arg3[%add3A_4] : memref<8192xi32, #tpu.memory_space<hbm>> -> memref<128xi32, #tpu.memory_space<hbm>>
      tpu.enqueue_dma source(%dma_start3A_78 : memref<128xi32, #tpu.memory_space<hbm>>) target(%arg14 : memref<128xi32, #tpu.memory_space<vmem>>) target_semaphore(%run_scoped3A : memref<!tpu.dma_semaphore, #tpu.memory_space<semaphore_mem>>)
      %dma_wait3A_79 = tpu.memref_slice %arg3[%add3A_4] : memref<8192xi32, #tpu.memory_space<hbm>> -> memref<128xi32, #tpu.memory_space<hbm>>
      %dma_wait3A_80 = tpu.memref_slice %arg3[%add3A_4] : memref<8192xi32, #tpu.memory_space<hbm>> -> memref<128xi32, #tpu.memory_space<hbm>>
      tpu.wait_dma2 semaphore(%run_scoped3A : memref<!tpu.dma_semaphore, #tpu.memory_space<semaphore_mem>>) src(%dma_wait3A_80 : memref<128xi32, #tpu.memory_space<hbm>>) dst(%arg14 : memref<128xi32, #tpu.memory_space<vmem>>)
      tpu.yield
    }) : () -> ()
    %dma_start3A = arith.constant 0 : i32
    %dma_start3A_5 = arith.constant 0 : i32
    %dma_start3A_6 = tpu.memref_slice %arg2[%dma_start3A, %dma_start3A_5] : memref<8192x128xf32, #tpu.memory_space<hbm>> -> memref<8192x128xf32, #tpu.memory_space<hbm>>
    tpu.enqueue_indirect_dma source(%dma_start3A_6 : memref<8192x128xf32, #tpu.memory_space<hbm>>) target(%arg15 : memref<128x128xf32, #tpu.memory_space<vmem>>) offsets(%arg14 : memref<128xi32, #tpu.memory_space<vmem>>) semaphore(%arg16 : memref<!tpu.dma_semaphore, #tpu.memory_space<semaphore_mem>>)
    %add3A_7 = arith.constant 0 : i32
    %add3A_8 = arith.addi %mul3A_2, %add3A_7 : i32
    %add3A_9 = arith.constant 128 : i32
    %add3A_10 = arith.addi %mul3A_2, %add3A_9 : i32
    "tpu.region"() ({
      %run_scoped3A = tpu.sem_alloc : memref<!tpu.dma_semaphore, #tpu.memory_space<semaphore_mem>>
      %dma_start3A_77 = tpu.memref_slice %arg3[%add3A_10] : memref<8192xi32, #tpu.memory_space<hbm>> -> memref<128xi32, #tpu.memory_space<hbm>>
      %dma_start3A_78 = tpu.memref_slice %arg3[%add3A_10] : memref<8192xi32, #tpu.memory_space<hbm>> -> memref<128xi32, #tpu.memory_space<hbm>>
      tpu.enqueue_dma source(%dma_start3A_78 : memref<128xi32, #tpu.memory_space<hbm>>) target(%arg17 : memref<128xi32, #tpu.memory_space<vmem>>) target_semaphore(%run_scoped3A : memref<!tpu.dma_semaphore, #tpu.memory_space<semaphore_mem>>)
      %dma_wait3A_79 = tpu.memref_slice %arg3[%add3A_10] : memref<8192xi32, #tpu.memory_space<hbm>> -> memref<128xi32, #tpu.memory_space<hbm>>
      %dma_wait3A_80 = tpu.memref_slice %arg3[%add3A_10] : memref<8192xi32, #tpu.memory_space<hbm>> -> memref<128xi32, #tpu.memory_space<hbm>>
      tpu.wait_dma2 semaphore(%run_scoped3A : memref<!tpu.dma_semaphore, #tpu.memory_space<semaphore_mem>>) src(%dma_wait3A_80 : memref<128xi32, #tpu.memory_space<hbm>>) dst(%arg17 : memref<128xi32, #tpu.memory_space<vmem>>)
      tpu.yield
    }) : () -> ()
    %dma_start3A_11 = arith.constant 0 : i32
    %dma_start3A_12 = arith.constant 0 : i32
    %dma_start3A_13 = tpu.memref_slice %arg2[%dma_start3A_11, %dma_start3A_12] : memref<8192x128xf32, #tpu.memory_space<hbm>> -> memref<8192x128xf32, #tpu.memory_space<hbm>>
    tpu.enqueue_indirect_dma source(%dma_start3A_13 : memref<8192x128xf32, #tpu.memory_space<hbm>>) target(%arg18 : memref<128x128xf32, #tpu.memory_space<vmem>>) offsets(%arg17 : memref<128xi32, #tpu.memory_space<vmem>>) semaphore(%arg19 : memref<!tpu.dma_semaphore, #tpu.memory_space<semaphore_mem>>)
    %add3A_14 = arith.constant 128 : i32
    %add3A_15 = arith.addi %mul3A_2, %add3A_14 : i32
    %mul3A_16 = arith.constant 256 : i32
    %mul3A_17 = arith.muli %add3A, %mul3A_16 : i32
    %add3A_18 = arith.constant 0 : i32
    %add3A_19 = arith.addi %mul3A_17, %add3A_18 : i32
    "tpu.region"() ({
      %run_scoped3A = tpu.sem_alloc : memref<!tpu.dma_semaphore, #tpu.memory_space<semaphore_mem>>
      %dma_start3A_77 = tpu.memref_slice %arg5[%add3A_19] : memref<8192xi32, #tpu.memory_space<hbm>> -> memref<128xi32, #tpu.memory_space<hbm>>
      %dma_start3A_78 = tpu.memref_slice %arg5[%add3A_19] : memref<8192xi32, #tpu.memory_space<hbm>> -> memref<128xi32, #tpu.memory_space<hbm>>
      tpu.enqueue_dma source(%dma_start3A_78 : memref<128xi32, #tpu.memory_space<hbm>>) target(%arg20 : memref<128xi32, #tpu.memory_space<vmem>>) target_semaphore(%run_scoped3A : memref<!tpu.dma_semaphore, #tpu.memory_space<semaphore_mem>>)
      %dma_wait3A_79 = tpu.memref_slice %arg5[%add3A_19] : memref<8192xi32, #tpu.memory_space<hbm>> -> memref<128xi32, #tpu.memory_space<hbm>>
      %dma_wait3A_80 = tpu.memref_slice %arg5[%add3A_19] : memref<8192xi32, #tpu.memory_space<hbm>> -> memref<128xi32, #tpu.memory_space<hbm>>
      tpu.wait_dma2 semaphore(%run_scoped3A : memref<!tpu.dma_semaphore, #tpu.memory_space<semaphore_mem>>) src(%dma_wait3A_80 : memref<128xi32, #tpu.memory_space<hbm>>) dst(%arg20 : memref<128xi32, #tpu.memory_space<vmem>>)
      tpu.yield
    }) : () -> ()
    %dma_start3A_20 = arith.constant 0 : i32
    %dma_start3A_21 = arith.constant 0 : i32
    %dma_start3A_22 = tpu.memref_slice %arg4[%dma_start3A_20, %dma_start3A_21] : memref<8192x128xf32, #tpu.memory_space<hbm>> -> memref<8192x128xf32, #tpu.memory_space<hbm>>
    tpu.enqueue_indirect_dma source(%dma_start3A_22 : memref<8192x128xf32, #tpu.memory_space<hbm>>) target(%arg21 : memref<128x128xf32, #tpu.memory_space<vmem>>) offsets(%arg20 : memref<128xi32, #tpu.memory_space<vmem>>) semaphore(%arg22 : memref<!tpu.dma_semaphore, #tpu.memory_space<semaphore_mem>>)
    %add3A_23 = arith.constant 0 : i32
    %add3A_24 = arith.addi %mul3A_17, %add3A_23 : i32
    %add3A_25 = arith.constant 128 : i32
    %add3A_26 = arith.addi %mul3A_17, %add3A_25 : i32
    "tpu.region"() ({
      %run_scoped3A = tpu.sem_alloc : memref<!tpu.dma_semaphore, #tpu.memory_space<semaphore_mem>>
      %dma_start3A_77 = tpu.memref_slice %arg5[%add3A_26] : memref<8192xi32, #tpu.memory_space<hbm>> -> memref<128xi32, #tpu.memory_space<hbm>>
      %dma_start3A_78 = tpu.memref_slice %arg5[%add3A_26] : memref<8192xi32, #tpu.memory_space<hbm>> -> memref<128xi32, #tpu.memory_space<hbm>>
      tpu.enqueue_dma source(%dma_start3A_78 : memref<128xi32, #tpu.memory_space<hbm>>) target(%arg23 : memref<128xi32, #tpu.memory_space<vmem>>) target_semaphore(%run_scoped3A : memref<!tpu.dma_semaphore, #tpu.memory_space<semaphore_mem>>)
      %dma_wait3A_79 = tpu.memref_slice %arg5[%add3A_26] : memref<8192xi32, #tpu.memory_space<hbm>> -> memref<128xi32, #tpu.memory_space<hbm>>
      %dma_wait3A_80 = tpu.memref_slice %arg5[%add3A_26] : memref<8192xi32, #tpu.memory_space<hbm>> -> memref<128xi32, #tpu.memory_space<hbm>>
      tpu.wait_dma2 semaphore(%run_scoped3A : memref<!tpu.dma_semaphore, #tpu.memory_space<semaphore_mem>>) src(%dma_wait3A_80 : memref<128xi32, #tpu.memory_space<hbm>>) dst(%arg23 : memref<128xi32, #tpu.memory_space<vmem>>)
      tpu.yield
    }) : () -> ()
    %dma_start3A_27 = arith.constant 0 : i32
    %dma_start3A_28 = arith.constant 0 : i32
    %dma_start3A_29 = tpu.memref_slice %arg4[%dma_start3A_27, %dma_start3A_28] : memref<8192x128xf32, #tpu.memory_space<hbm>> -> memref<8192x128xf32, #tpu.memory_space<hbm>>
    tpu.enqueue_indirect_dma source(%dma_start3A_29 : memref<8192x128xf32, #tpu.memory_space<hbm>>) target(%arg24 : memref<128x128xf32, #tpu.memory_space<vmem>>) offsets(%arg23 : memref<128xi32, #tpu.memory_space<vmem>>) semaphore(%arg25 : memref<!tpu.dma_semaphore, #tpu.memory_space<semaphore_mem>>)
    %add3A_30 = arith.constant 128 : i32
    %add3A_31 = arith.addi %mul3A_17, %add3A_30 : i32
    %mul3A_32 = arith.constant 256 : i32
    %mul3A_33 = arith.muli %add3A, %mul3A_32 : i32
    %add3A_34 = arith.constant 0 : i32
    %add3A_35 = arith.addi %mul3A_33, %add3A_34 : i32
    "tpu.region"() ({
      %run_scoped3A = tpu.sem_alloc : memref<!tpu.dma_semaphore, #tpu.memory_space<semaphore_mem>>
      %dma_start3A_77 = tpu.memref_slice %arg7[%add3A_35] : memref<8192xi32, #tpu.memory_space<hbm>> -> memref<128xi32, #tpu.memory_space<hbm>>
      %dma_start3A_78 = tpu.memref_slice %arg7[%add3A_35] : memref<8192xi32, #tpu.memory_space<hbm>> -> memref<128xi32, #tpu.memory_space<hbm>>
      tpu.enqueue_dma source(%dma_start3A_78 : memref<128xi32, #tpu.memory_space<hbm>>) target(%arg26 : memref<128xi32, #tpu.memory_space<vmem>>) target_semaphore(%run_scoped3A : memref<!tpu.dma_semaphore, #tpu.memory_space<semaphore_mem>>)
      %dma_wait3A_79 = tpu.memref_slice %arg7[%add3A_35] : memref<8192xi32, #tpu.memory_space<hbm>> -> memref<128xi32, #tpu.memory_space<hbm>>
      %dma_wait3A_80 = tpu.memref_slice %arg7[%add3A_35] : memref<8192xi32, #tpu.memory_space<hbm>> -> memref<128xi32, #tpu.memory_space<hbm>>
      tpu.wait_dma2 semaphore(%run_scoped3A : memref<!tpu.dma_semaphore, #tpu.memory_space<semaphore_mem>>) src(%dma_wait3A_80 : memref<128xi32, #tpu.memory_space<hbm>>) dst(%arg26 : memref<128xi32, #tpu.memory_space<vmem>>)
      tpu.yield
    }) : () -> ()
    %dma_start3A_36 = arith.constant 0 : i32
    %dma_start3A_37 = arith.constant 0 : i32
    %dma_start3A_38 = tpu.memref_slice %arg6[%dma_start3A_36, %dma_start3A_37] : memref<8192x128xf32, #tpu.memory_space<hbm>> -> memref<8192x128xf32, #tpu.memory_space<hbm>>
    tpu.enqueue_indirect_dma source(%dma_start3A_38 : memref<8192x128xf32, #tpu.memory_space<hbm>>) target(%arg27 : memref<128x128xf32, #tpu.memory_space<vmem>>) offsets(%arg26 : memref<128xi32, #tpu.memory_space<vmem>>) semaphore(%arg28 : memref<!tpu.dma_semaphore, #tpu.memory_space<semaphore_mem>>)
    %add3A_39 = arith.constant 0 : i32
    %add3A_40 = arith.addi %mul3A_33, %add3A_39 : i32
    %add3A_41 = arith.constant 128 : i32
    %add3A_42 = arith.addi %mul3A_33, %add3A_41 : i32
    "tpu.region"() ({
      %run_scoped3A = tpu.sem_alloc : memref<!tpu.dma_semaphore, #tpu.memory_space<semaphore_mem>>
      %dma_start3A_77 = tpu.memref_slice %arg7[%add3A_42] : memref<8192xi32, #tpu.memory_space<hbm>> -> memref<128xi32, #tpu.memory_space<hbm>>
      %dma_start3A_78 = tpu.memref_slice %arg7[%add3A_42] : memref<8192xi32, #tpu.memory_space<hbm>> -> memref<128xi32, #tpu.memory_space<hbm>>
      tpu.enqueue_dma source(%dma_start3A_78 : memref<128xi32, #tpu.memory_space<hbm>>) target(%arg29 : memref<128xi32, #tpu.memory_space<vmem>>) target_semaphore(%run_scoped3A : memref<!tpu.dma_semaphore, #tpu.memory_space<semaphore_mem>>)
      %dma_wait3A_79 = tpu.memref_slice %arg7[%add3A_42] : memref<8192xi32, #tpu.memory_space<hbm>> -> memref<128xi32, #tpu.memory_space<hbm>>
      %dma_wait3A_80 = tpu.memref_slice %arg7[%add3A_42] : memref<8192xi32, #tpu.memory_space<hbm>> -> memref<128xi32, #tpu.memory_space<hbm>>
      tpu.wait_dma2 semaphore(%run_scoped3A : memref<!tpu.dma_semaphore, #tpu.memory_space<semaphore_mem>>) src(%dma_wait3A_80 : memref<128xi32, #tpu.memory_space<hbm>>) dst(%arg29 : memref<128xi32, #tpu.memory_space<vmem>>)
      tpu.yield
    }) : () -> ()
    %dma_start3A_43 = arith.constant 0 : i32
    %dma_start3A_44 = arith.constant 0 : i32
    %dma_start3A_45 = tpu.memref_slice %arg6[%dma_start3A_43, %dma_start3A_44] : memref<8192x128xf32, #tpu.memory_space<hbm>> -> memref<8192x128xf32, #tpu.memory_space<hbm>>
    tpu.enqueue_indirect_dma source(%dma_start3A_45 : memref<8192x128xf32, #tpu.memory_space<hbm>>) target(%arg30 : memref<128x128xf32, #tpu.memory_space<vmem>>) offsets(%arg29 : memref<128xi32, #tpu.memory_space<vmem>>) semaphore(%arg31 : memref<!tpu.dma_semaphore, #tpu.memory_space<semaphore_mem>>)
    %add3A_46 = arith.constant 128 : i32
    %add3A_47 = arith.addi %mul3A_33, %add3A_46 : i32
    %mul3A_48 = arith.constant 64 : i32
    %mul3A_49 = arith.muli %add3A, %mul3A_48 : i32
    %add3A_50 = arith.constant 0 : i32
    %add3A_51 = arith.addi %mul3A_49, %add3A_50 : i32
    "tpu.region"() ({
      %run_scoped3A = tpu.sem_alloc : memref<!tpu.dma_semaphore, #tpu.memory_space<semaphore_mem>>
      %dma_start3A_77 = tpu.memref_slice %arg9[%add3A_51] : memref<2048xi32, #tpu.memory_space<hbm>> -> memref<64xi32, #tpu.memory_space<hbm>>
      %dma_start3A_78 = tpu.memref_slice %arg9[%add3A_51] : memref<2048xi32, #tpu.memory_space<hbm>> -> memref<64xi32, #tpu.memory_space<hbm>>
      tpu.enqueue_dma source(%dma_start3A_78 : memref<64xi32, #tpu.memory_space<hbm>>) target(%arg32 : memref<64xi32, #tpu.memory_space<vmem>>) target_semaphore(%run_scoped3A : memref<!tpu.dma_semaphore, #tpu.memory_space<semaphore_mem>>)
      %dma_wait3A_79 = tpu.memref_slice %arg9[%add3A_51] : memref<2048xi32, #tpu.memory_space<hbm>> -> memref<64xi32, #tpu.memory_space<hbm>>
      %dma_wait3A_80 = tpu.memref_slice %arg9[%add3A_51] : memref<2048xi32, #tpu.memory_space<hbm>> -> memref<64xi32, #tpu.memory_space<hbm>>
      tpu.wait_dma2 semaphore(%run_scoped3A : memref<!tpu.dma_semaphore, #tpu.memory_space<semaphore_mem>>) src(%dma_wait3A_80 : memref<64xi32, #tpu.memory_space<hbm>>) dst(%arg32 : memref<64xi32, #tpu.memory_space<vmem>>)
      tpu.yield
    }) : () -> ()
    %dma_start3A_52 = arith.constant 0 : i32
    %dma_start3A_53 = arith.constant 0 : i32
    %dma_start3A_54 = tpu.memref_slice %arg8[%dma_start3A_52, %dma_start3A_53] : memref<8192x128xf32, #tpu.memory_space<hbm>> -> memref<8192x128xf32, #tpu.memory_space<hbm>>
    tpu.enqueue_indirect_dma source(%dma_start3A_54 : memref<8192x128xf32, #tpu.memory_space<hbm>>) target(%arg33 : memref<64x128xf32, #tpu.memory_space<vmem>>) offsets(%arg32 : memref<64xi32, #tpu.memory_space<vmem>>) semaphore(%arg34 : memref<!tpu.dma_semaphore, #tpu.memory_space<semaphore_mem>>)
    %add3A_55 = arith.constant 0 : i32
    %add3A_56 = arith.addi %mul3A_49, %add3A_55 : i32
    %dma_wait3A = arith.constant 0 : i32
    %dma_wait3A_57 = arith.constant 0 : i32
    %dma_wait3A_58 = tpu.memref_slice %arg2[%dma_wait3A, %dma_wait3A_57] : memref<8192x128xf32, #tpu.memory_space<hbm>> -> memref<8192x128xf32, #tpu.memory_space<hbm>>
    tpu.wait_indirect_dma semaphore(%arg16 : memref<!tpu.dma_semaphore, #tpu.memory_space<semaphore_mem>>) src(%dma_wait3A_58 : memref<8192x128xf32, #tpu.memory_space<hbm>>) dst(%arg15 : memref<128x128xf32, #tpu.memory_space<vmem>>)
    "tpu.region"() ({
      %run_scoped3A = tpu.sem_alloc : memref<!tpu.dma_semaphore, #tpu.memory_space<semaphore_mem>>
      %dma_start3A_77 = arith.constant 0 : i32
      %dma_start3A_78 = tpu.memref_slice %arg10[%add3A_8, %dma_start3A_77] : memref<8192x128xf32, #tpu.memory_space<hbm>> -> memref<128x128xf32, #tpu.memory_space<hbm>>
      %dma_start3A_79 = arith.constant 0 : i32
      %dma_start3A_80 = tpu.memref_slice %arg10[%add3A_8, %dma_start3A_79] : memref<8192x128xf32, #tpu.memory_space<hbm>> -> memref<128x128xf32, #tpu.memory_space<hbm>>
      tpu.enqueue_dma source(%arg15 : memref<128x128xf32, #tpu.memory_space<vmem>>) target(%dma_start3A_80 : memref<128x128xf32, #tpu.memory_space<hbm>>) target_semaphore(%run_scoped3A : memref<!tpu.dma_semaphore, #tpu.memory_space<semaphore_mem>>)
      %dma_wait3A_81 = arith.constant 0 : i32
      %dma_wait3A_82 = tpu.memref_slice %arg10[%add3A_8, %dma_wait3A_81] : memref<8192x128xf32, #tpu.memory_space<hbm>> -> memref<128x128xf32, #tpu.memory_space<hbm>>
      %dma_wait3A_83 = arith.constant 0 : i32
      %dma_wait3A_84 = tpu.memref_slice %arg10[%add3A_8, %dma_wait3A_83] : memref<8192x128xf32, #tpu.memory_space<hbm>> -> memref<128x128xf32, #tpu.memory_space<hbm>>
      tpu.wait_dma2 semaphore(%run_scoped3A : memref<!tpu.dma_semaphore, #tpu.memory_space<semaphore_mem>>) src(%arg15 : memref<128x128xf32, #tpu.memory_space<vmem>>) dst(%dma_wait3A_84 : memref<128x128xf32, #tpu.memory_space<hbm>>)
      tpu.yield
    }) : () -> ()
    %dma_wait3A_59 = arith.constant 0 : i32
    %dma_wait3A_60 = arith.constant 0 : i32
    %dma_wait3A_61 = tpu.memref_slice %arg2[%dma_wait3A_59, %dma_wait3A_60] : memref<8192x128xf32, #tpu.memory_space<hbm>> -> memref<8192x128xf32, #tpu.memory_space<hbm>>
    tpu.wait_indirect_dma semaphore(%arg19 : memref<!tpu.dma_semaphore, #tpu.memory_space<semaphore_mem>>) src(%dma_wait3A_61 : memref<8192x128xf32, #tpu.memory_space<hbm>>) dst(%arg18 : memref<128x128xf32, #tpu.memory_space<vmem>>)
    "tpu.region"() ({
      %run_scoped3A = tpu.sem_alloc : memref<!tpu.dma_semaphore, #tpu.memory_space<semaphore_mem>>
      %dma_start3A_77 = arith.constant 0 : i32
      %dma_start3A_78 = tpu.memref_slice %arg10[%add3A_15, %dma_start3A_77] : memref<8192x128xf32, #tpu.memory_space<hbm>> -> memref<128x128xf32, #tpu.memory_space<hbm>>
      %dma_start3A_79 = arith.constant 0 : i32
      %dma_start3A_80 = tpu.memref_slice %arg10[%add3A_15, %dma_start3A_79] : memref<8192x128xf32, #tpu.memory_space<hbm>> -> memref<128x128xf32, #tpu.memory_space<hbm>>
      tpu.enqueue_dma source(%arg18 : memref<128x128xf32, #tpu.memory_space<vmem>>) target(%dma_start3A_80 : memref<128x128xf32, #tpu.memory_space<hbm>>) target_semaphore(%run_scoped3A : memref<!tpu.dma_semaphore, #tpu.memory_space<semaphore_mem>>)
      %dma_wait3A_81 = arith.constant 0 : i32
      %dma_wait3A_82 = tpu.memref_slice %arg10[%add3A_15, %dma_wait3A_81] : memref<8192x128xf32, #tpu.memory_space<hbm>> -> memref<128x128xf32, #tpu.memory_space<hbm>>
      %dma_wait3A_83 = arith.constant 0 : i32
      %dma_wait3A_84 = tpu.memref_slice %arg10[%add3A_15, %dma_wait3A_83] : memref<8192x128xf32, #tpu.memory_space<hbm>> -> memref<128x128xf32, #tpu.memory_space<hbm>>
      tpu.wait_dma2 semaphore(%run_scoped3A : memref<!tpu.dma_semaphore, #tpu.memory_space<semaphore_mem>>) src(%arg18 : memref<128x128xf32, #tpu.memory_space<vmem>>) dst(%dma_wait3A_84 : memref<128x128xf32, #tpu.memory_space<hbm>>)
      tpu.yield
    }) : () -> ()
    %dma_wait3A_62 = arith.constant 0 : i32
    %dma_wait3A_63 = arith.constant 0 : i32
    %dma_wait3A_64 = tpu.memref_slice %arg4[%dma_wait3A_62, %dma_wait3A_63] : memref<8192x128xf32, #tpu.memory_space<hbm>> -> memref<8192x128xf32, #tpu.memory_space<hbm>>
    tpu.wait_indirect_dma semaphore(%arg22 : memref<!tpu.dma_semaphore, #tpu.memory_space<semaphore_mem>>) src(%dma_wait3A_64 : memref<8192x128xf32, #tpu.memory_space<hbm>>) dst(%arg21 : memref<128x128xf32, #tpu.memory_space<vmem>>)
    "tpu.region"() ({
      %run_scoped3A = tpu.sem_alloc : memref<!tpu.dma_semaphore, #tpu.memory_space<semaphore_mem>>
      %dma_start3A_77 = arith.constant 0 : i32
      %dma_start3A_78 = tpu.memref_slice %arg11[%add3A_24, %dma_start3A_77] : memref<8192x128xf32, #tpu.memory_space<hbm>> -> memref<128x128xf32, #tpu.memory_space<hbm>>
      %dma_start3A_79 = arith.constant 0 : i32
      %dma_start3A_80 = tpu.memref_slice %arg11[%add3A_24, %dma_start3A_79] : memref<8192x128xf32, #tpu.memory_space<hbm>> -> memref<128x128xf32, #tpu.memory_space<hbm>>
      tpu.enqueue_dma source(%arg21 : memref<128x128xf32, #tpu.memory_space<vmem>>) target(%dma_start3A_80 : memref<128x128xf32, #tpu.memory_space<hbm>>) target_semaphore(%run_scoped3A : memref<!tpu.dma_semaphore, #tpu.memory_space<semaphore_mem>>)
      %dma_wait3A_81 = arith.constant 0 : i32
      %dma_wait3A_82 = tpu.memref_slice %arg11[%add3A_24, %dma_wait3A_81] : memref<8192x128xf32, #tpu.memory_space<hbm>> -> memref<128x128xf32, #tpu.memory_space<hbm>>
      %dma_wait3A_83 = arith.constant 0 : i32
      %dma_wait3A_84 = tpu.memref_slice %arg11[%add3A_24, %dma_wait3A_83] : memref<8192x128xf32, #tpu.memory_space<hbm>> -> memref<128x128xf32, #tpu.memory_space<hbm>>
      tpu.wait_dma2 semaphore(%run_scoped3A : memref<!tpu.dma_semaphore, #tpu.memory_space<semaphore_mem>>) src(%arg21 : memref<128x128xf32, #tpu.memory_space<vmem>>) dst(%dma_wait3A_84 : memref<128x128xf32, #tpu.memory_space<hbm>>)
      tpu.yield
    }) : () -> ()
    %dma_wait3A_65 = arith.constant 0 : i32
    %dma_wait3A_66 = arith.constant 0 : i32
    %dma_wait3A_67 = tpu.memref_slice %arg4[%dma_wait3A_65, %dma_wait3A_66] : memref<8192x128xf32, #tpu.memory_space<hbm>> -> memref<8192x128xf32, #tpu.memory_space<hbm>>
    tpu.wait_indirect_dma semaphore(%arg25 : memref<!tpu.dma_semaphore, #tpu.memory_space<semaphore_mem>>) src(%dma_wait3A_67 : memref<8192x128xf32, #tpu.memory_space<hbm>>) dst(%arg24 : memref<128x128xf32, #tpu.memory_space<vmem>>)
    "tpu.region"() ({
      %run_scoped3A = tpu.sem_alloc : memref<!tpu.dma_semaphore, #tpu.memory_space<semaphore_mem>>
      %dma_start3A_77 = arith.constant 0 : i32
      %dma_start3A_78 = tpu.memref_slice %arg11[%add3A_31, %dma_start3A_77] : memref<8192x128xf32, #tpu.memory_space<hbm>> -> memref<128x128xf32, #tpu.memory_space<hbm>>
      %dma_start3A_79 = arith.constant 0 : i32
      %dma_start3A_80 = tpu.memref_slice %arg11[%add3A_31, %dma_start3A_79] : memref<8192x128xf32, #tpu.memory_space<hbm>> -> memref<128x128xf32, #tpu.memory_space<hbm>>
      tpu.enqueue_dma source(%arg24 : memref<128x128xf32, #tpu.memory_space<vmem>>) target(%dma_start3A_80 : memref<128x128xf32, #tpu.memory_space<hbm>>) target_semaphore(%run_scoped3A : memref<!tpu.dma_semaphore, #tpu.memory_space<semaphore_mem>>)
      %dma_wait3A_81 = arith.constant 0 : i32
      %dma_wait3A_82 = tpu.memref_slice %arg11[%add3A_31, %dma_wait3A_81] : memref<8192x128xf32, #tpu.memory_space<hbm>> -> memref<128x128xf32, #tpu.memory_space<hbm>>
      %dma_wait3A_83 = arith.constant 0 : i32
      %dma_wait3A_84 = tpu.memref_slice %arg11[%add3A_31, %dma_wait3A_83] : memref<8192x128xf32, #tpu.memory_space<hbm>> -> memref<128x128xf32, #tpu.memory_space<hbm>>
      tpu.wait_dma2 semaphore(%run_scoped3A : memref<!tpu.dma_semaphore, #tpu.memory_space<semaphore_mem>>) src(%arg24 : memref<128x128xf32, #tpu.memory_space<vmem>>) dst(%dma_wait3A_84 : memref<128x128xf32, #tpu.memory_space<hbm>>)
      tpu.yield
    }) : () -> ()
    %dma_wait3A_68 = arith.constant 0 : i32
    %dma_wait3A_69 = arith.constant 0 : i32
    %dma_wait3A_70 = tpu.memref_slice %arg6[%dma_wait3A_68, %dma_wait3A_69] : memref<8192x128xf32, #tpu.memory_space<hbm>> -> memref<8192x128xf32, #tpu.memory_space<hbm>>
    tpu.wait_indirect_dma semaphore(%arg28 : memref<!tpu.dma_semaphore, #tpu.memory_space<semaphore_mem>>) src(%dma_wait3A_70 : memref<8192x128xf32, #tpu.memory_space<hbm>>) dst(%arg27 : memref<128x128xf32, #tpu.memory_space<vmem>>)
    "tpu.region"() ({
      %run_scoped3A = tpu.sem_alloc : memref<!tpu.dma_semaphore, #tpu.memory_space<semaphore_mem>>
      %dma_start3A_77 = arith.constant 0 : i32
      %dma_start3A_78 = tpu.memref_slice %arg12[%add3A_40, %dma_start3A_77] : memref<8192x128xf32, #tpu.memory_space<hbm>> -> memref<128x128xf32, #tpu.memory_space<hbm>>
      %dma_start3A_79 = arith.constant 0 : i32
      %dma_start3A_80 = tpu.memref_slice %arg12[%add3A_40, %dma_start3A_79] : memref<8192x128xf32, #tpu.memory_space<hbm>> -> memref<128x128xf32, #tpu.memory_space<hbm>>
      tpu.enqueue_dma source(%arg27 : memref<128x128xf32, #tpu.memory_space<vmem>>) target(%dma_start3A_80 : memref<128x128xf32, #tpu.memory_space<hbm>>) target_semaphore(%run_scoped3A : memref<!tpu.dma_semaphore, #tpu.memory_space<semaphore_mem>>)
      %dma_wait3A_81 = arith.constant 0 : i32
      %dma_wait3A_82 = tpu.memref_slice %arg12[%add3A_40, %dma_wait3A_81] : memref<8192x128xf32, #tpu.memory_space<hbm>> -> memref<128x128xf32, #tpu.memory_space<hbm>>
      %dma_wait3A_83 = arith.constant 0 : i32
      %dma_wait3A_84 = tpu.memref_slice %arg12[%add3A_40, %dma_wait3A_83] : memref<8192x128xf32, #tpu.memory_space<hbm>> -> memref<128x128xf32, #tpu.memory_space<hbm>>
      tpu.wait_dma2 semaphore(%run_scoped3A : memref<!tpu.dma_semaphore, #tpu.memory_space<semaphore_mem>>) src(%arg27 : memref<128x128xf32, #tpu.memory_space<vmem>>) dst(%dma_wait3A_84 : memref<128x128xf32, #tpu.memory_space<hbm>>)
      tpu.yield
    }) : () -> ()
    %dma_wait3A_71 = arith.constant 0 : i32
    %dma_wait3A_72 = arith.constant 0 : i32
    %dma_wait3A_73 = tpu.memref_slice %arg6[%dma_wait3A_71, %dma_wait3A_72] : memref<8192x128xf32, #tpu.memory_space<hbm>> -> memref<8192x128xf32, #tpu.memory_space<hbm>>
    tpu.wait_indirect_dma semaphore(%arg31 : memref<!tpu.dma_semaphore, #tpu.memory_space<semaphore_mem>>) src(%dma_wait3A_73 : memref<8192x128xf32, #tpu.memory_space<hbm>>) dst(%arg30 : memref<128x128xf32, #tpu.memory_space<vmem>>)
    "tpu.region"() ({
      %run_scoped3A = tpu.sem_alloc : memref<!tpu.dma_semaphore, #tpu.memory_space<semaphore_mem>>
      %dma_start3A_77 = arith.constant 0 : i32
      %dma_start3A_78 = tpu.memref_slice %arg12[%add3A_47, %dma_start3A_77] : memref<8192x128xf32, #tpu.memory_space<hbm>> -> memref<128x128xf32, #tpu.memory_space<hbm>>
      %dma_start3A_79 = arith.constant 0 : i32
      %dma_start3A_80 = tpu.memref_slice %arg12[%add3A_47, %dma_start3A_79] : memref<8192x128xf32, #tpu.memory_space<hbm>> -> memref<128x128xf32, #tpu.memory_space<hbm>>
      tpu.enqueue_dma source(%arg30 : memref<128x128xf32, #tpu.memory_space<vmem>>) target(%dma_start3A_80 : memref<128x128xf32, #tpu.memory_space<hbm>>) target_semaphore(%run_scoped3A : memref<!tpu.dma_semaphore, #tpu.memory_space<semaphore_mem>>)
      %dma_wait3A_81 = arith.constant 0 : i32
      %dma_wait3A_82 = tpu.memref_slice %arg12[%add3A_47, %dma_wait3A_81] : memref<8192x128xf32, #tpu.memory_space<hbm>> -> memref<128x128xf32, #tpu.memory_space<hbm>>
      %dma_wait3A_83 = arith.constant 0 : i32
      %dma_wait3A_84 = tpu.memref_slice %arg12[%add3A_47, %dma_wait3A_83] : memref<8192x128xf32, #tpu.memory_space<hbm>> -> memref<128x128xf32, #tpu.memory_space<hbm>>
      tpu.wait_dma2 semaphore(%run_scoped3A : memref<!tpu.dma_semaphore, #tpu.memory_space<semaphore_mem>>) src(%arg30 : memref<128x128xf32, #tpu.memory_space<vmem>>) dst(%dma_wait3A_84 : memref<128x128xf32, #tpu.memory_space<hbm>>)
      tpu.yield
    }) : () -> ()
    %dma_wait3A_74 = arith.constant 0 : i32
    %dma_wait3A_75 = arith.constant 0 : i32
    %dma_wait3A_76 = tpu.memref_slice %arg8[%dma_wait3A_74, %dma_wait3A_75] : memref<8192x128xf32, #tpu.memory_space<hbm>> -> memref<8192x128xf32, #tpu.memory_space<hbm>>
    tpu.wait_indirect_dma semaphore(%arg34 : memref<!tpu.dma_semaphore, #tpu.memory_space<semaphore_mem>>) src(%dma_wait3A_76 : memref<8192x128xf32, #tpu.memory_space<hbm>>) dst(%arg33 : memref<64x128xf32, #tpu.memory_space<vmem>>)
    "tpu.region"() ({
      %run_scoped3A = tpu.sem_alloc : memref<!tpu.dma_semaphore, #tpu.memory_space<semaphore_mem>>
      %dma_start3A_77 = arith.constant 0 : i32
      %dma_start3A_78 = tpu.memref_slice %arg13[%add3A_56, %dma_start3A_77] : memref<2048x128xf32, #tpu.memory_space<hbm>> -> memref<64x128xf32, #tpu.memory_space<hbm>>
      %dma_start3A_79 = arith.constant 0 : i32
      %dma_start3A_80 = tpu.memref_slice %arg13[%add3A_56, %dma_start3A_79] : memref<2048x128xf32, #tpu.memory_space<hbm>> -> memref<64x128xf32, #tpu.memory_space<hbm>>
      tpu.enqueue_dma source(%arg33 : memref<64x128xf32, #tpu.memory_space<vmem>>) target(%dma_start3A_80 : memref<64x128xf32, #tpu.memory_space<hbm>>) target_semaphore(%run_scoped3A : memref<!tpu.dma_semaphore, #tpu.memory_space<semaphore_mem>>)
      %dma_wait3A_81 = arith.constant 0 : i32
      %dma_wait3A_82 = tpu.memref_slice %arg13[%add3A_56, %dma_wait3A_81] : memref<2048x128xf32, #tpu.memory_space<hbm>> -> memref<64x128xf32, #tpu.memory_space<hbm>>
      %dma_wait3A_83 = arith.constant 0 : i32
      %dma_wait3A_84 = tpu.memref_slice %arg13[%add3A_56, %dma_wait3A_83] : memref<2048x128xf32, #tpu.memory_space<hbm>> -> memref<64x128xf32, #tpu.memory_space<hbm>>
      tpu.wait_dma2 semaphore(%run_scoped3A : memref<!tpu.dma_semaphore, #tpu.memory_space<semaphore_mem>>) src(%arg33 : memref<64x128xf32, #tpu.memory_space<vmem>>) dst(%dma_wait3A_84 : memref<64x128xf32, #tpu.memory_space<hbm>>)
      tpu.yield
    }) : () -> ()
    return
  }
}

#map = affine_map<(d0, d1) -> (0, 0)>
#map1 = affine_map<(d0, d1) -> (0)>
module attributes {stable_mosaic.version = 14 : i64} {
  func.func @body(%arg0: i32, %arg1: i32, %arg2: memref<8192x128xf32, #tpu.memory_space<hbm>>, %arg3: memref<8192xi32, #tpu.memory_space<hbm>>, %arg4: memref<8192x128xf32, #tpu.memory_space<hbm>>, %arg5: memref<128xi32, #tpu.memory_space<vmem>>, %arg6: memref<128x128xf32, #tpu.memory_space<vmem>>, %arg7: memref<!tpu.dma_semaphore, #tpu.memory_space<semaphore_mem>>, %arg8: memref<128xi32, #tpu.memory_space<vmem>>, %arg9: memref<128x128xf32, #tpu.memory_space<vmem>>, %arg10: memref<!tpu.dma_semaphore, #tpu.memory_space<semaphore_mem>>) attributes {dimension_semantics = [#tpu.dimension_semantics<core_parallel>, #tpu.dimension_semantics<subcore_parallel>], iteration_bounds = array<i64: 2, 16>, scalar_prefetch = 0 : i64, scratch_operands = 6 : i64, tpu.core_type = #tpu.core_type<sc_vector_subcore>, window_params = [{transform_indices = #map}, {transform_indices = #map1}, {transform_indices = #map}]} {
    %mul3A = arith.constant 2 : i32
    %mul3A_0 = arith.muli %arg1, %mul3A : i32
    %add3A = arith.addi %mul3A_0, %arg0 : i32
    %mul3A_1 = arith.constant 256 : i32
    %mul3A_2 = arith.muli %add3A, %mul3A_1 : i32
    %add3A_3 = arith.constant 0 : i32
    %add3A_4 = arith.addi %mul3A_2, %add3A_3 : i32
    "tpu.region"() ({
      %run_scoped3A = tpu.sem_alloc : memref<!tpu.dma_semaphore, #tpu.memory_space<semaphore_mem>>
      %dma_start3A_21 = tpu.memref_slice %arg3[%add3A_4] : memref<8192xi32, #tpu.memory_space<hbm>> -> memref<128xi32, #tpu.memory_space<hbm>>
      %dma_start3A_22 = tpu.memref_slice %arg3[%add3A_4] : memref<8192xi32, #tpu.memory_space<hbm>> -> memref<128xi32, #tpu.memory_space<hbm>>
      tpu.enqueue_dma source(%dma_start3A_22 : memref<128xi32, #tpu.memory_space<hbm>>) target(%arg5 : memref<128xi32, #tpu.memory_space<vmem>>) target_semaphore(%run_scoped3A : memref<!tpu.dma_semaphore, #tpu.memory_space<semaphore_mem>>)
      %dma_wait3A_23 = tpu.memref_slice %arg3[%add3A_4] : memref<8192xi32, #tpu.memory_space<hbm>> -> memref<128xi32, #tpu.memory_space<hbm>>
      %dma_wait3A_24 = tpu.memref_slice %arg3[%add3A_4] : memref<8192xi32, #tpu.memory_space<hbm>> -> memref<128xi32, #tpu.memory_space<hbm>>
      tpu.wait_dma2 semaphore(%run_scoped3A : memref<!tpu.dma_semaphore, #tpu.memory_space<semaphore_mem>>) src(%dma_wait3A_24 : memref<128xi32, #tpu.memory_space<hbm>>) dst(%arg5 : memref<128xi32, #tpu.memory_space<vmem>>)
      tpu.yield
    }) : () -> ()
    %dma_start3A = arith.constant 0 : i32
    %dma_start3A_5 = arith.constant 0 : i32
    %dma_start3A_6 = tpu.memref_slice %arg2[%dma_start3A, %dma_start3A_5] : memref<8192x128xf32, #tpu.memory_space<hbm>> -> memref<8192x128xf32, #tpu.memory_space<hbm>>
    tpu.enqueue_indirect_dma source(%dma_start3A_6 : memref<8192x128xf32, #tpu.memory_space<hbm>>) target(%arg6 : memref<128x128xf32, #tpu.memory_space<vmem>>) offsets(%arg5 : memref<128xi32, #tpu.memory_space<vmem>>) semaphore(%arg7 : memref<!tpu.dma_semaphore, #tpu.memory_space<semaphore_mem>>)
    %add3A_7 = arith.constant 0 : i32
    %add3A_8 = arith.addi %mul3A_2, %add3A_7 : i32
    %add3A_9 = arith.constant 128 : i32
    %add3A_10 = arith.addi %mul3A_2, %add3A_9 : i32
    "tpu.region"() ({
      %run_scoped3A = tpu.sem_alloc : memref<!tpu.dma_semaphore, #tpu.memory_space<semaphore_mem>>
      %dma_start3A_21 = tpu.memref_slice %arg3[%add3A_10] : memref<8192xi32, #tpu.memory_space<hbm>> -> memref<128xi32, #tpu.memory_space<hbm>>
      %dma_start3A_22 = tpu.memref_slice %arg3[%add3A_10] : memref<8192xi32, #tpu.memory_space<hbm>> -> memref<128xi32, #tpu.memory_space<hbm>>
      tpu.enqueue_dma source(%dma_start3A_22 : memref<128xi32, #tpu.memory_space<hbm>>) target(%arg8 : memref<128xi32, #tpu.memory_space<vmem>>) target_semaphore(%run_scoped3A : memref<!tpu.dma_semaphore, #tpu.memory_space<semaphore_mem>>)
      %dma_wait3A_23 = tpu.memref_slice %arg3[%add3A_10] : memref<8192xi32, #tpu.memory_space<hbm>> -> memref<128xi32, #tpu.memory_space<hbm>>
      %dma_wait3A_24 = tpu.memref_slice %arg3[%add3A_10] : memref<8192xi32, #tpu.memory_space<hbm>> -> memref<128xi32, #tpu.memory_space<hbm>>
      tpu.wait_dma2 semaphore(%run_scoped3A : memref<!tpu.dma_semaphore, #tpu.memory_space<semaphore_mem>>) src(%dma_wait3A_24 : memref<128xi32, #tpu.memory_space<hbm>>) dst(%arg8 : memref<128xi32, #tpu.memory_space<vmem>>)
      tpu.yield
    }) : () -> ()
    %dma_start3A_11 = arith.constant 0 : i32
    %dma_start3A_12 = arith.constant 0 : i32
    %dma_start3A_13 = tpu.memref_slice %arg2[%dma_start3A_11, %dma_start3A_12] : memref<8192x128xf32, #tpu.memory_space<hbm>> -> memref<8192x128xf32, #tpu.memory_space<hbm>>
    tpu.enqueue_indirect_dma source(%dma_start3A_13 : memref<8192x128xf32, #tpu.memory_space<hbm>>) target(%arg9 : memref<128x128xf32, #tpu.memory_space<vmem>>) offsets(%arg8 : memref<128xi32, #tpu.memory_space<vmem>>) semaphore(%arg10 : memref<!tpu.dma_semaphore, #tpu.memory_space<semaphore_mem>>)
    %add3A_14 = arith.constant 128 : i32
    %add3A_15 = arith.addi %mul3A_2, %add3A_14 : i32
    %dma_wait3A = arith.constant 0 : i32
    %dma_wait3A_16 = arith.constant 0 : i32
    %dma_wait3A_17 = tpu.memref_slice %arg2[%dma_wait3A, %dma_wait3A_16] : memref<8192x128xf32, #tpu.memory_space<hbm>> -> memref<8192x128xf32, #tpu.memory_space<hbm>>
    tpu.wait_indirect_dma semaphore(%arg7 : memref<!tpu.dma_semaphore, #tpu.memory_space<semaphore_mem>>) src(%dma_wait3A_17 : memref<8192x128xf32, #tpu.memory_space<hbm>>) dst(%arg6 : memref<128x128xf32, #tpu.memory_space<vmem>>)
    "tpu.region"() ({
      %run_scoped3A = tpu.sem_alloc : memref<!tpu.dma_semaphore, #tpu.memory_space<semaphore_mem>>
      %dma_start3A_21 = arith.constant 0 : i32
      %dma_start3A_22 = tpu.memref_slice %arg4[%add3A_8, %dma_start3A_21] : memref<8192x128xf32, #tpu.memory_space<hbm>> -> memref<128x128xf32, #tpu.memory_space<hbm>>
      %dma_start3A_23 = arith.constant 0 : i32
      %dma_start3A_24 = tpu.memref_slice %arg4[%add3A_8, %dma_start3A_23] : memref<8192x128xf32, #tpu.memory_space<hbm>> -> memref<128x128xf32, #tpu.memory_space<hbm>>
      tpu.enqueue_dma source(%arg6 : memref<128x128xf32, #tpu.memory_space<vmem>>) target(%dma_start3A_24 : memref<128x128xf32, #tpu.memory_space<hbm>>) target_semaphore(%run_scoped3A : memref<!tpu.dma_semaphore, #tpu.memory_space<semaphore_mem>>)
      %dma_wait3A_25 = arith.constant 0 : i32
      %dma_wait3A_26 = tpu.memref_slice %arg4[%add3A_8, %dma_wait3A_25] : memref<8192x128xf32, #tpu.memory_space<hbm>> -> memref<128x128xf32, #tpu.memory_space<hbm>>
      %dma_wait3A_27 = arith.constant 0 : i32
      %dma_wait3A_28 = tpu.memref_slice %arg4[%add3A_8, %dma_wait3A_27] : memref<8192x128xf32, #tpu.memory_space<hbm>> -> memref<128x128xf32, #tpu.memory_space<hbm>>
      tpu.wait_dma2 semaphore(%run_scoped3A : memref<!tpu.dma_semaphore, #tpu.memory_space<semaphore_mem>>) src(%arg6 : memref<128x128xf32, #tpu.memory_space<vmem>>) dst(%dma_wait3A_28 : memref<128x128xf32, #tpu.memory_space<hbm>>)
      tpu.yield
    }) : () -> ()
    %dma_wait3A_18 = arith.constant 0 : i32
    %dma_wait3A_19 = arith.constant 0 : i32
    %dma_wait3A_20 = tpu.memref_slice %arg2[%dma_wait3A_18, %dma_wait3A_19] : memref<8192x128xf32, #tpu.memory_space<hbm>> -> memref<8192x128xf32, #tpu.memory_space<hbm>>
    tpu.wait_indirect_dma semaphore(%arg10 : memref<!tpu.dma_semaphore, #tpu.memory_space<semaphore_mem>>) src(%dma_wait3A_20 : memref<8192x128xf32, #tpu.memory_space<hbm>>) dst(%arg9 : memref<128x128xf32, #tpu.memory_space<vmem>>)
    "tpu.region"() ({
      %run_scoped3A = tpu.sem_alloc : memref<!tpu.dma_semaphore, #tpu.memory_space<semaphore_mem>>
      %dma_start3A_21 = arith.constant 0 : i32
      %dma_start3A_22 = tpu.memref_slice %arg4[%add3A_15, %dma_start3A_21] : memref<8192x128xf32, #tpu.memory_space<hbm>> -> memref<128x128xf32, #tpu.memory_space<hbm>>
      %dma_start3A_23 = arith.constant 0 : i32
      %dma_start3A_24 = tpu.memref_slice %arg4[%add3A_15, %dma_start3A_23] : memref<8192x128xf32, #tpu.memory_space<hbm>> -> memref<128x128xf32, #tpu.memory_space<hbm>>
      tpu.enqueue_dma source(%arg9 : memref<128x128xf32, #tpu.memory_space<vmem>>) target(%dma_start3A_24 : memref<128x128xf32, #tpu.memory_space<hbm>>) target_semaphore(%run_scoped3A : memref<!tpu.dma_semaphore, #tpu.memory_space<semaphore_mem>>)
      %dma_wait3A_25 = arith.constant 0 : i32
      %dma_wait3A_26 = tpu.memref_slice %arg4[%add3A_15, %dma_wait3A_25] : memref<8192x128xf32, #tpu.memory_space<hbm>> -> memref<128x128xf32, #tpu.memory_space<hbm>>
      %dma_wait3A_27 = arith.constant 0 : i32
      %dma_wait3A_28 = tpu.memref_slice %arg4[%add3A_15, %dma_wait3A_27] : memref<8192x128xf32, #tpu.memory_space<hbm>> -> memref<128x128xf32, #tpu.memory_space<hbm>>
      tpu.wait_dma2 semaphore(%run_scoped3A : memref<!tpu.dma_semaphore, #tpu.memory_space<semaphore_mem>>) src(%arg9 : memref<128x128xf32, #tpu.memory_space<vmem>>) dst(%dma_wait3A_28 : memref<128x128xf32, #tpu.memory_space<hbm>>)
      tpu.yield
    }) : () -> ()
    return
  }
}

#map = affine_map<(d0, d1) -> (0, 0)>
#map1 = affine_map<(d0, d1) -> (0)>
module attributes {stable_mosaic.version = 14 : i64} {
  func.func @body(%arg0: i32, %arg1: i32, %arg2: memref<8192x256xf32, #tpu.memory_space<hbm>>, %arg3: memref<2048xi32, #tpu.memory_space<hbm>>, %arg4: memref<2048x256xf32, #tpu.memory_space<hbm>>, %arg5: memref<64xi32, #tpu.memory_space<vmem>>, %arg6: memref<64x256xf32, #tpu.memory_space<vmem>>, %arg7: memref<!tpu.dma_semaphore, #tpu.memory_space<semaphore_mem>>) attributes {dimension_semantics = [#tpu.dimension_semantics<core_parallel>, #tpu.dimension_semantics<subcore_parallel>], iteration_bounds = array<i64: 2, 16>, scalar_prefetch = 0 : i64, scratch_operands = 3 : i64, tpu.core_type = #tpu.core_type<sc_vector_subcore>, window_params = [{transform_indices = #map}, {transform_indices = #map1}, {transform_indices = #map}]} {
    %mul3A = arith.constant 2 : i32
    %mul3A_0 = arith.muli %arg1, %mul3A : i32
    %add3A = arith.addi %mul3A_0, %arg0 : i32
    %mul3A_1 = arith.constant 64 : i32
    %mul3A_2 = arith.muli %add3A, %mul3A_1 : i32
    %add3A_3 = arith.constant 0 : i32
    %add3A_4 = arith.addi %mul3A_2, %add3A_3 : i32
    "tpu.region"() ({
      %run_scoped3A = tpu.sem_alloc : memref<!tpu.dma_semaphore, #tpu.memory_space<semaphore_mem>>
      %dma_start3A_11 = tpu.memref_slice %arg3[%add3A_4] : memref<2048xi32, #tpu.memory_space<hbm>> -> memref<64xi32, #tpu.memory_space<hbm>>
      %dma_start3A_12 = tpu.memref_slice %arg3[%add3A_4] : memref<2048xi32, #tpu.memory_space<hbm>> -> memref<64xi32, #tpu.memory_space<hbm>>
      tpu.enqueue_dma source(%dma_start3A_12 : memref<64xi32, #tpu.memory_space<hbm>>) target(%arg5 : memref<64xi32, #tpu.memory_space<vmem>>) target_semaphore(%run_scoped3A : memref<!tpu.dma_semaphore, #tpu.memory_space<semaphore_mem>>)
      %dma_wait3A_13 = tpu.memref_slice %arg3[%add3A_4] : memref<2048xi32, #tpu.memory_space<hbm>> -> memref<64xi32, #tpu.memory_space<hbm>>
      %dma_wait3A_14 = tpu.memref_slice %arg3[%add3A_4] : memref<2048xi32, #tpu.memory_space<hbm>> -> memref<64xi32, #tpu.memory_space<hbm>>
      tpu.wait_dma2 semaphore(%run_scoped3A : memref<!tpu.dma_semaphore, #tpu.memory_space<semaphore_mem>>) src(%dma_wait3A_14 : memref<64xi32, #tpu.memory_space<hbm>>) dst(%arg5 : memref<64xi32, #tpu.memory_space<vmem>>)
      tpu.yield
    }) : () -> ()
    %dma_start3A = arith.constant 0 : i32
    %dma_start3A_5 = arith.constant 0 : i32
    %dma_start3A_6 = tpu.memref_slice %arg2[%dma_start3A, %dma_start3A_5] : memref<8192x256xf32, #tpu.memory_space<hbm>> -> memref<8192x256xf32, #tpu.memory_space<hbm>>
    tpu.enqueue_indirect_dma source(%dma_start3A_6 : memref<8192x256xf32, #tpu.memory_space<hbm>>) target(%arg6 : memref<64x256xf32, #tpu.memory_space<vmem>>) offsets(%arg5 : memref<64xi32, #tpu.memory_space<vmem>>) semaphore(%arg7 : memref<!tpu.dma_semaphore, #tpu.memory_space<semaphore_mem>>)
    %add3A_7 = arith.constant 0 : i32
    %add3A_8 = arith.addi %mul3A_2, %add3A_7 : i32
    %dma_wait3A = arith.constant 0 : i32
    %dma_wait3A_9 = arith.constant 0 : i32
    %dma_wait3A_10 = tpu.memref_slice %arg2[%dma_wait3A, %dma_wait3A_9] : memref<8192x256xf32, #tpu.memory_space<hbm>> -> memref<8192x256xf32, #tpu.memory_space<hbm>>
    tpu.wait_indirect_dma semaphore(%arg7 : memref<!tpu.dma_semaphore, #tpu.memory_space<semaphore_mem>>) src(%dma_wait3A_10 : memref<8192x256xf32, #tpu.memory_space<hbm>>) dst(%arg6 : memref<64x256xf32, #tpu.memory_space<vmem>>)
    "tpu.region"() ({
      %run_scoped3A = tpu.sem_alloc : memref<!tpu.dma_semaphore, #tpu.memory_space<semaphore_mem>>
      %dma_start3A_11 = arith.constant 0 : i32
      %dma_start3A_12 = tpu.memref_slice %arg4[%add3A_8, %dma_start3A_11] : memref<2048x256xf32, #tpu.memory_space<hbm>> -> memref<64x256xf32, #tpu.memory_space<hbm>>
      %dma_start3A_13 = arith.constant 0 : i32
      %dma_start3A_14 = tpu.memref_slice %arg4[%add3A_8, %dma_start3A_13] : memref<2048x256xf32, #tpu.memory_space<hbm>> -> memref<64x256xf32, #tpu.memory_space<hbm>>
      tpu.enqueue_dma source(%arg6 : memref<64x256xf32, #tpu.memory_space<vmem>>) target(%dma_start3A_14 : memref<64x256xf32, #tpu.memory_space<hbm>>) target_semaphore(%run_scoped3A : memref<!tpu.dma_semaphore, #tpu.memory_space<semaphore_mem>>)
      %dma_wait3A_15 = arith.constant 0 : i32
      %dma_wait3A_16 = tpu.memref_slice %arg4[%add3A_8, %dma_wait3A_15] : memref<2048x256xf32, #tpu.memory_space<hbm>> -> memref<64x256xf32, #tpu.memory_space<hbm>>
      %dma_wait3A_17 = arith.constant 0 : i32
      %dma_wait3A_18 = tpu.memref_slice %arg4[%add3A_8, %dma_wait3A_17] : memref<2048x256xf32, #tpu.memory_space<hbm>> -> memref<64x256xf32, #tpu.memory_space<hbm>>
      tpu.wait_dma2 semaphore(%run_scoped3A : memref<!tpu.dma_semaphore, #tpu.memory_space<semaphore_mem>>) src(%arg6 : memref<64x256xf32, #tpu.memory_space<vmem>>) dst(%dma_wait3A_18 : memref<64x256xf32, #tpu.memory_space<hbm>>)
      tpu.yield
    }) : () -> ()
    return
  }
}

module attributes {stable_mosaic.version = 14 : i64} {
  func.func @_block_body(%arg0: i32, %arg1: i32, %arg2: memref<2x16xi32, #tpu.memory_space<smem>>, %arg3: memref<2x16xi32, #tpu.memory_space<smem>>, %arg4: memref<1x1x4096xf32, #tpu.memory_space<vmem>>, %arg5: memref<1x4096x128xf32, #tpu.memory_space<vmem>>, %arg6: memref<1x256x128xf32, #tpu.memory_space<vmem>>, %arg7: memref<128x256xf32, #tpu.memory_space<vmem>>, %arg8: memref<128x256xf32, #tpu.memory_space<vmem>>, %arg9: memref<1x256xf32, #tpu.memory_space<vmem>>, %arg10: memref<1x256xf32, #tpu.memory_space<vmem>>, %arg11: memref<128x256xf32, #tpu.memory_space<vmem>>, %arg12: memref<1x256xf32, #tpu.memory_space<vmem>>, %arg13: memref<128x128xf32, #tpu.memory_space<vmem>>, %arg14: memref<1x128xf32, #tpu.memory_space<vmem>>, %arg15: memref<1x128xf32, #tpu.memory_space<vmem>>, %arg16: memref<1x128xf32, #tpu.memory_space<vmem>>, %arg17: memref<1x256x128xf32, #tpu.memory_space<vmem>>, %arg18: memref<256x128xf32, #tpu.memory_space<vmem>>, %arg19: memref<4096x128xf32, #tpu.memory_space<vmem>>, %arg20: memref<4096x128xf32, #tpu.memory_space<vmem>>, %arg21: memref<4096x128xf32, #tpu.memory_space<vmem>>, %arg22: memref<4096x128xf32, #tpu.memory_space<vmem>>) attributes {dimension_semantics = [#tpu.dimension_semantics<arbitrary>, #tpu.dimension_semantics<arbitrary>], iteration_bounds = array<i64: 2, 33>, scalar_prefetch = 0 : i64, scratch_operands = 5 : i64, tpu.core_type = #tpu.core_type<tc>, window_params = [{transform_indices = @transform_0, window_bounds = array<i64: 2, 16>}, {transform_indices = @transform_1, window_bounds = array<i64: 2, 16>}, {transform_indices = @transform_2, window_bounds = array<i64: 1, 1, 4096>}, {transform_indices = @transform_3, window_bounds = array<i64: 1, 4096, 128>}, {transform_indices = @transform_4, window_bounds = array<i64: 1, 256, 128>}, {pipeline_mode = #tpu.pipeline_mode<synchronous>, transform_indices = @transform_5, window_bounds = array<i64: 128, 256>}, {pipeline_mode = #tpu.pipeline_mode<synchronous>, transform_indices = @transform_6, window_bounds = array<i64: 128, 256>}, {pipeline_mode = #tpu.pipeline_mode<synchronous>, transform_indices = @transform_7, window_bounds = array<i64: 1, 256>}, {pipeline_mode = #tpu.pipeline_mode<synchronous>, transform_indices = @transform_8, window_bounds = array<i64: 1, 256>}, {pipeline_mode = #tpu.pipeline_mode<synchronous>, transform_indices = @transform_9, window_bounds = array<i64: 128, 256>}, {pipeline_mode = #tpu.pipeline_mode<synchronous>, transform_indices = @transform_10, window_bounds = array<i64: 1, 256>}, {pipeline_mode = #tpu.pipeline_mode<synchronous>, transform_indices = @transform_11, window_bounds = array<i64: 128, 128>}, {pipeline_mode = #tpu.pipeline_mode<synchronous>, transform_indices = @transform_12, window_bounds = array<i64: 1, 128>}, {pipeline_mode = #tpu.pipeline_mode<synchronous>, transform_indices = @transform_13, window_bounds = array<i64: 1, 128>}, {pipeline_mode = #tpu.pipeline_mode<synchronous>, transform_indices = @transform_14, window_bounds = array<i64: 1, 128>}, {transform_indices = @transform_15, window_bounds = array<i64: 1, 256, 128>}]} {
    %iota3A = tpu.iota {dimensions = array<i32: 1>} : vector<1x256xi32>
    %convert_element_type3A = arith.sitofp %iota3A : vector<1x256xi32> to vector<1x256xf32>
    %eq3A = arith.constant 0 : i32
    %eq3A_0 = arith.cmpi eq, %arg1, %eq3A : i32
    %convert_element_type3A_1 = arith.extui %eq3A_0 : i1 to i32
    %cond3A = arith.constant 0 : i32
    %cond3A_2 = arith.cmpi ne, %convert_element_type3A_1, %cond3A : i32
    scf.if %cond3A_2 {
      %get3A = arith.constant 0 : index
      %get3A_12 = arith.constant 0 : index
      %get3A_13 = arith.constant 0 : index
      %get3A_14 = vector.load %arg4[%get3A, %get3A_12, %get3A_13] : memref<1x1x4096xf32, #tpu.memory_space<vmem>>, vector<1x1x4096xf32>
      %get3A_15 = vector.shape_cast %get3A_14 : vector<1x1x4096xf32> to vector<4096xf32>
      %broadcast_in_dim3A = vector.shape_cast %get3A_15 : vector<4096xf32> to vector<4096x1xf32>
      %eq3A_16 = vector.broadcast %broadcast_in_dim3A : vector<4096x1xf32> to vector<4096x256xf32>
      %eq3A_17 = vector.broadcast %convert_element_type3A : vector<1x256xf32> to vector<4096x256xf32>
      %eq3A_18 = arith.cmpf oeq, %eq3A_16, %eq3A_17 : vector<4096x256xf32>
      %convert_element_type3A_19 = arith.extui %eq3A_18 : vector<4096x256xi1> to vector<4096x256xi32>
      %convert_element_type3A_20 = arith.sitofp %convert_element_type3A_19 : vector<4096x256xi32> to vector<4096x256xf32>
      %get3A_21 = arith.constant 0 : index
      %get3A_22 = arith.constant 0 : index
      %get3A_23 = arith.constant 0 : index
      %get3A_24 = vector.load %arg5[%get3A_21, %get3A_22, %get3A_23] : memref<1x4096x128xf32, #tpu.memory_space<vmem>>, vector<1x4096x128xf32>
      %get3A_25 = vector.shape_cast %get3A_24 : vector<1x4096x128xf32> to vector<4096x128xf32>
      %dot_general3A = arith.constant dense<0.000000e+00> : vector<256x128xf32>
      %dot_general3A_26 = tpu.matmul %convert_element_type3A_20, %get3A_25, %dot_general3A {dimension_numbers = #tpu.dot_dimension_numbers<[0], [0], [1], [1], [0, 1, 1, 1], [], []>, transpose_lhs_hint = false} : vector<4096x256xf32>, vector<4096x128xf32>, vector<256x128xf32> -> vector<256x128xf32>
      %slice3A = vector.extract_strided_slice %dot_general3A_26 {offsets = [0, 127], sizes = [256, 1], strides = [1, 1]} : vector<256x128xf32> to vector<256x1xf32>
      %max3A = arith.constant 1.000000e+00 : f32
      %max3A_27 = vector.broadcast %max3A : f32 to vector<256x1xf32>
      %max3A_28 = arith.maximumf %slice3A, %max3A_27 : vector<256x1xf32>
      %div3A = vector.broadcast %max3A_28 : vector<256x1xf32> to vector<256x128xf32>
      %div3A_29 = arith.divf %dot_general3A_26, %div3A : vector<256x128xf32>
      %swap3A = arith.constant 0 : index
      %swap3A_30 = arith.constant 0 : index
      %swap3A_31 = vector.load %arg18[%swap3A, %swap3A_30] : memref<256x128xf32, #tpu.memory_space<vmem>>, vector<256x128xf32>
      tpu.vector_store %arg18[%swap3A, %swap3A_30], %div3A_29 {strides = array<i32>} : memref<256x128xf32, #tpu.memory_space<vmem>>, vector<256x128xf32>,
    } else {
    }
    %ge3A = arith.constant 1 : i32
    %ge3A_3 = arith.cmpi sge, %arg1, %ge3A : i32
    %le3A = arith.constant 16 : i32
    %le3A_4 = arith.cmpi sle, %arg1, %le3A : i32
    %and3A = arith.andi %ge3A_3, %le3A_4 : i1
    %convert_element_type3A_5 = arith.extui %and3A : i1 to i32
    %cond3A_6 = arith.constant 0 : i32
    %cond3A_7 = arith.cmpi ne, %convert_element_type3A_5, %cond3A_6 : i32
    scf.if %cond3A_7 {
      %sub3A = arith.constant 1 : i32
      %sub3A_12 = arith.subi %arg1, %sub3A : i32
      %mul3A = arith.constant 256 : i32
      %mul3A_13 = arith.muli %sub3A_12, %mul3A : i32
      %get3A = arith.constant 0 : index
      %get3A_14 = arith.constant 0 : index
      %get3A_15 = arith.index_cast %mul3A_13 : i32 to index
      %get3A_16 = vector.load %arg4[%get3A, %get3A_14, %get3A_15] : memref<1x1x4096xf32, #tpu.memory_space<vmem>>, vector<1x1x256xf32>
      %get3A_17 = vector.shape_cast %get3A_16 : vector<1x1x256xf32> to vector<256xf32>
      %broadcast_in_dim3A = vector.shape_cast %get3A_17 : vector<256xf32> to vector<256x1xf32>
      %eq3A_18 = vector.broadcast %broadcast_in_dim3A : vector<256x1xf32> to vector<256x256xf32>
      %eq3A_19 = vector.broadcast %convert_element_type3A : vector<1x256xf32> to vector<256x256xf32>
      %eq3A_20 = arith.cmpf oeq, %eq3A_18, %eq3A_19 : vector<256x256xf32>
      %convert_element_type3A_21 = arith.extui %eq3A_20 : vector<256x256xi1> to vector<256x256xi32>
      %convert_element_type3A_22 = arith.sitofp %convert_element_type3A_21 : vector<256x256xi32> to vector<256x256xf32>
      %get3A_23 = arith.constant 0 : index
      %get3A_24 = arith.constant 0 : index
      %get3A_25 = vector.load %arg18[%get3A_23, %get3A_24] : memref<256x128xf32, #tpu.memory_space<vmem>>, vector<256x128xf32>
      %dot_general3A = arith.constant dense<0.000000e+00> : vector<256x128xf32>
      %dot_general3A_26 = tpu.matmul %convert_element_type3A_22, %get3A_25, %dot_general3A {dimension_numbers = #tpu.dot_dimension_numbers<[1], [0], [0], [1], [0, 0, 1, 1], [], []>, transpose_lhs_hint = false} : vector<256x256xf32>, vector<256x128xf32>, vector<256x128xf32> -> vector<256x128xf32>
      %mul3A_27 = arith.constant 256 : i32
      %mul3A_28 = arith.muli %sub3A_12, %mul3A_27 : i32
      %get3A_29 = arith.constant 0 : index
      %get3A_30 = arith.index_cast %mul3A_28 : i32 to index
      %get3A_31 = arith.constant 0 : index
      %get3A_32 = vector.load %arg5[%get3A_29, %get3A_30, %get3A_31] : memref<1x4096x128xf32, #tpu.memory_space<vmem>>, vector<1x256x128xf32>
      %get3A_33 = vector.shape_cast %get3A_32 : vector<1x256x128xf32> to vector<256x128xf32>
      %sub3A_34 = arith.subf %get3A_33, %dot_general3A_26 : vector<256x128xf32>
      %mul3A_35 = arith.mulf %sub3A_34, %sub3A_34 : vector<256x128xf32>
      %reduce_sum3A = arith.constant dense<0.000000e+00> : vector<256xf32>
      %reduce_sum3A_36 = vector.multi_reduction <add>, %mul3A_35, %reduce_sum3A [1] : vector<256x128xf32> to vector<256xf32>
      %broadcast_in_dim3A_37 = vector.shape_cast %reduce_sum3A_36 : vector<256xf32> to vector<256x1xf32>
      %sqrt3A = math.sqrt %broadcast_in_dim3A_37 : vector<256x1xf32>
      %get3A_38 = arith.constant 0 : index
      %get3A_39 = arith.constant 0 : index
      %get3A_40 = vector.load %arg7[%get3A_38, %get3A_39] : memref<128x256xf32, #tpu.memory_space<vmem>>, vector<128x256xf32>
      %dot_general3A_41 = arith.constant dense<0.000000e+00> : vector<256x256xf32>
      %dot_general3A_42 = tpu.matmul %sub3A_34, %get3A_40, %dot_general3A_41 {dimension_numbers = #tpu.dot_dimension_numbers<[1], [0], [0], [1], [0, 0, 1, 1], [], []>, transpose_lhs_hint = false} : vector<256x128xf32>, vector<128x256xf32>, vector<256x256xf32> -> vector<256x256xf32>
      %get3A_43 = arith.constant 0 : index
      %get3A_44 = arith.constant 0 : index
      %get3A_45 = arith.constant 0 : index
      %get3A_46 = vector.load %arg6[%get3A_43, %get3A_44, %get3A_45] : memref<1x256x128xf32, #tpu.memory_space<vmem>>, vector<1x256x128xf32>
      %get3A_47 = vector.shape_cast %get3A_46 : vector<1x256x128xf32> to vector<256x128xf32>
      %get3A_48 = arith.constant 0 : index
      %get3A_49 = arith.constant 0 : index
      %get3A_50 = vector.load %arg8[%get3A_48, %get3A_49] : memref<128x256xf32, #tpu.memory_space<vmem>>, vector<128x256xf32>
      %dot_general3A_51 = arith.constant dense<0.000000e+00> : vector<256x256xf32>
      %dot_general3A_52 = tpu.matmul %get3A_47, %get3A_50, %dot_general3A_51 {dimension_numbers = #tpu.dot_dimension_numbers<[1], [0], [0], [1], [0, 0, 1, 1], [], []>, transpose_lhs_hint = false} : vector<256x128xf32>, vector<128x256xf32>, vector<256x256xf32> -> vector<256x256xf32>
      %add3A = arith.addf %dot_general3A_42, %dot_general3A_52 : vector<256x256xf32>
      %get3A_53 = arith.constant 0 : index
      %get3A_54 = arith.constant 0 : index
      %get3A_55 = vector.load %arg9[%get3A_53, %get3A_54] : memref<1x256xf32, #tpu.memory_space<vmem>>, vector<1x256xf32>
      %mul3A_56 = vector.broadcast %sqrt3A : vector<256x1xf32> to vector<256x256xf32>
      %mul3A_57 = vector.broadcast %get3A_55 : vector<1x256xf32> to vector<256x256xf32>
      %mul3A_58 = arith.mulf %mul3A_56, %mul3A_57 : vector<256x256xf32>
      %add3A_59 = arith.addf %add3A, %mul3A_58 : vector<256x256xf32>
      %get3A_60 = arith.constant 0 : index
      %get3A_61 = arith.constant 0 : index
      %get3A_62 = vector.load %arg10[%get3A_60, %get3A_61] : memref<1x256xf32, #tpu.memory_space<vmem>>, vector<1x256xf32>
      %add3A_63 = vector.broadcast %get3A_62 : vector<1x256xf32> to vector<256x256xf32>
      %add3A_64 = arith.addf %add3A_59, %add3A_63 : vector<256x256xf32>
      %slice3A = vector.extract_strided_slice %add3A_64 {offsets = [0, 0], sizes = [256, 128], strides = [1, 1]} : vector<256x256xf32> to vector<256x128xf32>
      %slice3A_65 = vector.extract_strided_slice %add3A_64 {offsets = [0, 128], sizes = [256, 128], strides = [1, 1]} : vector<256x256xf32> to vector<256x128xf32>
      %get3A_66 = arith.constant 0 : index
      %get3A_67 = arith.constant 0 : index
      %get3A_68 = vector.load %arg11[%get3A_66, %get3A_67] : memref<128x256xf32, #tpu.memory_space<vmem>>, vector<128x256xf32>
      %dot_general3A_69 = arith.constant dense<0.000000e+00> : vector<256x256xf32>
      %dot_general3A_70 = tpu.matmul %slice3A_65, %get3A_68, %dot_general3A_69 {dimension_numbers = #tpu.dot_dimension_numbers<[1], [0], [0], [1], [0, 0, 1, 1], [], []>, transpose_lhs_hint = false} : vector<256x128xf32>, vector<128x256xf32>, vector<256x256xf32> -> vector<256x256xf32>
      %get3A_71 = arith.constant 0 : index
      %get3A_72 = arith.constant 0 : index
      %get3A_73 = vector.load %arg12[%get3A_71, %get3A_72] : memref<1x256xf32, #tpu.memory_space<vmem>>, vector<1x256xf32>
      %add3A_74 = vector.broadcast %get3A_73 : vector<1x256xf32> to vector<256x256xf32>
      %add3A_75 = arith.addf %dot_general3A_70, %add3A_74 : vector<256x256xf32>
      %slice3A_76 = vector.extract_strided_slice %add3A_75 {offsets = [0, 0], sizes = [256, 128], strides = [1, 1]} : vector<256x256xf32> to vector<256x128xf32>
      %mul3A_77 = arith.constant 256 : i32
      %mul3A_78 = arith.muli %sub3A_12, %mul3A_77 : i32
      %swap3A = arith.index_cast %mul3A_78 : i32 to index
      %swap3A_79 = arith.constant 0 : index
      %swap3A_80 = vector.load %arg19[%swap3A, %swap3A_79] : memref<4096x128xf32, #tpu.memory_space<vmem>>, vector<256x128xf32>
      tpu.vector_store %arg19[%swap3A, %swap3A_79], %slice3A_76 {strides = array<i32>} : memref<4096x128xf32, #tpu.memory_space<vmem>>, vector<256x128xf32>,
      %slice3A_81 = vector.extract_strided_slice %add3A_75 {offsets = [0, 128], sizes = [256, 128], strides = [1, 1]} : vector<256x256xf32> to vector<256x128xf32>
      %mul3A_82 = arith.constant 256 : i32
      %mul3A_83 = arith.muli %sub3A_12, %mul3A_82 : i32
      %swap3A_84 = arith.index_cast %mul3A_83 : i32 to index
      %swap3A_85 = arith.constant 0 : index
      %swap3A_86 = vector.load %arg20[%swap3A_84, %swap3A_85] : memref<4096x128xf32, #tpu.memory_space<vmem>>, vector<256x128xf32>
      tpu.vector_store %arg20[%swap3A_84, %swap3A_85], %slice3A_81 {strides = array<i32>} : memref<4096x128xf32, #tpu.memory_space<vmem>>, vector<256x128xf32>,
      %get3A_87 = arith.constant 0 : index
      %get3A_88 = arith.constant 0 : index
      %get3A_89 = vector.load %arg13[%get3A_87, %get3A_88] : memref<128x128xf32, #tpu.memory_space<vmem>>, vector<128x128xf32>
      %dot_general3A_90 = arith.constant dense<0.000000e+00> : vector<256x128xf32>
      %dot_general3A_91 = tpu.matmul %slice3A, %get3A_89, %dot_general3A_90 {dimension_numbers = #tpu.dot_dimension_numbers<[1], [0], [0], [1], [0, 0, 1, 1], [], []>, transpose_lhs_hint = false} : vector<256x128xf32>, vector<128x128xf32>, vector<256x128xf32> -> vector<256x128xf32>
      %mul3A_92 = arith.constant 256 : i32
      %mul3A_93 = arith.muli %sub3A_12, %mul3A_92 : i32
      %swap3A_94 = arith.index_cast %mul3A_93 : i32 to index
      %swap3A_95 = arith.constant 0 : index
      %swap3A_96 = vector.load %arg21[%swap3A_94, %swap3A_95] : memref<4096x128xf32, #tpu.memory_space<vmem>>, vector<256x128xf32>
      tpu.vector_store %arg21[%swap3A_94, %swap3A_95], %dot_general3A_91 {strides = array<i32>} : memref<4096x128xf32, #tpu.memory_space<vmem>>, vector<256x128xf32>,
      %mul3A_97 = arith.constant 256 : i32
      %mul3A_98 = arith.muli %sub3A_12, %mul3A_97 : i32
      %swap3A_99 = arith.index_cast %mul3A_98 : i32 to index
      %swap3A_100 = arith.constant 0 : index
      %swap3A_101 = vector.load %arg22[%swap3A_99, %swap3A_100] : memref<4096x128xf32, #tpu.memory_space<vmem>>, vector<256x128xf32>
      tpu.vector_store %arg22[%swap3A_99, %swap3A_100], %slice3A {strides = array<i32>} : memref<4096x128xf32, #tpu.memory_space<vmem>>, vector<256x128xf32>,
    } else {
    }
    %gt3A = arith.constant 16 : i32
    %gt3A_8 = arith.cmpi sgt, %arg1, %gt3A : i32
    %convert_element_type3A_9 = arith.extui %gt3A_8 : i1 to i32
    %cond3A_10 = arith.constant 0 : i32
    %cond3A_11 = arith.cmpi ne, %convert_element_type3A_9, %cond3A_10 : i32
    scf.if %cond3A_11 {
      %sub3A = arith.constant 16 : i32
      %sub3A_12 = arith.subi %arg1, %sub3A : i32
      %sub3A_13 = arith.constant 1 : i32
      %sub3A_14 = arith.subi %sub3A_12, %sub3A_13 : i32
      %get3A = arith.index_cast %arg0 : i32 to index
      %get3A_15 = arith.index_cast %sub3A_14 : i32 to index
      %get3A_16 = memref.load %arg2[%get3A, %get3A_15] : memref<2x16xi32, #tpu.memory_space<smem>>
      %get3A_17 = arith.index_cast %arg0 : i32 to index
      %get3A_18 = arith.index_cast %sub3A_14 : i32 to index
      %get3A_19 = memref.load %arg3[%get3A_17, %get3A_18] : memref<2x16xi32, #tpu.memory_space<smem>>
      %mul3A = arith.constant 256 : i32
      %mul3A_20 = arith.muli %sub3A_14, %mul3A : i32
      %get3A_21 = arith.index_cast %mul3A_20 : i32 to index
      %get3A_22 = arith.constant 0 : index
      %get3A_23 = vector.load %arg19[%get3A_21, %get3A_22] : memref<4096x128xf32, #tpu.memory_space<vmem>>, vector<256x128xf32>
      %mul3A_24 = arith.constant 256 : i32
      %mul3A_25 = arith.muli %sub3A_14, %mul3A_24 : i32
      %get3A_26 = arith.constant 0 : index
      %get3A_27 = arith.constant 0 : index
      %get3A_28 = arith.index_cast %mul3A_25 : i32 to index
      %get3A_29 = vector.load %arg4[%get3A_26, %get3A_27, %get3A_28] : memref<1x1x4096xf32, #tpu.memory_space<vmem>>, vector<1x1x256xf32>
      %get3A_30 = vector.shape_cast %get3A_29 : vector<1x1x256xf32> to vector<256xf32>
      %broadcast_in_dim3A = arith.constant -1.000000e+09 : f32
      %broadcast_in_dim3A_31 = vector.broadcast %broadcast_in_dim3A : f32 to vector<256x1xf32>
      %broadcast_in_dim3A_32 = arith.constant 0.000000e+00 : f32
      %broadcast_in_dim3A_33 = vector.broadcast %broadcast_in_dim3A_32 : f32 to vector<256x1xf32>
      %broadcast_in_dim3A_34 = arith.constant 0.000000e+00 : f32
      %broadcast_in_dim3A_35 = vector.broadcast %broadcast_in_dim3A_34 : f32 to vector<256x128xf32>
      %while3A = arith.constant 0 : i32
      %while3A_36 = arith.subi %get3A_19, %while3A : i32
      %while3A_37 = arith.addi %while3A, %while3A_36 : i32
      %while3A_38 = arith.constant 1 : i32
      %while3A_39 = arith.divsi %while3A_36, %while3A_38 : i32
      %while3A_40 = arith.muli %while3A_39, %while3A_38 : i32
      %while3A_41 = arith.addi %while3A, %while3A_40 : i32
      %while3A_42 = arith.constant 1 : i32
      %while3A_43:3 = scf.for %while3A_95 = %while3A to %while3A_41 step %while3A_42 iter_args(%while3A_96 = %broadcast_in_dim3A_31, %while3A_97 = %broadcast_in_dim3A_33, %while3A_98 = %broadcast_in_dim3A_35) -> (vector<256x1xf32>, vector<256x1xf32>, vector<256x128xf32>)  : i32 {
        %add3A_99 = arith.addi %get3A_16, %while3A_95 : i32
        %mul3A_100 = arith.constant 256 : i32
        %mul3A_101 = arith.muli %add3A_99, %mul3A_100 : i32
        %get3A_102 = arith.index_cast %mul3A_101 : i32 to index
        %get3A_103 = arith.constant 0 : index
        %get3A_104 = vector.load %arg20[%get3A_102, %get3A_103] : memref<4096x128xf32, #tpu.memory_space<vmem>>, vector<256x128xf32>
        %get3A_105 = arith.constant 0 : index
        %get3A_106 = arith.constant 0 : index
        %get3A_107 = arith.index_cast %mul3A_101 : i32 to index
        %get3A_108 = vector.load %arg4[%get3A_105, %get3A_106, %get3A_107] : memref<1x1x4096xf32, #tpu.memory_space<vmem>>, vector<1x1x256xf32>
        %get3A_109 = vector.shape_cast %get3A_108 : vector<1x1x256xf32> to vector<256xf32>
        %dot_general3A = arith.constant dense<0.000000e+00> : vector<256x256xf32>
        %dot_general3A_110 = tpu.matmul %get3A_23, %get3A_104, %dot_general3A {dimension_numbers = #tpu.dot_dimension_numbers<[1], [1], [0], [0], [0, 0, 1, 0], [], []>, transpose_lhs_hint = false} : vector<256x128xf32>, vector<256x128xf32>, vector<256x256xf32> -> vector<256x256xf32>
        %mul3A_111 = arith.constant 0.0883883461 : f32
        %mul3A_112 = vector.broadcast %mul3A_111 : f32 to vector<256x256xf32>
        %mul3A_113 = arith.mulf %dot_general3A_110, %mul3A_112 : vector<256x256xf32>
        %broadcast_in_dim3A_114 = vector.shape_cast %get3A_30 : vector<256xf32> to vector<256x1xf32>
        %broadcast_in_dim3A_115 = vector.shape_cast %get3A_109 : vector<256xf32> to vector<1x256xf32>
        %eq3A_116 = vector.broadcast %broadcast_in_dim3A_114 : vector<256x1xf32> to vector<256x256xf32>
        %eq3A_117 = vector.broadcast %broadcast_in_dim3A_115 : vector<1x256xf32> to vector<256x256xf32>
        %eq3A_118 = arith.cmpf oeq, %eq3A_116, %eq3A_117 : vector<256x256xf32>
        %jit3A = arith.constant -1.000000e+09 : f32
        %broadcast_in_dim3A_119 = vector.broadcast %jit3A : f32 to vector<256x256xf32>
        %select_n3A = arith.select %eq3A_118, %mul3A_113, %broadcast_in_dim3A_119 : vector<256x256xi1>, vector<256x256xf32>
        %reduce_max3A = arith.constant dense<0xFF800000> : vector<256xf32>
        %reduce_max3A_120 = vector.multi_reduction <maximumf>, %select_n3A, %reduce_max3A [1] : vector<256x256xf32> to vector<256xf32>
        %broadcast_in_dim3A_121 = vector.shape_cast %reduce_max3A_120 : vector<256xf32> to vector<256x1xf32>
        %max3A = arith.maximumf %while3A_96, %broadcast_in_dim3A_121 : vector<256x1xf32>
        %sub3A_122 = vector.broadcast %max3A : vector<256x1xf32> to vector<256x256xf32>
        %sub3A_123 = arith.subf %select_n3A, %sub3A_122 : vector<256x256xf32>
        %exp3A = math.exp %sub3A_123 : vector<256x256xf32>
        %sub3A_124 = arith.subf %while3A_96, %max3A : vector<256x1xf32>
        %exp3A_125 = math.exp %sub3A_124 : vector<256x1xf32>
        %get3A_126 = arith.index_cast %mul3A_101 : i32 to index
        %get3A_127 = arith.constant 0 : index
        %get3A_128 = vector.load %arg21[%get3A_126, %get3A_127] : memref<4096x128xf32, #tpu.memory_space<vmem>>, vector<256x128xf32>
        %mul3A_129 = arith.mulf %while3A_97, %exp3A_125 : vector<256x1xf32>
        %reduce_sum3A_130 = arith.constant dense<0.000000e+00> : vector<256xf32>
        %reduce_sum3A_131 = vector.multi_reduction <add>, %exp3A, %reduce_sum3A_130 [1] : vector<256x256xf32> to vector<256xf32>
        %broadcast_in_dim3A_132 = vector.shape_cast %reduce_sum3A_131 : vector<256xf32> to vector<256x1xf32>
        %add3A_133 = arith.addf %mul3A_129, %broadcast_in_dim3A_132 : vector<256x1xf32>
        %mul3A_134 = vector.broadcast %exp3A_125 : vector<256x1xf32> to vector<256x128xf32>
        %mul3A_135 = arith.mulf %while3A_98, %mul3A_134 : vector<256x128xf32>
        %dot_general3A_136 = arith.constant dense<0.000000e+00> : vector<256x128xf32>
        %dot_general3A_137 = tpu.matmul %exp3A, %get3A_128, %dot_general3A_136 {dimension_numbers = #tpu.dot_dimension_numbers<[1], [0], [0], [1], [0, 0, 1, 1], [], []>, transpose_lhs_hint = false} : vector<256x256xf32>, vector<256x128xf32>, vector<256x128xf32> -> vector<256x128xf32>
        %add3A_138 = arith.addf %mul3A_135, %dot_general3A_137 : vector<256x128xf32>
        scf.yield %max3A, %add3A_133, %add3A_138 : vector<256x1xf32>, vector<256x1xf32>, vector<256x128xf32>
      }
      %while3A_44 = arith.constant 1 : i32
      %while3A_45:3 = scf.for %while3A_95 = %while3A_41 to %while3A_37 step %while3A_44 iter_args(%while3A_96 = %while3A_43#0, %while3A_97 = %while3A_43#1, %while3A_98 = %while3A_43#2) -> (vector<256x1xf32>, vector<256x1xf32>, vector<256x128xf32>)  : i32 {
        %add3A_99 = arith.addi %get3A_16, %while3A_95 : i32
        %mul3A_100 = arith.constant 256 : i32
        %mul3A_101 = arith.muli %add3A_99, %mul3A_100 : i32
        %get3A_102 = arith.index_cast %mul3A_101 : i32 to index
        %get3A_103 = arith.constant 0 : index
        %get3A_104 = vector.load %arg20[%get3A_102, %get3A_103] : memref<4096x128xf32, #tpu.memory_space<vmem>>, vector<256x128xf32>
        %get3A_105 = arith.constant 0 : index
        %get3A_106 = arith.constant 0 : index
        %get3A_107 = arith.index_cast %mul3A_101 : i32 to index
        %get3A_108 = vector.load %arg4[%get3A_105, %get3A_106, %get3A_107] : memref<1x1x4096xf32, #tpu.memory_space<vmem>>, vector<1x1x256xf32>
        %get3A_109 = vector.shape_cast %get3A_108 : vector<1x1x256xf32> to vector<256xf32>
        %dot_general3A = arith.constant dense<0.000000e+00> : vector<256x256xf32>
        %dot_general3A_110 = tpu.matmul %get3A_23, %get3A_104, %dot_general3A {dimension_numbers = #tpu.dot_dimension_numbers<[1], [1], [0], [0], [0, 0, 1, 0], [], []>, transpose_lhs_hint = false} : vector<256x128xf32>, vector<256x128xf32>, vector<256x256xf32> -> vector<256x256xf32>
        %mul3A_111 = arith.constant 0.0883883461 : f32
        %mul3A_112 = vector.broadcast %mul3A_111 : f32 to vector<256x256xf32>
        %mul3A_113 = arith.mulf %dot_general3A_110, %mul3A_112 : vector<256x256xf32>
        %broadcast_in_dim3A_114 = vector.shape_cast %get3A_30 : vector<256xf32> to vector<256x1xf32>
        %broadcast_in_dim3A_115 = vector.shape_cast %get3A_109 : vector<256xf32> to vector<1x256xf32>
        %eq3A_116 = vector.broadcast %broadcast_in_dim3A_114 : vector<256x1xf32> to vector<256x256xf32>
        %eq3A_117 = vector.broadcast %broadcast_in_dim3A_115 : vector<1x256xf32> to vector<256x256xf32>
        %eq3A_118 = arith.cmpf oeq, %eq3A_116, %eq3A_117 : vector<256x256xf32>
        %jit3A = arith.constant -1.000000e+09 : f32
        %broadcast_in_dim3A_119 = vector.broadcast %jit3A : f32 to vector<256x256xf32>
        %select_n3A = arith.select %eq3A_118, %mul3A_113, %broadcast_in_dim3A_119 : vector<256x256xi1>, vector<256x256xf32>
        %reduce_max3A = arith.constant dense<0xFF800000> : vector<256xf32>
        %reduce_max3A_120 = vector.multi_reduction <maximumf>, %select_n3A, %reduce_max3A [1] : vector<256x256xf32> to vector<256xf32>
        %broadcast_in_dim3A_121 = vector.shape_cast %reduce_max3A_120 : vector<256xf32> to vector<256x1xf32>
        %max3A = arith.maximumf %while3A_96, %broadcast_in_dim3A_121 : vector<256x1xf32>
        %sub3A_122 = vector.broadcast %max3A : vector<256x1xf32> to vector<256x256xf32>
        %sub3A_123 = arith.subf %select_n3A, %sub3A_122 : vector<256x256xf32>
        %exp3A = math.exp %sub3A_123 : vector<256x256xf32>
        %sub3A_124 = arith.subf %while3A_96, %max3A : vector<256x1xf32>
        %exp3A_125 = math.exp %sub3A_124 : vector<256x1xf32>
        %get3A_126 = arith.index_cast %mul3A_101 : i32 to index
        %get3A_127 = arith.constant 0 : index
        %get3A_128 = vector.load %arg21[%get3A_126, %get3A_127] : memref<4096x128xf32, #tpu.memory_space<vmem>>, vector<256x128xf32>
        %mul3A_129 = arith.mulf %while3A_97, %exp3A_125 : vector<256x1xf32>
        %reduce_sum3A_130 = arith.constant dense<0.000000e+00> : vector<256xf32>
        %reduce_sum3A_131 = vector.multi_reduction <add>, %exp3A, %reduce_sum3A_130 [1] : vector<256x256xf32> to vector<256xf32>
        %broadcast_in_dim3A_132 = vector.shape_cast %reduce_sum3A_131 : vector<256xf32> to vector<256x1xf32>
        %add3A_133 = arith.addf %mul3A_129, %broadcast_in_dim3A_132 : vector<256x1xf32>
        %mul3A_134 = vector.broadcast %exp3A_125 : vector<256x1xf32> to vector<256x128xf32>
        %mul3A_135 = arith.mulf %while3A_98, %mul3A_134 : vector<256x128xf32>
        %dot_general3A_136 = arith.constant dense<0.000000e+00> : vector<256x128xf32>
        %dot_general3A_137 = tpu.matmul %exp3A, %get3A_128, %dot_general3A_136 {dimension_numbers = #tpu.dot_dimension_numbers<[1], [0], [0], [1], [0, 0, 1, 1], [], []>, transpose_lhs_hint = false} : vector<256x256xf32>, vector<256x128xf32>, vector<256x128xf32> -> vector<256x128xf32>
        %add3A_138 = arith.addf %mul3A_135, %dot_general3A_137 : vector<256x128xf32>
        scf.yield %max3A, %add3A_133, %add3A_138 : vector<256x1xf32>, vector<256x1xf32>, vector<256x128xf32>
      }
      %div3A = vector.broadcast %while3A_45#1 : vector<256x1xf32> to vector<256x128xf32>
      %div3A_46 = arith.divf %while3A_45#2, %div3A : vector<256x128xf32>
      %get3A_47 = arith.constant 0 : index
      %get3A_48 = arith.constant 0 : index
      %get3A_49 = vector.load %arg14[%get3A_47, %get3A_48] : memref<1x128xf32, #tpu.memory_space<vmem>>, vector<1x128xf32>
      %add3A = vector.broadcast %get3A_49 : vector<1x128xf32> to vector<256x128xf32>
      %add3A_50 = arith.addf %div3A_46, %add3A : vector<256x128xf32>
      %mul3A_51 = arith.constant 256 : i32
      %mul3A_52 = arith.muli %sub3A_14, %mul3A_51 : i32
      %get3A_53 = arith.index_cast %mul3A_52 : i32 to index
      %get3A_54 = arith.constant 0 : index
      %get3A_55 = vector.load %arg22[%get3A_53, %get3A_54] : memref<4096x128xf32, #tpu.memory_space<vmem>>, vector<256x128xf32>
      %add3A_56 = arith.addf %add3A_50, %get3A_55 : vector<256x128xf32>
      %reduce_sum3A = arith.constant dense<0.000000e+00> : vector<256xf32>
      %reduce_sum3A_57 = vector.multi_reduction <add>, %add3A_56, %reduce_sum3A [1] : vector<256x128xf32> to vector<256xf32>
      %broadcast_in_dim3A_58 = vector.shape_cast %reduce_sum3A_57 : vector<256xf32> to vector<256x1xf32>
      %div3A_59 = arith.constant 1.280000e+02 : f32
      %div3A_60 = vector.broadcast %div3A_59 : f32 to vector<256x1xf32>
      %div3A_61 = arith.divf %broadcast_in_dim3A_58, %div3A_60 : vector<256x1xf32>
      %sub3A_62 = vector.broadcast %div3A_61 : vector<256x1xf32> to vector<256x128xf32>
      %sub3A_63 = arith.subf %add3A_56, %sub3A_62 : vector<256x128xf32>
      %sub3A_64 = vector.broadcast %div3A_61 : vector<256x1xf32> to vector<256x128xf32>
      %sub3A_65 = arith.subf %add3A_56, %sub3A_64 : vector<256x128xf32>
      %mul3A_66 = arith.mulf %sub3A_63, %sub3A_65 : vector<256x128xf32>
      %reduce_sum3A_67 = arith.constant dense<0.000000e+00> : vector<256xf32>
      %reduce_sum3A_68 = vector.multi_reduction <add>, %mul3A_66, %reduce_sum3A_67 [1] : vector<256x128xf32> to vector<256xf32>
      %broadcast_in_dim3A_69 = vector.shape_cast %reduce_sum3A_68 : vector<256xf32> to vector<256x1xf32>
      %div3A_70 = arith.constant 1.280000e+02 : f32
      %div3A_71 = vector.broadcast %div3A_70 : f32 to vector<256x1xf32>
      %div3A_72 = arith.divf %broadcast_in_dim3A_69, %div3A_71 : vector<256x1xf32>
      %sub3A_73 = vector.broadcast %div3A_61 : vector<256x1xf32> to vector<256x128xf32>
      %sub3A_74 = arith.subf %add3A_56, %sub3A_73 : vector<256x128xf32>
      %add3A_75 = arith.constant 9.99999974E-6 : f32
      %add3A_76 = vector.broadcast %add3A_75 : f32 to vector<256x1xf32>
      %add3A_77 = arith.addf %div3A_72, %add3A_76 : vector<256x1xf32>
      %rsqrt3A = math.rsqrt %add3A_77 : vector<256x1xf32>
      %mul3A_78 = vector.broadcast %rsqrt3A : vector<256x1xf32> to vector<256x128xf32>
      %mul3A_79 = arith.mulf %sub3A_74, %mul3A_78 : vector<256x128xf32>
      %get3A_80 = arith.constant 0 : index
      %get3A_81 = arith.constant 0 : index
      %get3A_82 = vector.load %arg15[%get3A_80, %get3A_81] : memref<1x128xf32, #tpu.memory_space<vmem>>, vector<1x128xf32>
      %mul3A_83 = vector.broadcast %get3A_82 : vector<1x128xf32> to vector<256x128xf32>
      %mul3A_84 = arith.mulf %mul3A_79, %mul3A_83 : vector<256x128xf32>
      %get3A_85 = arith.constant 0 : index
      %get3A_86 = arith.constant 0 : index
      %get3A_87 = vector.load %arg16[%get3A_85, %get3A_86] : memref<1x128xf32, #tpu.memory_space<vmem>>, vector<1x128xf32>
      %add3A_88 = vector.broadcast %get3A_87 : vector<1x128xf32> to vector<256x128xf32>
      %add3A_89 = arith.addf %mul3A_84, %add3A_88 : vector<256x128xf32>
      %swap3A = arith.constant 0 : index
      %swap3A_90 = arith.constant 0 : index
      %swap3A_91 = arith.constant 0 : index
      %swap3A_92 = vector.load %arg17[%swap3A, %swap3A_90, %swap3A_91] : memref<1x256x128xf32, #tpu.memory_space<vmem>>, vector<1x256x128xf32>
      %swap3A_93 = vector.shape_cast %swap3A_92 : vector<1x256x128xf32> to vector<256x128xf32>
      %swap3A_94 = vector.shape_cast %add3A_89 : vector<256x128xf32> to vector<1x256x128xf32>
      tpu.vector_store %arg17[%swap3A, %swap3A_90, %swap3A_91], %swap3A_94 {strides = array<i32>} : memref<1x256x128xf32, #tpu.memory_space<vmem>>, vector<1x256x128xf32>,
    } else {
    }
    return
  }
  func.func @transform_0(%arg0: i32, %arg1: i32) -> (i32, i32) {
    %c0_i32 = arith.constant 0 : i32
    %c0_i32_0 = arith.constant 0 : i32
    %c0_i32_1 = arith.constant 0 : i32
    return %c0_i32, %c0_i32_0 : i32, i32
  }
  func.func @transform_1(%arg0: i32, %arg1: i32) -> (i32, i32) {
    %c0_i32 = arith.constant 0 : i32
    %c0_i32_0 = arith.constant 0 : i32
    %c0_i32_1 = arith.constant 0 : i32
    return %c0_i32, %c0_i32_0 : i32, i32
  }
  func.func @transform_2(%arg0: i32, %arg1: i32) -> (i32, i32, i32) {
    %c0_i32 = arith.constant 0 : i32
    %c0_i32_0 = arith.constant 0 : i32
    %c0_i32_1 = arith.constant 0 : i32
    return %arg0, %c0_i32, %c0_i32_0 : i32, i32, i32
  }
  func.func @transform_3(%arg0: i32, %arg1: i32) -> (i32, i32, i32) {
    %c0_i32 = arith.constant 0 : i32
    %c0_i32_0 = arith.constant 0 : i32
    %c0_i32_1 = arith.constant 0 : i32
    return %arg0, %c0_i32, %c0_i32_0 : i32, i32, i32
  }
  func.func @transform_4(%arg0: i32, %arg1: i32) -> (i32, i32, i32) {
    %sub3A = arith.constant 1 : i32
    %sub3A_0 = arith.subi %arg1, %sub3A : i32
    %jit3A = arith.constant 0 : i32
    %jit3A_1 = arith.constant 15 : i32
    %max3A = arith.maxsi %jit3A, %sub3A_0 : i32
    %min3A = arith.minsi %jit3A_1, %max3A : i32
    %c0_i32 = arith.constant 0 : i32
    %c0_i32_2 = arith.constant 0 : i32
    return %arg0, %min3A, %c0_i32 : i32, i32, i32
  }
  func.func @transform_5(%arg0: i32, %arg1: i32) -> (i32, i32) {
    %c0_i32 = arith.constant 0 : i32
    %c0_i32_0 = arith.constant 0 : i32
    %c0_i32_1 = arith.constant 0 : i32
    return %c0_i32, %c0_i32_0 : i32, i32
  }
  func.func @transform_6(%arg0: i32, %arg1: i32) -> (i32, i32) {
    %c0_i32 = arith.constant 0 : i32
    %c0_i32_0 = arith.constant 0 : i32
    %c0_i32_1 = arith.constant 0 : i32
    return %c0_i32, %c0_i32_0 : i32, i32
  }
  func.func @transform_7(%arg0: i32, %arg1: i32) -> (i32, i32) {
    %c0_i32 = arith.constant 0 : i32
    %c0_i32_0 = arith.constant 0 : i32
    %c0_i32_1 = arith.constant 0 : i32
    return %c0_i32, %c0_i32_0 : i32, i32
  }
  func.func @transform_8(%arg0: i32, %arg1: i32) -> (i32, i32) {
    %c0_i32 = arith.constant 0 : i32
    %c0_i32_0 = arith.constant 0 : i32
    %c0_i32_1 = arith.constant 0 : i32
    return %c0_i32, %c0_i32_0 : i32, i32
  }
  func.func @transform_9(%arg0: i32, %arg1: i32) -> (i32, i32) {
    %c0_i32 = arith.constant 0 : i32
    %c0_i32_0 = arith.constant 0 : i32
    %c0_i32_1 = arith.constant 0 : i32
    return %c0_i32, %c0_i32_0 : i32, i32
  }
  func.func @transform_10(%arg0: i32, %arg1: i32) -> (i32, i32) {
    %c0_i32 = arith.constant 0 : i32
    %c0_i32_0 = arith.constant 0 : i32
    %c0_i32_1 = arith.constant 0 : i32
    return %c0_i32, %c0_i32_0 : i32, i32
  }
  func.func @transform_11(%arg0: i32, %arg1: i32) -> (i32, i32) {
    %c0_i32 = arith.constant 0 : i32
    %c0_i32_0 = arith.constant 0 : i32
    %c0_i32_1 = arith.constant 0 : i32
    return %c0_i32, %c0_i32_0 : i32, i32
  }
  func.func @transform_12(%arg0: i32, %arg1: i32) -> (i32, i32) {
    %c0_i32 = arith.constant 0 : i32
    %c0_i32_0 = arith.constant 0 : i32
    %c0_i32_1 = arith.constant 0 : i32
    return %c0_i32, %c0_i32_0 : i32, i32
  }
  func.func @transform_13(%arg0: i32, %arg1: i32) -> (i32, i32) {
    %c0_i32 = arith.constant 0 : i32
    %c0_i32_0 = arith.constant 0 : i32
    %c0_i32_1 = arith.constant 0 : i32
    return %c0_i32, %c0_i32_0 : i32, i32
  }
  func.func @transform_14(%arg0: i32, %arg1: i32) -> (i32, i32) {
    %c0_i32 = arith.constant 0 : i32
    %c0_i32_0 = arith.constant 0 : i32
    %c0_i32_1 = arith.constant 0 : i32
    return %c0_i32, %c0_i32_0 : i32, i32
  }
  func.func @transform_15(%arg0: i32, %arg1: i32) -> (i32, i32, i32) {
    %sub3A = arith.constant 17 : i32
    %sub3A_0 = arith.subi %arg1, %sub3A : i32
    %jit3A = arith.constant 0 : i32
    %jit3A_1 = arith.constant 15 : i32
    %max3A = arith.maxsi %jit3A, %sub3A_0 : i32
    %min3A = arith.minsi %jit3A_1, %max3A : i32
    %c0_i32 = arith.constant 0 : i32
    %c0_i32_2 = arith.constant 0 : i32
    return %arg0, %min3A, %c0_i32 : i32, i32, i32
  }
}

module attributes {stable_mosaic.version = 14 : i64} {
  func.func @_block_body(%arg0: i32, %arg1: i32, %arg2: memref<2x16xi32, #tpu.memory_space<smem>>, %arg3: memref<2x16xi32, #tpu.memory_space<smem>>, %arg4: memref<1x1x4096xf32, #tpu.memory_space<vmem>>, %arg5: memref<1x4096x128xf32, #tpu.memory_space<vmem>>, %arg6: memref<1x256x128xf32, #tpu.memory_space<vmem>>, %arg7: memref<128x512xf32, #tpu.memory_space<vmem>>, %arg8: memref<128x512xf32, #tpu.memory_space<vmem>>, %arg9: memref<1x512xf32, #tpu.memory_space<vmem>>, %arg10: memref<1x512xf32, #tpu.memory_space<vmem>>, %arg11: memref<256x512xf32, #tpu.memory_space<vmem>>, %arg12: memref<1x512xf32, #tpu.memory_space<vmem>>, %arg13: memref<256x256xf32, #tpu.memory_space<vmem>>, %arg14: memref<1x256xf32, #tpu.memory_space<vmem>>, %arg15: memref<1x256xf32, #tpu.memory_space<vmem>>, %arg16: memref<1x256xf32, #tpu.memory_space<vmem>>, %arg17: memref<1x256x256xf32, #tpu.memory_space<vmem>>, %arg18: memref<128x128xf32, #tpu.memory_space<vmem>>, %arg19: memref<4096x256xf32, #tpu.memory_space<vmem>>, %arg20: memref<4096x256xf32, #tpu.memory_space<vmem>>, %arg21: memref<4096x256xf32, #tpu.memory_space<vmem>>, %arg22: memref<4096x256xf32, #tpu.memory_space<vmem>>) attributes {dimension_semantics = [#tpu.dimension_semantics<arbitrary>, #tpu.dimension_semantics<arbitrary>], iteration_bounds = array<i64: 2, 33>, scalar_prefetch = 0 : i64, scratch_operands = 5 : i64, tpu.core_type = #tpu.core_type<tc>, window_params = [{transform_indices = @transform_0, window_bounds = array<i64: 2, 16>}, {transform_indices = @transform_1, window_bounds = array<i64: 2, 16>}, {transform_indices = @transform_2, window_bounds = array<i64: 1, 1, 4096>}, {transform_indices = @transform_3, window_bounds = array<i64: 1, 4096, 128>}, {transform_indices = @transform_4, window_bounds = array<i64: 1, 256, 128>}, {pipeline_mode = #tpu.pipeline_mode<synchronous>, transform_indices = @transform_5, window_bounds = array<i64: 128, 512>}, {pipeline_mode = #tpu.pipeline_mode<synchronous>, transform_indices = @transform_6, window_bounds = array<i64: 128, 512>}, {pipeline_mode = #tpu.pipeline_mode<synchronous>, transform_indices = @transform_7, window_bounds = array<i64: 1, 512>}, {pipeline_mode = #tpu.pipeline_mode<synchronous>, transform_indices = @transform_8, window_bounds = array<i64: 1, 512>}, {pipeline_mode = #tpu.pipeline_mode<synchronous>, transform_indices = @transform_9, window_bounds = array<i64: 256, 512>}, {pipeline_mode = #tpu.pipeline_mode<synchronous>, transform_indices = @transform_10, window_bounds = array<i64: 1, 512>}, {pipeline_mode = #tpu.pipeline_mode<synchronous>, transform_indices = @transform_11, window_bounds = array<i64: 256, 256>}, {pipeline_mode = #tpu.pipeline_mode<synchronous>, transform_indices = @transform_12, window_bounds = array<i64: 1, 256>}, {pipeline_mode = #tpu.pipeline_mode<synchronous>, transform_indices = @transform_13, window_bounds = array<i64: 1, 256>}, {pipeline_mode = #tpu.pipeline_mode<synchronous>, transform_indices = @transform_14, window_bounds = array<i64: 1, 256>}, {transform_indices = @transform_15, window_bounds = array<i64: 1, 256, 256>}]} {
    %iota3A = tpu.iota {dimensions = array<i32: 1>} : vector<1x128xi32>
    %convert_element_type3A = arith.sitofp %iota3A : vector<1x128xi32> to vector<1x128xf32>
    %eq3A = arith.constant 0 : i32
    %eq3A_0 = arith.cmpi eq, %arg1, %eq3A : i32
    %convert_element_type3A_1 = arith.extui %eq3A_0 : i1 to i32
    %cond3A = arith.constant 0 : i32
    %cond3A_2 = arith.cmpi ne, %convert_element_type3A_1, %cond3A : i32
    scf.if %cond3A_2 {
      %get3A = arith.constant 0 : index
      %get3A_12 = arith.constant 0 : index
      %get3A_13 = arith.constant 0 : index
      %get3A_14 = vector.load %arg4[%get3A, %get3A_12, %get3A_13] : memref<1x1x4096xf32, #tpu.memory_space<vmem>>, vector<1x1x4096xf32>
      %get3A_15 = vector.shape_cast %get3A_14 : vector<1x1x4096xf32> to vector<4096xf32>
      %broadcast_in_dim3A = vector.shape_cast %get3A_15 : vector<4096xf32> to vector<4096x1xf32>
      %eq3A_16 = vector.broadcast %broadcast_in_dim3A : vector<4096x1xf32> to vector<4096x128xf32>
      %eq3A_17 = vector.broadcast %convert_element_type3A : vector<1x128xf32> to vector<4096x128xf32>
      %eq3A_18 = arith.cmpf oeq, %eq3A_16, %eq3A_17 : vector<4096x128xf32>
      %convert_element_type3A_19 = arith.extui %eq3A_18 : vector<4096x128xi1> to vector<4096x128xi32>
      %convert_element_type3A_20 = arith.sitofp %convert_element_type3A_19 : vector<4096x128xi32> to vector<4096x128xf32>
      %get3A_21 = arith.constant 0 : index
      %get3A_22 = arith.constant 0 : index
      %get3A_23 = arith.constant 0 : index
      %get3A_24 = vector.load %arg5[%get3A_21, %get3A_22, %get3A_23] : memref<1x4096x128xf32, #tpu.memory_space<vmem>>, vector<1x4096x128xf32>
      %get3A_25 = vector.shape_cast %get3A_24 : vector<1x4096x128xf32> to vector<4096x128xf32>
      %dot_general3A = arith.constant dense<0.000000e+00> : vector<128x128xf32>
      %dot_general3A_26 = tpu.matmul %convert_element_type3A_20, %get3A_25, %dot_general3A {dimension_numbers = #tpu.dot_dimension_numbers<[0], [0], [1], [1], [0, 1, 1, 1], [], []>, transpose_lhs_hint = false} : vector<4096x128xf32>, vector<4096x128xf32>, vector<128x128xf32> -> vector<128x128xf32>
      %slice3A = vector.extract_strided_slice %dot_general3A_26 {offsets = [0, 127], sizes = [128, 1], strides = [1, 1]} : vector<128x128xf32> to vector<128x1xf32>
      %max3A = arith.constant 1.000000e+00 : f32
      %max3A_27 = vector.broadcast %max3A : f32 to vector<128x1xf32>
      %max3A_28 = arith.maximumf %slice3A, %max3A_27 : vector<128x1xf32>
      %div3A = vector.broadcast %max3A_28 : vector<128x1xf32> to vector<128x128xf32>
      %div3A_29 = arith.divf %dot_general3A_26, %div3A : vector<128x128xf32>
      %swap3A = arith.constant 0 : index
      %swap3A_30 = arith.constant 0 : index
      %swap3A_31 = vector.load %arg18[%swap3A, %swap3A_30] : memref<128x128xf32, #tpu.memory_space<vmem>>, vector<128x128xf32>
      tpu.vector_store %arg18[%swap3A, %swap3A_30], %div3A_29 {strides = array<i32>} : memref<128x128xf32, #tpu.memory_space<vmem>>, vector<128x128xf32>,
    } else {
    }
    %ge3A = arith.constant 1 : i32
    %ge3A_3 = arith.cmpi sge, %arg1, %ge3A : i32
    %le3A = arith.constant 16 : i32
    %le3A_4 = arith.cmpi sle, %arg1, %le3A : i32
    %and3A = arith.andi %ge3A_3, %le3A_4 : i1
    %convert_element_type3A_5 = arith.extui %and3A : i1 to i32
    %cond3A_6 = arith.constant 0 : i32
    %cond3A_7 = arith.cmpi ne, %convert_element_type3A_5, %cond3A_6 : i32
    scf.if %cond3A_7 {
      %sub3A = arith.constant 1 : i32
      %sub3A_12 = arith.subi %arg1, %sub3A : i32
      %mul3A = arith.constant 256 : i32
      %mul3A_13 = arith.muli %sub3A_12, %mul3A : i32
      %get3A = arith.constant 0 : index
      %get3A_14 = arith.constant 0 : index
      %get3A_15 = arith.index_cast %mul3A_13 : i32 to index
      %get3A_16 = vector.load %arg4[%get3A, %get3A_14, %get3A_15] : memref<1x1x4096xf32, #tpu.memory_space<vmem>>, vector<1x1x256xf32>
      %get3A_17 = vector.shape_cast %get3A_16 : vector<1x1x256xf32> to vector<256xf32>
      %broadcast_in_dim3A = vector.shape_cast %get3A_17 : vector<256xf32> to vector<256x1xf32>
      %eq3A_18 = vector.broadcast %broadcast_in_dim3A : vector<256x1xf32> to vector<256x128xf32>
      %eq3A_19 = vector.broadcast %convert_element_type3A : vector<1x128xf32> to vector<256x128xf32>
      %eq3A_20 = arith.cmpf oeq, %eq3A_18, %eq3A_19 : vector<256x128xf32>
      %convert_element_type3A_21 = arith.extui %eq3A_20 : vector<256x128xi1> to vector<256x128xi32>
      %convert_element_type3A_22 = arith.sitofp %convert_element_type3A_21 : vector<256x128xi32> to vector<256x128xf32>
      %get3A_23 = arith.constant 0 : index
      %get3A_24 = arith.constant 0 : index
      %get3A_25 = vector.load %arg18[%get3A_23, %get3A_24] : memref<128x128xf32, #tpu.memory_space<vmem>>, vector<128x128xf32>
      %dot_general3A = arith.constant dense<0.000000e+00> : vector<256x128xf32>
      %dot_general3A_26 = tpu.matmul %convert_element_type3A_22, %get3A_25, %dot_general3A {dimension_numbers = #tpu.dot_dimension_numbers<[1], [0], [0], [1], [0, 0, 1, 1], [], []>, transpose_lhs_hint = false} : vector<256x128xf32>, vector<128x128xf32>, vector<256x128xf32> -> vector<256x128xf32>
      %mul3A_27 = arith.constant 256 : i32
      %mul3A_28 = arith.muli %sub3A_12, %mul3A_27 : i32
      %get3A_29 = arith.constant 0 : index
      %get3A_30 = arith.index_cast %mul3A_28 : i32 to index
      %get3A_31 = arith.constant 0 : index
      %get3A_32 = vector.load %arg5[%get3A_29, %get3A_30, %get3A_31] : memref<1x4096x128xf32, #tpu.memory_space<vmem>>, vector<1x256x128xf32>
      %get3A_33 = vector.shape_cast %get3A_32 : vector<1x256x128xf32> to vector<256x128xf32>
      %sub3A_34 = arith.subf %get3A_33, %dot_general3A_26 : vector<256x128xf32>
      %mul3A_35 = arith.mulf %sub3A_34, %sub3A_34 : vector<256x128xf32>
      %reduce_sum3A = arith.constant dense<0.000000e+00> : vector<256xf32>
      %reduce_sum3A_36 = vector.multi_reduction <add>, %mul3A_35, %reduce_sum3A [1] : vector<256x128xf32> to vector<256xf32>
      %broadcast_in_dim3A_37 = vector.shape_cast %reduce_sum3A_36 : vector<256xf32> to vector<256x1xf32>
      %sqrt3A = math.sqrt %broadcast_in_dim3A_37 : vector<256x1xf32>
      %get3A_38 = arith.constant 0 : index
      %get3A_39 = arith.constant 0 : index
      %get3A_40 = vector.load %arg7[%get3A_38, %get3A_39] : memref<128x512xf32, #tpu.memory_space<vmem>>, vector<128x512xf32>
      %dot_general3A_41 = arith.constant dense<0.000000e+00> : vector<256x512xf32>
      %dot_general3A_42 = tpu.matmul %sub3A_34, %get3A_40, %dot_general3A_41 {dimension_numbers = #tpu.dot_dimension_numbers<[1], [0], [0], [1], [0, 0, 1, 1], [], []>, transpose_lhs_hint = false} : vector<256x128xf32>, vector<128x512xf32>, vector<256x512xf32> -> vector<256x512xf32>
      %get3A_43 = arith.constant 0 : index
      %get3A_44 = arith.constant 0 : index
      %get3A_45 = arith.constant 0 : index
      %get3A_46 = vector.load %arg6[%get3A_43, %get3A_44, %get3A_45] : memref<1x256x128xf32, #tpu.memory_space<vmem>>, vector<1x256x128xf32>
      %get3A_47 = vector.shape_cast %get3A_46 : vector<1x256x128xf32> to vector<256x128xf32>
      %get3A_48 = arith.constant 0 : index
      %get3A_49 = arith.constant 0 : index
      %get3A_50 = vector.load %arg8[%get3A_48, %get3A_49] : memref<128x512xf32, #tpu.memory_space<vmem>>, vector<128x512xf32>
      %dot_general3A_51 = arith.constant dense<0.000000e+00> : vector<256x512xf32>
      %dot_general3A_52 = tpu.matmul %get3A_47, %get3A_50, %dot_general3A_51 {dimension_numbers = #tpu.dot_dimension_numbers<[1], [0], [0], [1], [0, 0, 1, 1], [], []>, transpose_lhs_hint = false} : vector<256x128xf32>, vector<128x512xf32>, vector<256x512xf32> -> vector<256x512xf32>
      %add3A = arith.addf %dot_general3A_42, %dot_general3A_52 : vector<256x512xf32>
      %get3A_53 = arith.constant 0 : index
      %get3A_54 = arith.constant 0 : index
      %get3A_55 = vector.load %arg9[%get3A_53, %get3A_54] : memref<1x512xf32, #tpu.memory_space<vmem>>, vector<1x512xf32>
      %mul3A_56 = vector.broadcast %sqrt3A : vector<256x1xf32> to vector<256x512xf32>
      %mul3A_57 = vector.broadcast %get3A_55 : vector<1x512xf32> to vector<256x512xf32>
      %mul3A_58 = arith.mulf %mul3A_56, %mul3A_57 : vector<256x512xf32>
      %add3A_59 = arith.addf %add3A, %mul3A_58 : vector<256x512xf32>
      %get3A_60 = arith.constant 0 : index
      %get3A_61 = arith.constant 0 : index
      %get3A_62 = vector.load %arg10[%get3A_60, %get3A_61] : memref<1x512xf32, #tpu.memory_space<vmem>>, vector<1x512xf32>
      %add3A_63 = vector.broadcast %get3A_62 : vector<1x512xf32> to vector<256x512xf32>
      %add3A_64 = arith.addf %add3A_59, %add3A_63 : vector<256x512xf32>
      %slice3A = vector.extract_strided_slice %add3A_64 {offsets = [0, 0], sizes = [256, 256], strides = [1, 1]} : vector<256x512xf32> to vector<256x256xf32>
      %slice3A_65 = vector.extract_strided_slice %add3A_64 {offsets = [0, 256], sizes = [256, 256], strides = [1, 1]} : vector<256x512xf32> to vector<256x256xf32>
      %get3A_66 = arith.constant 0 : index
      %get3A_67 = arith.constant 0 : index
      %get3A_68 = vector.load %arg11[%get3A_66, %get3A_67] : memref<256x512xf32, #tpu.memory_space<vmem>>, vector<256x512xf32>
      %dot_general3A_69 = arith.constant dense<0.000000e+00> : vector<256x512xf32>
      %dot_general3A_70 = tpu.matmul %slice3A_65, %get3A_68, %dot_general3A_69 {dimension_numbers = #tpu.dot_dimension_numbers<[1], [0], [0], [1], [0, 0, 1, 1], [], []>, transpose_lhs_hint = false} : vector<256x256xf32>, vector<256x512xf32>, vector<256x512xf32> -> vector<256x512xf32>
      %get3A_71 = arith.constant 0 : index
      %get3A_72 = arith.constant 0 : index
      %get3A_73 = vector.load %arg12[%get3A_71, %get3A_72] : memref<1x512xf32, #tpu.memory_space<vmem>>, vector<1x512xf32>
      %add3A_74 = vector.broadcast %get3A_73 : vector<1x512xf32> to vector<256x512xf32>
      %add3A_75 = arith.addf %dot_general3A_70, %add3A_74 : vector<256x512xf32>
      %slice3A_76 = vector.extract_strided_slice %add3A_75 {offsets = [0, 0], sizes = [256, 256], strides = [1, 1]} : vector<256x512xf32> to vector<256x256xf32>
      %mul3A_77 = arith.constant 256 : i32
      %mul3A_78 = arith.muli %sub3A_12, %mul3A_77 : i32
      %swap3A = arith.index_cast %mul3A_78 : i32 to index
      %swap3A_79 = arith.constant 0 : index
      %swap3A_80 = vector.load %arg19[%swap3A, %swap3A_79] : memref<4096x256xf32, #tpu.memory_space<vmem>>, vector<256x256xf32>
      tpu.vector_store %arg19[%swap3A, %swap3A_79], %slice3A_76 {strides = array<i32>} : memref<4096x256xf32, #tpu.memory_space<vmem>>, vector<256x256xf32>,
      %slice3A_81 = vector.extract_strided_slice %add3A_75 {offsets = [0, 256], sizes = [256, 256], strides = [1, 1]} : vector<256x512xf32> to vector<256x256xf32>
      %mul3A_82 = arith.constant 256 : i32
      %mul3A_83 = arith.muli %sub3A_12, %mul3A_82 : i32
      %swap3A_84 = arith.index_cast %mul3A_83 : i32 to index
      %swap3A_85 = arith.constant 0 : index
      %swap3A_86 = vector.load %arg20[%swap3A_84, %swap3A_85] : memref<4096x256xf32, #tpu.memory_space<vmem>>, vector<256x256xf32>
      tpu.vector_store %arg20[%swap3A_84, %swap3A_85], %slice3A_81 {strides = array<i32>} : memref<4096x256xf32, #tpu.memory_space<vmem>>, vector<256x256xf32>,
      %get3A_87 = arith.constant 0 : index
      %get3A_88 = arith.constant 0 : index
      %get3A_89 = vector.load %arg13[%get3A_87, %get3A_88] : memref<256x256xf32, #tpu.memory_space<vmem>>, vector<256x256xf32>
      %dot_general3A_90 = arith.constant dense<0.000000e+00> : vector<256x256xf32>
      %dot_general3A_91 = tpu.matmul %slice3A, %get3A_89, %dot_general3A_90 {dimension_numbers = #tpu.dot_dimension_numbers<[1], [0], [0], [1], [0, 0, 1, 1], [], []>, transpose_lhs_hint = false} : vector<256x256xf32>, vector<256x256xf32>, vector<256x256xf32> -> vector<256x256xf32>
      %mul3A_92 = arith.constant 256 : i32
      %mul3A_93 = arith.muli %sub3A_12, %mul3A_92 : i32
      %swap3A_94 = arith.index_cast %mul3A_93 : i32 to index
      %swap3A_95 = arith.constant 0 : index
      %swap3A_96 = vector.load %arg21[%swap3A_94, %swap3A_95] : memref<4096x256xf32, #tpu.memory_space<vmem>>, vector<256x256xf32>
      tpu.vector_store %arg21[%swap3A_94, %swap3A_95], %dot_general3A_91 {strides = array<i32>} : memref<4096x256xf32, #tpu.memory_space<vmem>>, vector<256x256xf32>,
      %mul3A_97 = arith.constant 256 : i32
      %mul3A_98 = arith.muli %sub3A_12, %mul3A_97 : i32
      %swap3A_99 = arith.index_cast %mul3A_98 : i32 to index
      %swap3A_100 = arith.constant 0 : index
      %swap3A_101 = vector.load %arg22[%swap3A_99, %swap3A_100] : memref<4096x256xf32, #tpu.memory_space<vmem>>, vector<256x256xf32>
      tpu.vector_store %arg22[%swap3A_99, %swap3A_100], %slice3A {strides = array<i32>} : memref<4096x256xf32, #tpu.memory_space<vmem>>, vector<256x256xf32>,
    } else {
    }
    %gt3A = arith.constant 16 : i32
    %gt3A_8 = arith.cmpi sgt, %arg1, %gt3A : i32
    %convert_element_type3A_9 = arith.extui %gt3A_8 : i1 to i32
    %cond3A_10 = arith.constant 0 : i32
    %cond3A_11 = arith.cmpi ne, %convert_element_type3A_9, %cond3A_10 : i32
    scf.if %cond3A_11 {
      %sub3A = arith.constant 16 : i32
      %sub3A_12 = arith.subi %arg1, %sub3A : i32
      %sub3A_13 = arith.constant 1 : i32
      %sub3A_14 = arith.subi %sub3A_12, %sub3A_13 : i32
      %get3A = arith.index_cast %arg0 : i32 to index
      %get3A_15 = arith.index_cast %sub3A_14 : i32 to index
      %get3A_16 = memref.load %arg2[%get3A, %get3A_15] : memref<2x16xi32, #tpu.memory_space<smem>>
      %get3A_17 = arith.index_cast %arg0 : i32 to index
      %get3A_18 = arith.index_cast %sub3A_14 : i32 to index
      %get3A_19 = memref.load %arg3[%get3A_17, %get3A_18] : memref<2x16xi32, #tpu.memory_space<smem>>
      %mul3A = arith.constant 256 : i32
      %mul3A_20 = arith.muli %sub3A_14, %mul3A : i32
      %get3A_21 = arith.index_cast %mul3A_20 : i32 to index
      %get3A_22 = arith.constant 0 : index
      %get3A_23 = vector.load %arg19[%get3A_21, %get3A_22] : memref<4096x256xf32, #tpu.memory_space<vmem>>, vector<256x256xf32>
      %mul3A_24 = arith.constant 256 : i32
      %mul3A_25 = arith.muli %sub3A_14, %mul3A_24 : i32
      %get3A_26 = arith.constant 0 : index
      %get3A_27 = arith.constant 0 : index
      %get3A_28 = arith.index_cast %mul3A_25 : i32 to index
      %get3A_29 = vector.load %arg4[%get3A_26, %get3A_27, %get3A_28] : memref<1x1x4096xf32, #tpu.memory_space<vmem>>, vector<1x1x256xf32>
      %get3A_30 = vector.shape_cast %get3A_29 : vector<1x1x256xf32> to vector<256xf32>
      %broadcast_in_dim3A = arith.constant -1.000000e+09 : f32
      %broadcast_in_dim3A_31 = vector.broadcast %broadcast_in_dim3A : f32 to vector<256x1xf32>
      %broadcast_in_dim3A_32 = arith.constant 0.000000e+00 : f32
      %broadcast_in_dim3A_33 = vector.broadcast %broadcast_in_dim3A_32 : f32 to vector<256x1xf32>
      %broadcast_in_dim3A_34 = arith.constant 0.000000e+00 : f32
      %broadcast_in_dim3A_35 = vector.broadcast %broadcast_in_dim3A_34 : f32 to vector<256x256xf32>
      %while3A = arith.constant 0 : i32
      %while3A_36 = arith.subi %get3A_19, %while3A : i32
      %while3A_37 = arith.addi %while3A, %while3A_36 : i32
      %while3A_38 = arith.constant 1 : i32
      %while3A_39 = arith.divsi %while3A_36, %while3A_38 : i32
      %while3A_40 = arith.muli %while3A_39, %while3A_38 : i32
      %while3A_41 = arith.addi %while3A, %while3A_40 : i32
      %while3A_42 = arith.constant 1 : i32
      %while3A_43:3 = scf.for %while3A_95 = %while3A to %while3A_41 step %while3A_42 iter_args(%while3A_96 = %broadcast_in_dim3A_31, %while3A_97 = %broadcast_in_dim3A_33, %while3A_98 = %broadcast_in_dim3A_35) -> (vector<256x1xf32>, vector<256x1xf32>, vector<256x256xf32>)  : i32 {
        %add3A_99 = arith.addi %get3A_16, %while3A_95 : i32
        %mul3A_100 = arith.constant 256 : i32
        %mul3A_101 = arith.muli %add3A_99, %mul3A_100 : i32
        %get3A_102 = arith.index_cast %mul3A_101 : i32 to index
        %get3A_103 = arith.constant 0 : index
        %get3A_104 = vector.load %arg20[%get3A_102, %get3A_103] : memref<4096x256xf32, #tpu.memory_space<vmem>>, vector<256x256xf32>
        %get3A_105 = arith.constant 0 : index
        %get3A_106 = arith.constant 0 : index
        %get3A_107 = arith.index_cast %mul3A_101 : i32 to index
        %get3A_108 = vector.load %arg4[%get3A_105, %get3A_106, %get3A_107] : memref<1x1x4096xf32, #tpu.memory_space<vmem>>, vector<1x1x256xf32>
        %get3A_109 = vector.shape_cast %get3A_108 : vector<1x1x256xf32> to vector<256xf32>
        %dot_general3A = arith.constant dense<0.000000e+00> : vector<256x256xf32>
        %dot_general3A_110 = tpu.matmul %get3A_23, %get3A_104, %dot_general3A {dimension_numbers = #tpu.dot_dimension_numbers<[1], [1], [0], [0], [0, 0, 1, 0], [], []>, transpose_lhs_hint = false} : vector<256x256xf32>, vector<256x256xf32>, vector<256x256xf32> -> vector<256x256xf32>
        %mul3A_111 = arith.constant 6.250000e-02 : f32
        %mul3A_112 = vector.broadcast %mul3A_111 : f32 to vector<256x256xf32>
        %mul3A_113 = arith.mulf %dot_general3A_110, %mul3A_112 : vector<256x256xf32>
        %broadcast_in_dim3A_114 = vector.shape_cast %get3A_30 : vector<256xf32> to vector<256x1xf32>
        %broadcast_in_dim3A_115 = vector.shape_cast %get3A_109 : vector<256xf32> to vector<1x256xf32>
        %eq3A_116 = vector.broadcast %broadcast_in_dim3A_114 : vector<256x1xf32> to vector<256x256xf32>
        %eq3A_117 = vector.broadcast %broadcast_in_dim3A_115 : vector<1x256xf32> to vector<256x256xf32>
        %eq3A_118 = arith.cmpf oeq, %eq3A_116, %eq3A_117 : vector<256x256xf32>
        %jit3A = arith.constant -1.000000e+09 : f32
        %broadcast_in_dim3A_119 = vector.broadcast %jit3A : f32 to vector<256x256xf32>
        %select_n3A = arith.select %eq3A_118, %mul3A_113, %broadcast_in_dim3A_119 : vector<256x256xi1>, vector<256x256xf32>
        %reduce_max3A = arith.constant dense<0xFF800000> : vector<256xf32>
        %reduce_max3A_120 = vector.multi_reduction <maximumf>, %select_n3A, %reduce_max3A [1] : vector<256x256xf32> to vector<256xf32>
        %broadcast_in_dim3A_121 = vector.shape_cast %reduce_max3A_120 : vector<256xf32> to vector<256x1xf32>
        %max3A = arith.maximumf %while3A_96, %broadcast_in_dim3A_121 : vector<256x1xf32>
        %sub3A_122 = vector.broadcast %max3A : vector<256x1xf32> to vector<256x256xf32>
        %sub3A_123 = arith.subf %select_n3A, %sub3A_122 : vector<256x256xf32>
        %exp3A = math.exp %sub3A_123 : vector<256x256xf32>
        %sub3A_124 = arith.subf %while3A_96, %max3A : vector<256x1xf32>
        %exp3A_125 = math.exp %sub3A_124 : vector<256x1xf32>
        %get3A_126 = arith.index_cast %mul3A_101 : i32 to index
        %get3A_127 = arith.constant 0 : index
        %get3A_128 = vector.load %arg21[%get3A_126, %get3A_127] : memref<4096x256xf32, #tpu.memory_space<vmem>>, vector<256x256xf32>
        %mul3A_129 = arith.mulf %while3A_97, %exp3A_125 : vector<256x1xf32>
        %reduce_sum3A_130 = arith.constant dense<0.000000e+00> : vector<256xf32>
        %reduce_sum3A_131 = vector.multi_reduction <add>, %exp3A, %reduce_sum3A_130 [1] : vector<256x256xf32> to vector<256xf32>
        %broadcast_in_dim3A_132 = vector.shape_cast %reduce_sum3A_131 : vector<256xf32> to vector<256x1xf32>
        %add3A_133 = arith.addf %mul3A_129, %broadcast_in_dim3A_132 : vector<256x1xf32>
        %mul3A_134 = vector.broadcast %exp3A_125 : vector<256x1xf32> to vector<256x256xf32>
        %mul3A_135 = arith.mulf %while3A_98, %mul3A_134 : vector<256x256xf32>
        %dot_general3A_136 = arith.constant dense<0.000000e+00> : vector<256x256xf32>
        %dot_general3A_137 = tpu.matmul %exp3A, %get3A_128, %dot_general3A_136 {dimension_numbers = #tpu.dot_dimension_numbers<[1], [0], [0], [1], [0, 0, 1, 1], [], []>, transpose_lhs_hint = false} : vector<256x256xf32>, vector<256x256xf32>, vector<256x256xf32> -> vector<256x256xf32>
        %add3A_138 = arith.addf %mul3A_135, %dot_general3A_137 : vector<256x256xf32>
        scf.yield %max3A, %add3A_133, %add3A_138 : vector<256x1xf32>, vector<256x1xf32>, vector<256x256xf32>
      }
      %while3A_44 = arith.constant 1 : i32
      %while3A_45:3 = scf.for %while3A_95 = %while3A_41 to %while3A_37 step %while3A_44 iter_args(%while3A_96 = %while3A_43#0, %while3A_97 = %while3A_43#1, %while3A_98 = %while3A_43#2) -> (vector<256x1xf32>, vector<256x1xf32>, vector<256x256xf32>)  : i32 {
        %add3A_99 = arith.addi %get3A_16, %while3A_95 : i32
        %mul3A_100 = arith.constant 256 : i32
        %mul3A_101 = arith.muli %add3A_99, %mul3A_100 : i32
        %get3A_102 = arith.index_cast %mul3A_101 : i32 to index
        %get3A_103 = arith.constant 0 : index
        %get3A_104 = vector.load %arg20[%get3A_102, %get3A_103] : memref<4096x256xf32, #tpu.memory_space<vmem>>, vector<256x256xf32>
        %get3A_105 = arith.constant 0 : index
        %get3A_106 = arith.constant 0 : index
        %get3A_107 = arith.index_cast %mul3A_101 : i32 to index
        %get3A_108 = vector.load %arg4[%get3A_105, %get3A_106, %get3A_107] : memref<1x1x4096xf32, #tpu.memory_space<vmem>>, vector<1x1x256xf32>
        %get3A_109 = vector.shape_cast %get3A_108 : vector<1x1x256xf32> to vector<256xf32>
        %dot_general3A = arith.constant dense<0.000000e+00> : vector<256x256xf32>
        %dot_general3A_110 = tpu.matmul %get3A_23, %get3A_104, %dot_general3A {dimension_numbers = #tpu.dot_dimension_numbers<[1], [1], [0], [0], [0, 0, 1, 0], [], []>, transpose_lhs_hint = false} : vector<256x256xf32>, vector<256x256xf32>, vector<256x256xf32> -> vector<256x256xf32>
        %mul3A_111 = arith.constant 6.250000e-02 : f32
        %mul3A_112 = vector.broadcast %mul3A_111 : f32 to vector<256x256xf32>
        %mul3A_113 = arith.mulf %dot_general3A_110, %mul3A_112 : vector<256x256xf32>
        %broadcast_in_dim3A_114 = vector.shape_cast %get3A_30 : vector<256xf32> to vector<256x1xf32>
        %broadcast_in_dim3A_115 = vector.shape_cast %get3A_109 : vector<256xf32> to vector<1x256xf32>
        %eq3A_116 = vector.broadcast %broadcast_in_dim3A_114 : vector<256x1xf32> to vector<256x256xf32>
        %eq3A_117 = vector.broadcast %broadcast_in_dim3A_115 : vector<1x256xf32> to vector<256x256xf32>
        %eq3A_118 = arith.cmpf oeq, %eq3A_116, %eq3A_117 : vector<256x256xf32>
        %jit3A = arith.constant -1.000000e+09 : f32
        %broadcast_in_dim3A_119 = vector.broadcast %jit3A : f32 to vector<256x256xf32>
        %select_n3A = arith.select %eq3A_118, %mul3A_113, %broadcast_in_dim3A_119 : vector<256x256xi1>, vector<256x256xf32>
        %reduce_max3A = arith.constant dense<0xFF800000> : vector<256xf32>
        %reduce_max3A_120 = vector.multi_reduction <maximumf>, %select_n3A, %reduce_max3A [1] : vector<256x256xf32> to vector<256xf32>
        %broadcast_in_dim3A_121 = vector.shape_cast %reduce_max3A_120 : vector<256xf32> to vector<256x1xf32>
        %max3A = arith.maximumf %while3A_96, %broadcast_in_dim3A_121 : vector<256x1xf32>
        %sub3A_122 = vector.broadcast %max3A : vector<256x1xf32> to vector<256x256xf32>
        %sub3A_123 = arith.subf %select_n3A, %sub3A_122 : vector<256x256xf32>
        %exp3A = math.exp %sub3A_123 : vector<256x256xf32>
        %sub3A_124 = arith.subf %while3A_96, %max3A : vector<256x1xf32>
        %exp3A_125 = math.exp %sub3A_124 : vector<256x1xf32>
        %get3A_126 = arith.index_cast %mul3A_101 : i32 to index
        %get3A_127 = arith.constant 0 : index
        %get3A_128 = vector.load %arg21[%get3A_126, %get3A_127] : memref<4096x256xf32, #tpu.memory_space<vmem>>, vector<256x256xf32>
        %mul3A_129 = arith.mulf %while3A_97, %exp3A_125 : vector<256x1xf32>
        %reduce_sum3A_130 = arith.constant dense<0.000000e+00> : vector<256xf32>
        %reduce_sum3A_131 = vector.multi_reduction <add>, %exp3A, %reduce_sum3A_130 [1] : vector<256x256xf32> to vector<256xf32>
        %broadcast_in_dim3A_132 = vector.shape_cast %reduce_sum3A_131 : vector<256xf32> to vector<256x1xf32>
        %add3A_133 = arith.addf %mul3A_129, %broadcast_in_dim3A_132 : vector<256x1xf32>
        %mul3A_134 = vector.broadcast %exp3A_125 : vector<256x1xf32> to vector<256x256xf32>
        %mul3A_135 = arith.mulf %while3A_98, %mul3A_134 : vector<256x256xf32>
        %dot_general3A_136 = arith.constant dense<0.000000e+00> : vector<256x256xf32>
        %dot_general3A_137 = tpu.matmul %exp3A, %get3A_128, %dot_general3A_136 {dimension_numbers = #tpu.dot_dimension_numbers<[1], [0], [0], [1], [0, 0, 1, 1], [], []>, transpose_lhs_hint = false} : vector<256x256xf32>, vector<256x256xf32>, vector<256x256xf32> -> vector<256x256xf32>
        %add3A_138 = arith.addf %mul3A_135, %dot_general3A_137 : vector<256x256xf32>
        scf.yield %max3A, %add3A_133, %add3A_138 : vector<256x1xf32>, vector<256x1xf32>, vector<256x256xf32>
      }
      %div3A = vector.broadcast %while3A_45#1 : vector<256x1xf32> to vector<256x256xf32>
      %div3A_46 = arith.divf %while3A_45#2, %div3A : vector<256x256xf32>
      %get3A_47 = arith.constant 0 : index
      %get3A_48 = arith.constant 0 : index
      %get3A_49 = vector.load %arg14[%get3A_47, %get3A_48] : memref<1x256xf32, #tpu.memory_space<vmem>>, vector<1x256xf32>
      %add3A = vector.broadcast %get3A_49 : vector<1x256xf32> to vector<256x256xf32>
      %add3A_50 = arith.addf %div3A_46, %add3A : vector<256x256xf32>
      %mul3A_51 = arith.constant 256 : i32
      %mul3A_52 = arith.muli %sub3A_14, %mul3A_51 : i32
      %get3A_53 = arith.index_cast %mul3A_52 : i32 to index
      %get3A_54 = arith.constant 0 : index
      %get3A_55 = vector.load %arg22[%get3A_53, %get3A_54] : memref<4096x256xf32, #tpu.memory_space<vmem>>, vector<256x256xf32>
      %add3A_56 = arith.addf %add3A_50, %get3A_55 : vector<256x256xf32>
      %reduce_sum3A = arith.constant dense<0.000000e+00> : vector<256xf32>
      %reduce_sum3A_57 = vector.multi_reduction <add>, %add3A_56, %reduce_sum3A [1] : vector<256x256xf32> to vector<256xf32>
      %broadcast_in_dim3A_58 = vector.shape_cast %reduce_sum3A_57 : vector<256xf32> to vector<256x1xf32>
      %div3A_59 = arith.constant 2.560000e+02 : f32
      %div3A_60 = vector.broadcast %div3A_59 : f32 to vector<256x1xf32>
      %div3A_61 = arith.divf %broadcast_in_dim3A_58, %div3A_60 : vector<256x1xf32>
      %sub3A_62 = vector.broadcast %div3A_61 : vector<256x1xf32> to vector<256x256xf32>
      %sub3A_63 = arith.subf %add3A_56, %sub3A_62 : vector<256x256xf32>
      %sub3A_64 = vector.broadcast %div3A_61 : vector<256x1xf32> to vector<256x256xf32>
      %sub3A_65 = arith.subf %add3A_56, %sub3A_64 : vector<256x256xf32>
      %mul3A_66 = arith.mulf %sub3A_63, %sub3A_65 : vector<256x256xf32>
      %reduce_sum3A_67 = arith.constant dense<0.000000e+00> : vector<256xf32>
      %reduce_sum3A_68 = vector.multi_reduction <add>, %mul3A_66, %reduce_sum3A_67 [1] : vector<256x256xf32> to vector<256xf32>
      %broadcast_in_dim3A_69 = vector.shape_cast %reduce_sum3A_68 : vector<256xf32> to vector<256x1xf32>
      %div3A_70 = arith.constant 2.560000e+02 : f32
      %div3A_71 = vector.broadcast %div3A_70 : f32 to vector<256x1xf32>
      %div3A_72 = arith.divf %broadcast_in_dim3A_69, %div3A_71 : vector<256x1xf32>
      %sub3A_73 = vector.broadcast %div3A_61 : vector<256x1xf32> to vector<256x256xf32>
      %sub3A_74 = arith.subf %add3A_56, %sub3A_73 : vector<256x256xf32>
      %add3A_75 = arith.constant 9.99999974E-6 : f32
      %add3A_76 = vector.broadcast %add3A_75 : f32 to vector<256x1xf32>
      %add3A_77 = arith.addf %div3A_72, %add3A_76 : vector<256x1xf32>
      %rsqrt3A = math.rsqrt %add3A_77 : vector<256x1xf32>
      %mul3A_78 = vector.broadcast %rsqrt3A : vector<256x1xf32> to vector<256x256xf32>
      %mul3A_79 = arith.mulf %sub3A_74, %mul3A_78 : vector<256x256xf32>
      %get3A_80 = arith.constant 0 : index
      %get3A_81 = arith.constant 0 : index
      %get3A_82 = vector.load %arg15[%get3A_80, %get3A_81] : memref<1x256xf32, #tpu.memory_space<vmem>>, vector<1x256xf32>
      %mul3A_83 = vector.broadcast %get3A_82 : vector<1x256xf32> to vector<256x256xf32>
      %mul3A_84 = arith.mulf %mul3A_79, %mul3A_83 : vector<256x256xf32>
      %get3A_85 = arith.constant 0 : index
      %get3A_86 = arith.constant 0 : index
      %get3A_87 = vector.load %arg16[%get3A_85, %get3A_86] : memref<1x256xf32, #tpu.memory_space<vmem>>, vector<1x256xf32>
      %add3A_88 = vector.broadcast %get3A_87 : vector<1x256xf32> to vector<256x256xf32>
      %add3A_89 = arith.addf %mul3A_84, %add3A_88 : vector<256x256xf32>
      %swap3A = arith.constant 0 : index
      %swap3A_90 = arith.constant 0 : index
      %swap3A_91 = arith.constant 0 : index
      %swap3A_92 = vector.load %arg17[%swap3A, %swap3A_90, %swap3A_91] : memref<1x256x256xf32, #tpu.memory_space<vmem>>, vector<1x256x256xf32>
      %swap3A_93 = vector.shape_cast %swap3A_92 : vector<1x256x256xf32> to vector<256x256xf32>
      %swap3A_94 = vector.shape_cast %add3A_89 : vector<256x256xf32> to vector<1x256x256xf32>
      tpu.vector_store %arg17[%swap3A, %swap3A_90, %swap3A_91], %swap3A_94 {strides = array<i32>} : memref<1x256x256xf32, #tpu.memory_space<vmem>>, vector<1x256x256xf32>,
    } else {
    }
    return
  }
  func.func @transform_0(%arg0: i32, %arg1: i32) -> (i32, i32) {
    %c0_i32 = arith.constant 0 : i32
    %c0_i32_0 = arith.constant 0 : i32
    %c0_i32_1 = arith.constant 0 : i32
    return %c0_i32, %c0_i32_0 : i32, i32
  }
  func.func @transform_1(%arg0: i32, %arg1: i32) -> (i32, i32) {
    %c0_i32 = arith.constant 0 : i32
    %c0_i32_0 = arith.constant 0 : i32
    %c0_i32_1 = arith.constant 0 : i32
    return %c0_i32, %c0_i32_0 : i32, i32
  }
  func.func @transform_2(%arg0: i32, %arg1: i32) -> (i32, i32, i32) {
    %c0_i32 = arith.constant 0 : i32
    %c0_i32_0 = arith.constant 0 : i32
    %c0_i32_1 = arith.constant 0 : i32
    return %arg0, %c0_i32, %c0_i32_0 : i32, i32, i32
  }
  func.func @transform_3(%arg0: i32, %arg1: i32) -> (i32, i32, i32) {
    %c0_i32 = arith.constant 0 : i32
    %c0_i32_0 = arith.constant 0 : i32
    %c0_i32_1 = arith.constant 0 : i32
    return %arg0, %c0_i32, %c0_i32_0 : i32, i32, i32
  }
  func.func @transform_4(%arg0: i32, %arg1: i32) -> (i32, i32, i32) {
    %sub3A = arith.constant 1 : i32
    %sub3A_0 = arith.subi %arg1, %sub3A : i32
    %jit3A = arith.constant 0 : i32
    %jit3A_1 = arith.constant 15 : i32
    %max3A = arith.maxsi %jit3A, %sub3A_0 : i32
    %min3A = arith.minsi %jit3A_1, %max3A : i32
    %c0_i32 = arith.constant 0 : i32
    %c0_i32_2 = arith.constant 0 : i32
    return %arg0, %min3A, %c0_i32 : i32, i32, i32
  }
  func.func @transform_5(%arg0: i32, %arg1: i32) -> (i32, i32) {
    %c0_i32 = arith.constant 0 : i32
    %c0_i32_0 = arith.constant 0 : i32
    %c0_i32_1 = arith.constant 0 : i32
    return %c0_i32, %c0_i32_0 : i32, i32
  }
  func.func @transform_6(%arg0: i32, %arg1: i32) -> (i32, i32) {
    %c0_i32 = arith.constant 0 : i32
    %c0_i32_0 = arith.constant 0 : i32
    %c0_i32_1 = arith.constant 0 : i32
    return %c0_i32, %c0_i32_0 : i32, i32
  }
  func.func @transform_7(%arg0: i32, %arg1: i32) -> (i32, i32) {
    %c0_i32 = arith.constant 0 : i32
    %c0_i32_0 = arith.constant 0 : i32
    %c0_i32_1 = arith.constant 0 : i32
    return %c0_i32, %c0_i32_0 : i32, i32
  }
  func.func @transform_8(%arg0: i32, %arg1: i32) -> (i32, i32) {
    %c0_i32 = arith.constant 0 : i32
    %c0_i32_0 = arith.constant 0 : i32
    %c0_i32_1 = arith.constant 0 : i32
    return %c0_i32, %c0_i32_0 : i32, i32
  }
  func.func @transform_9(%arg0: i32, %arg1: i32) -> (i32, i32) {
    %c0_i32 = arith.constant 0 : i32
    %c0_i32_0 = arith.constant 0 : i32
    %c0_i32_1 = arith.constant 0 : i32
    return %c0_i32, %c0_i32_0 : i32, i32
  }
  func.func @transform_10(%arg0: i32, %arg1: i32) -> (i32, i32) {
    %c0_i32 = arith.constant 0 : i32
    %c0_i32_0 = arith.constant 0 : i32
    %c0_i32_1 = arith.constant 0 : i32
    return %c0_i32, %c0_i32_0 : i32, i32
  }
  func.func @transform_11(%arg0: i32, %arg1: i32) -> (i32, i32) {
    %c0_i32 = arith.constant 0 : i32
    %c0_i32_0 = arith.constant 0 : i32
    %c0_i32_1 = arith.constant 0 : i32
    return %c0_i32, %c0_i32_0 : i32, i32
  }
  func.func @transform_12(%arg0: i32, %arg1: i32) -> (i32, i32) {
    %c0_i32 = arith.constant 0 : i32
    %c0_i32_0 = arith.constant 0 : i32
    %c0_i32_1 = arith.constant 0 : i32
    return %c0_i32, %c0_i32_0 : i32, i32
  }
  func.func @transform_13(%arg0: i32, %arg1: i32) -> (i32, i32) {
    %c0_i32 = arith.constant 0 : i32
    %c0_i32_0 = arith.constant 0 : i32
    %c0_i32_1 = arith.constant 0 : i32
    return %c0_i32, %c0_i32_0 : i32, i32
  }
  func.func @transform_14(%arg0: i32, %arg1: i32) -> (i32, i32) {
    %c0_i32 = arith.constant 0 : i32
    %c0_i32_0 = arith.constant 0 : i32
    %c0_i32_1 = arith.constant 0 : i32
    return %c0_i32, %c0_i32_0 : i32, i32
  }
  func.func @transform_15(%arg0: i32, %arg1: i32) -> (i32, i32, i32) {
    %sub3A = arith.constant 17 : i32
    %sub3A_0 = arith.subi %arg1, %sub3A : i32
    %jit3A = arith.constant 0 : i32
    %jit3A_1 = arith.constant 15 : i32
    %max3A = arith.maxsi %jit3A, %sub3A_0 : i32
    %min3A = arith.minsi %jit3A_1, %max3A : i32
    %c0_i32 = arith.constant 0 : i32
    %c0_i32_2 = arith.constant 0 : i32
    return %arg0, %min3A, %c0_i32 : i32, i32, i32
  }
}

</mosaic_0001>

<sc_bundles>
// kernel: gather_offload_async_start.1
scs
__scs_entry_jumppad:
0x0: {  	(pc) =	sbr.rel $0x88, $3  }
0x1: {  	(tag) =	ssettag $0x0;
	lr =	simm.s32 $0x1  }
0x2: {  	[smem:$0x3F7C] =	sst lr;
	_ =	strace $0xD0000000  }
0x3: {  	_ = 	snop  }
0x4: {  	_ = 	snop  }
0x5: {  	_ = 	snop  }
0x6: {  	_ = 	snop  }
0x7: {  	_ = 	snop  }
__scs_overlays_trampoline_lowered:
0x8: {  	[smem:$0x3F8B] =	sst s0  }
0x9: {  	[smem:$0x3F8C] =	sst s1  }
0xa: {  	[smem:$0x3F8D] =	sst s2  }
0xb: {  	[smem:$0x3F8E] =	sst s3  }
0xc: {  	[smem:$0x3F8F] =	sst s4  }
0xd: {  	[smem:$0x3F90] =	sst s5  }
0xe: {  	[smem:$0x3F91] =	sst s6  }
0xf: {  	[smem:$0x3F92] =	sst s7  }
0x10: {  	[smem:$0x3F93] =	sst s8  }
0x11: {  	[smem:$0x3F94] =	sst s9;
	s0 =	simm.s32 @!p0 $0x0  }
0x12: {  	s1 =	sld [smem:$0x3F7A];
	s0 =	simm.s32 @p0 $0x1  }
0x13: {  	[smem:$0x3F95] =	sst s0;
	s0 =	simm.s32 @!p1 $0x0  }
0x14: {  	s2 =	sld [smem:$0x3F79];
	s0 =	simm.s32 @p1 $0x1  }
0x15: {  	[smem:$0x3F96] =	sst s0;
	s0 =	simm.s32 @!p2 $0x0  }
0x16: {  	s3 =	sld [smem:$0x3FDB];
	s0 =	simm.s32 @p2 $0x1  }
0x17: {  	s4 =	simm.s32 $0x1BF5;
	[smem:$0x3F98] =	sst s0  }
0x18: {  	s0 =	sld [smem:$0x3F7B];
	_ =	swait.ge [sflag:s4], $0x0  }
0x19: {  	s7 =	sld [smem:$0x3F7C]  }
0x1a: {  	s8 =	sadd.s32 $0xFFFFE003, lr  }
0x1b: {  	s9 =	sadd.s32 $0xFFFFFEF7, lr;
	s5 =	simm.s32 $0xFFFFFFFF;
	p2 =	slt.u32 s8, $0xFFFFF086  }
0x1c: {  	p1 =	slt.u32 s9, $0xF7A;
	s5 =	simm.s32 @!p2 $0x0  }
0x1d: {  	s5 =	simm.s32 @p1 $0x1;
	p0 =	seq.s32 s7, s2  }
0x1e: {  	s7 =	smul.u32 @!p0 $0xF7A, s2;
	p2 =	seq.s32 @!p0 s5, $0x0  }
0x1f: {  	s9 =	smul.u32 $0xF7A, s1;
	s8 =	simm.s32 @!p0 $0x1BF5;
	p2 =	por !p2, p0  }
0x20: {  	[sflag:s8] =	ssyncset.s32 @!p0 $0xFFFFF086;
	s6 =	sadd.s32 @!p0 s3, s7;
	s7 =	simm.s32 @!p0 $0x108  }
0x21: {  	s3 =	sadd.s32 s3, s9;
	s6 =	sadd.s32 @!p0 $0x88, s6;
	s7 =	simm.s32 @p2 $0x1082  }
0x22: {  	[simem:s7], [sflag:s8] =	dma.local @!p0 [hbm:s6], $0xF7A  }
0x23: {  	s9 =	sor.u32 $0xD0000000, s2;
	s6 =	simm.s32 $0x108;
	_ =	swait.ge @!p0 [sflag:s8], $0x0  }
0x24: {  	s3 =	sadd.s32 $0x88, s3;
	s6 =	simm.s32 @!p1 $0x1082;
	[sflag:s4] =	ssyncset.s32 $0xFFFFF086  }
0x25: {  	[simem:s6], [sflag:s4] =	dma.local [hbm:s3], $0xF7A  }
0x26: {  	[smem:$0x3F7C] =	sst s1;
	(tag) =	ssettag s2;
	_ =	strace s9  }
0x27: {  	s1 =	sld [smem:$0x3F8C]  }
0x28: {  	s2 =	sld [smem:$0x3F8D]  }
0x29: {  	s4 =	sld [smem:$0x3F8F]  }
0x2a: {  	p0 =	seq.s32 s5, $0x0;
	s5 =	sld [smem:$0x3F90]  }
0x2b: {  	s6 =	sld [smem:$0x3F91]  }
0x2c: {  	s7 =	sld [smem:$0x3F92]  }
0x2d: {  	s3 =	simm.s32 $0x108;
	s8 =	sld [smem:$0x3F93]  }
0x2e: {  	s3 =	simm.s32 @!p0 $0x1082;
	s9 =	sld [smem:$0x3F94]  }
0x2f: {  	lr =	sadd.s32 s0, s3;
	s0 =	sld [smem:$0x3F8B]  }
0x30: {  	s3 =	sld [smem:$0x3F8E]  }
0x31: {  	[smem:$0x3F97] =	sst s10  }
0x32: {  	s10 =	sld [smem:$0x3F95];
	_ =	sdelay $0x3  }
0x33: {  	p0 =	seq.s32 s10, $0x1;
	s10 =	sld [smem:$0x3F97];
	_ =	sdelay $0x3  }
0x34: {  	[smem:$0x3F97] =	sst s10  }
0x35: {  	s10 =	sld [smem:$0x3F96];
	_ =	sdelay $0x3  }
0x36: {  	p1 =	seq.s32 s10, $0x1;
	s10 =	sld [smem:$0x3F97];
	_ =	sdelay $0x3  }
0x37: {  	[smem:$0x3F97] =	sst s10  }
0x38: {  	s10 =	sld [smem:$0x3F98]  }
0x39: {  	_ = 	snop;
	(pc) =	sbr.ind lr, $3  }
0x3a: {  	_ = 	snop  }
0x3b: {  	_ = 	snop  }
0x3c: {  	p2 =	seq.s32 s10, $0x1;
	s10 =	sld [smem:$0x3F97]  }
0x3d: {  	_ =	shalt  }
0x3e: {  	_ =	shalt  }
0x3f: {  	_ =	shalt  }
0x40: {  	_ =	shalt  }
0x41: {  	_ =	shalt  }
0x42: {  	_ =	shalt  }
0x43: {  	_ =	shalt  }
0x44: {  	_ =	shalt  }
0x45: {  	_ =	shalt  }
0x46: {  	_ =	shalt  }
0x47: {  	_ =	shalt  }
0x48: {  	_ =	shalt  }
0x49: {  	_ =	shalt  }
0x4a: {  	_ =	shalt  }
0x4b: {  	_ =	shalt  }
0x4c: {  	_ =	shalt  }
0x4d: {  	_ =	shalt  }
0x4e: {  	_ =	shalt  }
0x4f: {  	_ =	shalt  }
0x50: {  	_ =	shalt  }
0x51: {  	_ =	shalt  }
0x52: {  	_ =	shalt  }
0x53: {  	_ =	shalt  }
0x54: {  	_ =	shalt  }
0x55: {  	_ =	shalt  }
0x56: {  	_ =	shalt  }
0x57: {  	_ =	shalt  }
0x58: {  	_ =	shalt  }
0x59: {  	_ =	shalt  }
0x5a: {  	_ =	shalt  }
0x5b: {  	_ =	shalt  }
0x5c: {  	_ =	shalt  }
0x5d: {  	_ =	shalt  }
0x5e: {  	_ =	shalt  }
0x5f: {  	_ =	shalt  }
0x60: {  	_ =	shalt  }
0x61: {  	_ =	shalt  }
0x62: {  	_ =	shalt  }
0x63: {  	_ =	shalt  }
0x64: {  	_ =	shalt  }
0x65: {  	_ =	shalt  }
0x66: {  	_ =	shalt  }
0x67: {  	_ =	shalt  }
0x68: {  	_ =	shalt  }
0x69: {  	_ =	shalt  }
0x6a: {  	_ =	shalt  }
0x6b: {  	_ =	shalt  }
0x6c: {  	_ =	shalt  }
0x6d: {  	_ =	shalt  }
0x6e: {  	_ =	shalt  }
0x6f: {  	_ =	shalt  }
0x70: {  	_ =	shalt  }
0x71: {  	_ =	shalt  }
0x72: {  	_ =	shalt  }
0x73: {  	_ =	shalt  }
0x74: {  	_ =	shalt  }
0x75: {  	_ =	shalt  }
0x76: {  	_ =	shalt  }
0x77: {  	_ =	shalt  }
0x78: {  	_ =	shalt  }
0x79: {  	_ =	shalt  }
0x7a: {  	_ =	shalt  }
0x7b: {  	_ =	shalt  }
0x7c: {  	_ =	shalt  }
0x7d: {  	_ =	shalt  }
0x7e: {  	_ =	shalt  }
0x7f: {  	_ =	shalt  }
0x80: {  	_ =	shalt  }
0x81: {  	_ =	shalt  }
0x82: {  	_ =	shalt  }
0x83: {  	_ =	shalt  }
0x84: {  	_ =	shalt  }
0x85: {  	_ =	shalt  }
0x86: {  	_ =	shalt  }
0x87: {  	_ =	shalt  }
.Lfunc_end0:
.L_simem_size_0:
called_computation.1_lowered:
.L_overlay_start_0:
0x88: {  	s2 =	sld [smem:$0x3FD9]  }
0x89: {  	s3 =	sld [smem:$0x3FFE];
	_ =	sdelay $0x1  }
0x8a: {  	s1 =	srdreg.scid  }
0x8b: {  	s0 =	sand.u32 $0x1, s1  }
0x8c: {  	s16 =	sshll.u32 s0, $0xA;
	s2 =	sadd.s32 s3, s2  }
0x8d: {  	s2 =	sadd.s32 s2, s16  }
0x8e: {  	[smem:$0x3FA3] =	sst s2  }
0x8f: {  	_ = 	snop  }
0x90: {  	(tm) =	ssettm $0x1  }
0x91: {  	s17 =	sld [smem:$0x3FFB];
	_ =	sdelay $0x3  }
0x92: {  	_ =	strace s17  }
0x93: {  	s2 =	sld [smem:$0x3FFC];
	_ =	sdelay $0x3  }
0x94: {  	_ =	strace s2  }
0x95: {  	s2 =	sld [smem:$0x3FFD];
	_ =	sdelay $0x3  }
0x96: {  	_ =	strace s2  }
0x97: {  	_ =	strace $0x8FFFFFFF  }
0x98: {  	s18 =	sld [smem:$0x3FDB];
	_ =	sdelay $0x1  }
0x99: {  	s19 =	simm.s32 $_scs_section_size  }
0x9a: {  	s4 =	simm.s32 $_size__tile_overlayer_lowered;
	s5 =	simm.s32 $_tile_overlayer_lowered  }
0x9b: {  	s22 =	simm.s32 $0x1BFF;
	s21 =	sshll.u32 s5, $0x1;
	s2 =	sadd.s32 s19, s18  }
0x9c: {  	s6 =	simm.s32 $0x0;
	s20 =	sshll.u32 s4, $0x1;
	s4 =	sadd.s32 s21, s2  }
0x9d: {  	[timem:s6], [sflag:s22] =	dma.local [hbm:s4], s20  }
0x9e: {  	_ =	swait.ge [sflag:s22], s20  }
0x9f: {  	s3 =	ssub.s32 $0x0, s20;
	[sflag:s22] =	ssyncset.done $0x0  }
0xa0: {  	[sflag:s22] =	ssyncadd.s32 s3;
	_ =	sdelay $0x1  }
0xa1: {  	s23 =	simm.s32 $0x1B8B  }
0xa2: {  	_ =	swait.ge [sflag:s23], $0x1  }
0xa3: {  	[sflag:s23] =	ssyncset.done $0x0  }
0xa4: {  	s25 =	simm.s32 $0x1B8E;
	s24 =	sld [smem:$0x3FFE];
	[sflag:s23] =	ssyncadd.s32 $0xFFFFFFFF  }
0xa5: {  	s26 =	simm.s32 $execute0_lowered;
	[smem:$0x3FD2] =	sst s25  }
0xa6: {  	s4 =	sshll.u32 s26, $0x1;
	_ =	strace $0x80000046;
	[dreg:$0x1] =	wrdreg $0xFFFFFFFF  }
0xa7: {  	s28 =	simm.s32 $_size_execute0_lowered;
	s2 =	sadd.s32 s2, s4;
	[dreg:$0x0] =	wrdreg $0x0  }
0xa8: {  	s4 =	sshll.u32 s28, $0x1;
	[dreg:$0x2] =	wrdreg s2  }
0xa9: {  	[dreg:$0x3] =	wrdreg s4  }
0xaa: {  	[dreg:$0x4] =	wrdreg $0xC0  }
0xab: {  	_ =	task [dreg:s6], $0x5FFFF  }
0xac: {  	[dreg:$0x1] =	wrdreg $0xFFFFFFFF  }
0xad: {  	[dreg:$0x0] =	wrdreg $0x60  }
0xae: {  	[dreg:$0x2] =	wrdreg s24  }
0xaf: {  	[dreg:$0x3] =	wrdreg $0x9  }
0xb0: {  	_ =	task.clear_ibuf [dreg:s6], $0x4FFFF;
	_ =	strace $0x90000046  }
0xb1: {  	s29 =	simm.s32 $0x9;
	_ =	strace $0x80000048  }
0xb2: {  	_ =	swait.ge [sflag:s29], $0x1  }
0xb3: {  	[sflag:s29] =	ssyncadd.s32 $0xFFFFFFFF  }
0xb4: {  	_ =	strace $0x90000048  }
0xb5: {  	_ =	sfence  }
0xb6: {  	s30 =	sld [smem:$0x0];
	_ =	sdelay $0x2  }
0xb7: {  	s31 =	sshll.u32 s1, $0xD;
	s1 =	sshrl.u32 s1, $0x2  }
0xb8: {  	s3 =	sand.u32 $0x4000, s31;
	s1 =	sadd.s32 s1, s30  }
0xb9: {  	s0 =	sor.u32 s3, s0;
	s1 =	sshll.u32 s1, $0x11  }
0xba: {  	s0 =	sor.u32 s1, s0  }
0xbb: {  	s0 =	sadd.s32 $0x8F2B, s0  }
0xbc: {  	[sflag:s0] =	ssyncadd.remote.s32 $0x1  }
0xbd: {  	_ =	sfence.sel $0xFFFF  }
0xbe: {  	[dreg:$0x0] =	wrdreg $0xFFFFFFFF;
	(pc) =	sbr.abs _section_cstart, $3  }
0xbf: {  	[dreg:$0x1] =	wrdreg $0xFFFFFFFF  }
0xc0: {  	_ =	task.clear_ibuf [dreg:s6], $0x2FFFF;
	_ =	strace $0x9FFFFFFF  }
0xc1: {  	(tm) =	ssettm $0x7FFFFFFF  }
tec
execute0_lowered:
.L_overlay_start_1:
0x0: {  	(tag) =	ssettag $0x1  }
0x1: {  	s0 =	srdreg.scid;
	s5 =	rddreg [dreg:$0x0]  }
0x2: {  	s1 =	stileid.u32;
	s6 =	simm.s32 $0x1;
	s9 =	simm.s32 $0x1  }
0x3: {  	s10 =	simm.s32 $0x3;
	s13 =	simm.s32 $0x0;
	s2 =	sshll.u32 s0, $0x7  }
0x4: {  	s12 =	simm.s32 $0x0;
	s3 =	sshll.u32 s1, $0x8;
	s2 =	sand.u32 $0x80, s2  }
0x5: {  	s0 =	rddreg [dreg:$0x1];
	_ =	strace $0x80000047;
	s2 =	sor.u32 s3, s2  }
0x6: {  	s4 =	sadd.s32 $0x9000, s5;
	[sflag:s6] =	ssyncpa.u1 $0x0;
	s8 =	ssub.s32 $0x2000, s2  }
.Ltmp0:
0x7: {  	s3 =	sadd.s32 $0x8800, s5;
	s7 =	sand.u32 $0xF80, s8;
	(pc) =	sbr.rel .LBB2_1-.Ltmp0, $4  }
0x8: {  	s5 =	sadd.s32 $0x29400, s5;
	s11 =	smov.u32 s2;
	p0 =	sne.s32 s7, $0x0  }
0x9: {  	s8 =	sshrl.u32 s8, $0xC;
	s7 =	simm.s32 $0x2;
	s9 =	simm.s32 @!p0 $0x0  }
0xa: {  	[sflag:s7] =	ssyncpa.u1 $0x0;
	p0 =	por $0x0, $0x0;
	s8 =	sadd.s32 s9, s8  }
0xb: {  	vm0 =	vmmov $0xffff;
	[sflag:s10] =	ssyncpa.u1 $0x0;
	s10 =	simm.s32 $0x0;
	s9 =	sadd.s32 $0x1, s8  }
.LBB2_4:
0xc: {  	v5 =	vld.msk [tilespmem:s18+$0x0 ss:$0x1], $0xffff  }
0xd: {  	v6 =	vand.u32 $0x1, v1;
	v7 =	vshrl.u32 v1, $0x1  }
0xe: {  	v3 =	vor.u32 v4, v3;
	vm1 =	veq.s32 v1, $0x80000000;
	v53 =	vand.u32 $0xFFF, v7  }
0xf: {  	v2 =	vor.u32 v2, v3;
	v54 =	vsel vm1, $0xFFFFFFFF, v6;
	v1 =	vsel vm1, $0xFFFFFFFF, v53  }
0x10: {  	v6 =	vshll.u32 v54, $0x7;
	v3 =	vand.u32 $0xFFFFE000, v54;
	v55 =	vand.u32 $0x7F, v1  }
0x11: {  	v1 =	vshll.u32 v1, $0x1;
	v6 =	vand.u32 $0x80, v6;
	v56 =	vshrl.u32 v5, $0x1  }
0x12: {  	v1 =	vand.u32 $0xFFFFFF00, v1;
	vm1 =	veq.s32 v5, $0x80000000;
	v57 =	vand.u32 $0xFFF, v56  }
0x13: {  	v1 =	vadd.s32 v3, v1;
	v5 =	vand.u32 $0x1, v5;
	v3 =	vsel vm1, $0xFFFFFFFF, v57  }
0x14: {  	v1 =	vor.u32 v6, v1;
	v5 =	vsel vm1, $0xFFFFFFFF, v5;
	v58 =	vshll.u32 v3, $0x1  }
0x15: {  	v59 =	vshll.u32 v5, $0x7;
	v5 =	vand.u32 $0xFFFFE000, v5;
	v6 =	vand.u32 $0xFFFFFF00, v58  }
0x16: {  	v1 =	vor.u32 v55, v1;
	v61 =	vand.u32 $0x80, v59;
	v60 =	vadd.s32 v5, v6  }
0x17: {  	[tilespmem:s16], [sflag:$0x1] =	stream.indirect_vreg.gather [hbm4b:s3+s10], $0x1, v0, vm0, $0x4038;
	v62 =	vand.u32 $0x7F, v3;
	v63 =	vor.u32 v61, v60;
	[tilespmem:$0x200] =	vst v63  }
0x18: {  	(ifvalue) =	ssetifvalue $0x7FFFFFFF;
	v0 =	vor.u32 v62, v63  }
0x19: {  	[tilespmem:s15], [sflag:$0x1] =	stream.indirect_vreg.gather [hbm4b:s3+s10], $0x1, v2, vm0, $0x4038;
	[tilespmem:$0x200] =	vst v63  }
0x1a: {  	s29 =	sadd.s32 $0x10, s15;
	(ifvalue) =	ssetifvalue $0x7FFFFFFF  }
0x1b: {  	[tilespmem:s29], [sflag:$0x1] =	stream.indirect_vreg.gather [hbm4b:s3+s10], $0x1, v1, vm0, $0x4038;
	[tilespmem:$0x200] =	vst v63  }
0x1c: {  	s15 =	sadd.s32 $0x10, s29;
	(ifvalue) =	ssetifvalue $0x7FFFFFFF  }
0x1d: {  	[tilespmem:s15], [sflag:$0x1] =	stream.indirect_vreg.gather [hbm4b:s3+s10], $0x1, v0, vm0, $0x4038;
	[tilespmem:$0x200] =	vst v63  }
0x1e: {  	_ =	swait.ge [sflag:s6], $0x80  }
0x1f: {  	s30 =	sshrl.u32 s13, $0x3;
	[sflag:s6] =	ssyncset.done $0x0  }
0x20: {  	s31 =	sand.u32 $0x7, s13;
	s15 =	sadd.s32 s5, s30;
	[sflag:s6] =	ssyncadd.s32 $0xFFFFFF80  }
0x21: {  	[hbm4b:s15+s31] =	stream.linear.scatter [tilespmem:s14], [sflag:$0x3], $0x80, $0x38;
	[tilespmem:$0x200] =	vst v63  }
.LBB2_5:
0x22: {  	s15 =	sadd.s32 $0x1000, s11  }
0x23: {  	p2 =	sgt.s32 s15, $0x1FFF  }
0x24: {  	s15 =	smov.u32 @p2 s2;
	p2 =	sne.s32 s12, s9  }
.Ltmp1:
0x25: {  	p1 =	slt.u32 s12, $0x2;
	(pc) =	sbr.rel @!p2 .LBB2_6-.Ltmp1, $4  }
0x26: {  	s14 =	simm.s32 @!p1 $0x3  }
0x27: {  	s16 =	sadd.s32 $0x1, s12;
	_ =	swait.ge @!p1 [sflag:s14], $0x80  }
0x28: {  	s13 =	smov.u32 s11;
	p0 =	por !p0, !p0;
	[sflag:s14] =	ssyncset.done @!p1 $0x0  }
0x29: {  	s12 =	smov.u32 s16;
	s11 =	smov.u32 s15;
	[sflag:s14] =	ssyncadd.s32 @!p1 $0xFFFFFF80  }
.LBB2_1:
0x2a: {  	p1 =	sge.u32 s12, s8  }
0x2b: {  	s14 =	sxor.u32 @!p1 $0xFFFFFFFF, s12  }
0x2c: {  	s31 =	sadd.s32 $0xFFFFFFFF, s12;
	s15 =	sshrl.u32 @!p1 s11, $0x3;
	s14 =	sshll.u32 @!p1 s14, $0x7  }
0x2d: {  	s16 =	sand.u32 @!p1 $0x7, s11;
	s15 =	sadd.s32 @!p1 s4, s15;
	s14 =	sand.u32 @!p1 $0x80, s14  }
0x2e: {  	[tilespmem:s14], [sflag:$0x2] =	stream.linear.gather @!p1 [hbm4b:s15+s16], $0x80, $0x38;
	[tilespmem:$0x200] =	vst v63  }
0x2f: {  	p1 =	sge.u32 s31, s8  }
.Ltmp2:
0x30: {  	_ = 	snop;
	(pc) =	sbr.rel @p1 .LBB2_5-.Ltmp2, $1  }
0x31: {  	_ =	sdelay $0x3  }
0x32: {  	s14 =	simm.s32 $0x1  }
0x33: {  	_ =	swait.ge [sflag:s7], $0x80;
	s14 =	simm.s32 @!p0 $0x0  }
0x34: {  	[sflag:s7] =	ssyncset.done $0x0;
	s14 =	sshll.u32 s14, $0x7  }
0x35: {  	[sflag:s7] =	ssyncadd.s32 $0xFFFFFF80;
	(ifvalue) =	ssetifvalue $0x7FFFFFFF;
	v0 =	vld.msk [tilespmem:s14+$0x0 ss:$0x1], $0xffff;
	_ =	sdelay $0x4  }
0x36: {  	s15 =	sadd.s32 $0x10, s14;
	v2 =	vshrl.u32 v0, $0x1  }
0x37: {  	v1 =	vld.msk [tilespmem:s15+$0x0 ss:$0x1], $0xffff;
	vm1 =	veq.s32 v0, $0x80000000;
	v2 =	vand.u32 $0xFFF, v2  }
0x38: {  	v0 =	vand.u32 $0x1, v0;
	v2 =	vsel vm1, $0xFFFFFFFF, v2  }
0x39: {  	v0 =	vsel vm1, $0xFFFFFFFF, v0;
	v3 =	vshll.u32 v2, $0x1  }
0x3a: {  	v4 =	vand.u32 $0xFFFFE000, v0;
	v0 =	vshll.u32 v0, $0x7;
	v3 =	vand.u32 $0xFFFFFF00, v3  }
0x3b: {  	v0 =	vand.u32 $0x80, v0;
	v3 =	vadd.s32 v4, v3  }
0x3c: {  	v2 =	vand.u32 $0x7F, v2;
	v4 =	vshrl.u32 v1, $0x1;
	v0 =	vor.u32 v0, v3  }
0x3d: {  	vm1 =	veq.s32 v1, $0x80000000;
	v4 =	vand.u32 $0xFFF, v4;
	v0 =	vor.u32 v2, v0  }
0x3e: {  	s16 =	sshll.u32 s12, $0x7;
	s15 =	sadd.s32 $0x10, s15;
	v1 =	vand.u32 $0x1, v1;
	v3 =	vsel vm1, $0xFFFFFFFF, v4  }
0x3f: {  	s17 =	sand.u32 $0x80, s16;
	v2 =	vsel vm1, $0xFFFFFFFF, v1;
	v1 =	vld.msk [tilespmem:s15+$0x0 ss:$0x1], $0xffff;
	v4 =	vshll.u32 v3, $0x1  }
0x40: {  	s16 =	sor.u32 $0x100, s14;
	s14 =	sor.u32 $0x100, s17;
	s17 =	simm.s32 $0x30;
	v5 =	vshll.u32 v2, $0x7;
	v6 =	vand.u32 $0xFFFFE000, v2;
	v4 =	vand.u32 $0xFFFFFF00, v4  }
0x41: {  	s18 =	sadd.s32 $0x10, s15;
	(ifvalue) =	ssetifvalue $0x7FFFFFFF;
	s15 =	sadd.s32 $0x10, s16;
	v2 =	vand.u32 $0x7F, v3;
	v3 =	vadd.s32 v6, v4;
	v4 =	vand.u32 $0x80, v5  }
.LBB2_3:
0x42: {  	[tilespmem:s16], [sflag:$0x1] =	stream.indirect_vreg.gather [hbm4b:s3+s10], $0x1, v0, vm0, $0x4038;
	[tilespmem:$0x200] =	vst v63  }
0x43: {  	s17 =	sadd.s32 $0x10, s17  }
0x44: {  	v5 =	vand.u32 $0x1, v1;
	v6 =	vshrl.u32 v1, $0x1;
	v3 =	vor.u32 v4, v3;
	v0 =	vmovc v1;
	v1 =	vld.msk [tilespmem:s18+$0x0 ss:$0x1], $0xffff;
	p1 =	slt.u32 s17, $0x70  }
.Ltmp3:
0x45: {  	s16 =	smov.u32 s15;
	vm1 =	veq.s32 v0, $0x80000000;
	v4 =	vand.u32 $0xFFF, v6;
	v0 =	vor.u32 v2, v3;
	(pc) =	sbr.rel @p1 .LBB2_3-.Ltmp3, $4  }
0x46: {  	v3 =	vsel vm1, $0xFFFFFFFF, v5;
	v4 =	vsel vm1, $0xFFFFFFFF, v4  }
0x47: {  	v2 =	vand.u32 $0x7F, v4;
	v4 =	vshll.u32 v4, $0x1;
	v5 =	vshll.u32 v3, $0x7  }
0x48: {  	v3 =	vand.u32 $0xFFFFE000, v3;
	v4 =	vand.u32 $0xFFFFFF00, v4  }
0x49: {  	s18 =	sadd.s32 $0x10, s18;
	s15 =	sadd.s32 $0x10, s15;
	v3 =	vadd.s32 v3, v4;
	v4 =	vand.u32 $0x80, v5;
	(ifvalue) =	ssetifvalue $0x7FFFFFFF  }
.Ltmp4:
0x4a: {  	_ = 	snop;
	(pc) =	sbr.rel .LBB2_4-.Ltmp4, $1  }
0x4b: {  	_ =	sdelay $0x3  }
.LBB2_6:
0x4c: {  	_ =	sfence.sel $0x180000  }
0x4d: {  	s2 =	simm.s32 $0x2;
	[bflag:$0x0] =	sbarrier.arrive $0xFFFF  }
0x4e: {  	s30 =	simm.s32 $0x3;
	[sflag:s2] =	ssyncpa.u1 $0x1  }
0x4f: {  	s31 =	simm.s32 $0x1;
	[sflag:s30] =	ssyncpa.u1 $0x1  }
0x50: {  	[sflag:s31] =	ssyncpa.u1 $0x1  }
0x51: {  	p0 =	sne.s32 s1, $0x0;
	_ =	strace $0x90000047  }
0x52: {  	s0 =	sadd.s32 @!p0 $0x100000, s0;
	[bflag:$0x2] =	sbarrier.arrive $0xFFFF  }
0x53: {  	[sflag:s0] =	ssyncadd.tile.s32 @!p0 $0x1;
	_ =	shalt  }
.Lfunc_end2:
_tile_overlayer_lowered:
.L_overlay_start_2:
0x54: {  	(tag) =	ssettag $0x2  }
0x55: {  	s0 =	rddreg [dreg:$0x0];
	s2 =	stileid.u32  }
0x56: {  	s1 =	rddreg [dreg:$0x1];
	p0 =	sne.s32 s2, $0x0  }
0x57: {  	s3 =	rddreg [dreg:$0x2];
	[bflag:$0x3] =	sbarrier.arrive $0xFFFF;
	s2 =	simm.s32 @!p0 $0x1C01  }
0x58: {  	[timem:s3], [sflag:s2] =	dma.local @!p0 [hbm:s0], s1  }
0x59: {  	s0 =	simm.s32 @!p0 $0x1  }
0x5a: {  	_ =	swait.ge @!p0 [sflag:s0], s1  }
0x5b: {  	s1 =	ssub.s32 @!p0 $0x0, s1;
	[sflag:s0] =	ssyncset.done @!p0 $0x0  }
0x5c: {  	[sflag:s0] =	ssyncadd.s32 @!p0 s1  }
0x5d: {  	[bflag:$0x3] =	sbarrier.arrive $0xFFFF  }
0x5e: {  	_ =	shalt  }

// kernel: gather_offload_async_start.2
scs
__scs_entry_jumppad:
0x0: {  	(pc) =	sbr.rel $0x88, $3  }
0x1: {  	(tag) =	ssettag $0x0;
	lr =	simm.s32 $0x1  }
0x2: {  	[smem:$0x3F7C] =	sst lr;
	_ =	strace $0xD0000000  }
0x3: {  	_ = 	snop  }
0x4: {  	_ = 	snop  }
0x5: {  	_ = 	snop  }
0x6: {  	_ = 	snop  }
0x7: {  	_ = 	snop  }
__scs_overlays_trampoline_lowered:
0x8: {  	[smem:$0x3F8B] =	sst s0  }
0x9: {  	[smem:$0x3F8C] =	sst s1  }
0xa: {  	[smem:$0x3F8D] =	sst s2  }
0xb: {  	[smem:$0x3F8E] =	sst s3  }
0xc: {  	[smem:$0x3F8F] =	sst s4  }
0xd: {  	[smem:$0x3F90] =	sst s5  }
0xe: {  	[smem:$0x3F91] =	sst s6  }
0xf: {  	[smem:$0x3F92] =	sst s7  }
0x10: {  	[smem:$0x3F93] =	sst s8  }
0x11: {  	[smem:$0x3F94] =	sst s9;
	s0 =	simm.s32 @!p0 $0x0  }
0x12: {  	s1 =	sld [smem:$0x3F7A];
	s0 =	simm.s32 @p0 $0x1  }
0x13: {  	[smem:$0x3F95] =	sst s0;
	s0 =	simm.s32 @!p1 $0x0  }
0x14: {  	s2 =	sld [smem:$0x3F79];
	s0 =	simm.s32 @p1 $0x1  }
0x15: {  	[smem:$0x3F96] =	sst s0;
	s0 =	simm.s32 @!p2 $0x0  }
0x16: {  	s3 =	sld [smem:$0x3FDB];
	s0 =	simm.s32 @p2 $0x1  }
0x17: {  	s4 =	simm.s32 $0x1BF5;
	[smem:$0x3F98] =	sst s0  }
0x18: {  	s0 =	sld [smem:$0x3F7B];
	_ =	swait.ge [sflag:s4], $0x0  }
0x19: {  	s7 =	sld [smem:$0x3F7C]  }
0x1a: {  	s8 =	sadd.s32 $0xFFFFE003, lr  }
0x1b: {  	s9 =	sadd.s32 $0xFFFFFEF7, lr;
	s5 =	simm.s32 $0xFFFFFFFF;
	p2 =	slt.u32 s8, $0xFFFFF086  }
0x1c: {  	p1 =	slt.u32 s9, $0xF7A;
	s5 =	simm.s32 @!p2 $0x0  }
0x1d: {  	s5 =	simm.s32 @p1 $0x1;
	p0 =	seq.s32 s7, s2  }
0x1e: {  	s7 =	smul.u32 @!p0 $0xF7A, s2;
	p2 =	seq.s32 @!p0 s5, $0x0  }
0x1f: {  	s9 =	smul.u32 $0xF7A, s1;
	s8 =	simm.s32 @!p0 $0x1BF5;
	p2 =	por !p2, p0  }
0x20: {  	[sflag:s8] =	ssyncset.s32 @!p0 $0xFFFFF086;
	s6 =	sadd.s32 @!p0 s3, s7;
	s7 =	simm.s32 @!p0 $0x108  }
0x21: {  	s3 =	sadd.s32 s3, s9;
	s6 =	sadd.s32 @!p0 $0x88, s6;
	s7 =	simm.s32 @p2 $0x1082  }
0x22: {  	[simem:s7], [sflag:s8] =	dma.local @!p0 [hbm:s6], $0xF7A  }
0x23: {  	s9 =	sor.u32 $0xD0000000, s2;
	s6 =	simm.s32 $0x108;
	_ =	swait.ge @!p0 [sflag:s8], $0x0  }
0x24: {  	s3 =	sadd.s32 $0x88, s3;
	s6 =	simm.s32 @!p1 $0x1082;
	[sflag:s4] =	ssyncset.s32 $0xFFFFF086  }
0x25: {  	[simem:s6], [sflag:s4] =	dma.local [hbm:s3], $0xF7A  }
0x26: {  	[smem:$0x3F7C] =	sst s1;
	(tag) =	ssettag s2;
	_ =	strace s9  }
0x27: {  	s1 =	sld [smem:$0x3F8C]  }
0x28: {  	s2 =	sld [smem:$0x3F8D]  }
0x29: {  	s4 =	sld [smem:$0x3F8F]  }
0x2a: {  	p0 =	seq.s32 s5, $0x0;
	s5 =	sld [smem:$0x3F90]  }
0x2b: {  	s6 =	sld [smem:$0x3F91]  }
0x2c: {  	s7 =	sld [smem:$0x3F92]  }
0x2d: {  	s3 =	simm.s32 $0x108;
	s8 =	sld [smem:$0x3F93]  }
0x2e: {  	s3 =	simm.s32 @!p0 $0x1082;
	s9 =	sld [smem:$0x3F94]  }
0x2f: {  	lr =	sadd.s32 s0, s3;
	s0 =	sld [smem:$0x3F8B]  }
0x30: {  	s3 =	sld [smem:$0x3F8E]  }
0x31: {  	[smem:$0x3F97] =	sst s10  }
0x32: {  	s10 =	sld [smem:$0x3F95];
	_ =	sdelay $0x3  }
0x33: {  	p0 =	seq.s32 s10, $0x1;
	s10 =	sld [smem:$0x3F97];
	_ =	sdelay $0x3  }
0x34: {  	[smem:$0x3F97] =	sst s10  }
0x35: {  	s10 =	sld [smem:$0x3F96];
	_ =	sdelay $0x3  }
0x36: {  	p1 =	seq.s32 s10, $0x1;
	s10 =	sld [smem:$0x3F97];
	_ =	sdelay $0x3  }
0x37: {  	[smem:$0x3F97] =	sst s10  }
0x38: {  	s10 =	sld [smem:$0x3F98]  }
0x39: {  	_ = 	snop;
	(pc) =	sbr.ind lr, $3  }
0x3a: {  	_ = 	snop  }
0x3b: {  	_ = 	snop  }
0x3c: {  	p2 =	seq.s32 s10, $0x1;
	s10 =	sld [smem:$0x3F97]  }
0x3d: {  	_ =	shalt  }
0x3e: {  	_ =	shalt  }
0x3f: {  	_ =	shalt  }
0x40: {  	_ =	shalt  }
0x41: {  	_ =	shalt  }
0x42: {  	_ =	shalt  }
0x43: {  	_ =	shalt  }
0x44: {  	_ =	shalt  }
0x45: {  	_ =	shalt  }
0x46: {  	_ =	shalt  }
0x47: {  	_ =	shalt  }
0x48: {  	_ =	shalt  }
0x49: {  	_ =	shalt  }
0x4a: {  	_ =	shalt  }
0x4b: {  	_ =	shalt  }
0x4c: {  	_ =	shalt  }
0x4d: {  	_ =	shalt  }
0x4e: {  	_ =	shalt  }
0x4f: {  	_ =	shalt  }
0x50: {  	_ =	shalt  }
0x51: {  	_ =	shalt  }
0x52: {  	_ =	shalt  }
0x53: {  	_ =	shalt  }
0x54: {  	_ =	shalt  }
0x55: {  	_ =	shalt  }
0x56: {  	_ =	shalt  }
0x57: {  	_ =	shalt  }
0x58: {  	_ =	shalt  }
0x59: {  	_ =	shalt  }
0x5a: {  	_ =	shalt  }
0x5b: {  	_ =	shalt  }
0x5c: {  	_ =	shalt  }
0x5d: {  	_ =	shalt  }
0x5e: {  	_ =	shalt  }
0x5f: {  	_ =	shalt  }
0x60: {  	_ =	shalt  }
0x61: {  	_ =	shalt  }
0x62: {  	_ =	shalt  }
0x63: {  	_ =	shalt  }
0x64: {  	_ =	shalt  }
0x65: {  	_ =	shalt  }
0x66: {  	_ =	shalt  }
0x67: {  	_ =	shalt  }
0x68: {  	_ =	shalt  }
0x69: {  	_ =	shalt  }
0x6a: {  	_ =	shalt  }
0x6b: {  	_ =	shalt  }
0x6c: {  	_ =	shalt  }
0x6d: {  	_ =	shalt  }
0x6e: {  	_ =	shalt  }
0x6f: {  	_ =	shalt  }
0x70: {  	_ =	shalt  }
0x71: {  	_ =	shalt  }
0x72: {  	_ =	shalt  }
0x73: {  	_ =	shalt  }
0x74: {  	_ =	shalt  }
0x75: {  	_ =	shalt  }
0x76: {  	_ =	shalt  }
0x77: {  	_ =	shalt  }
0x78: {  	_ =	shalt  }
0x79: {  	_ =	shalt  }
0x7a: {  	_ =	shalt  }
0x7b: {  	_ =	shalt  }
0x7c: {  	_ =	shalt  }
0x7d: {  	_ =	shalt  }
0x7e: {  	_ =	shalt  }
0x7f: {  	_ =	shalt  }
0x80: {  	_ =	shalt  }
0x81: {  	_ =	shalt  }
0x82: {  	_ =	shalt  }
0x83: {  	_ =	shalt  }
0x84: {  	_ =	shalt  }
0x85: {  	_ =	shalt  }
0x86: {  	_ =	shalt  }
0x87: {  	_ =	shalt  }
.Lfunc_end0:
.L_simem_size_0:
called_computation.2_lowered:
.L_overlay_start_0:
0x88: {  	s2 =	sld [smem:$0x3FD9]  }
0x89: {  	s3 =	sld [smem:$0x3FFE];
	_ =	sdelay $0x1  }
0x8a: {  	s1 =	srdreg.scid  }
0x8b: {  	s0 =	sand.u32 $0x1, s1  }
0x8c: {  	s14 =	sshll.u32 s0, $0xA;
	s2 =	sadd.s32 s3, s2  }
0x8d: {  	s2 =	sadd.s32 s2, s14  }
0x8e: {  	[smem:$0x3FA3] =	sst s2  }
0x8f: {  	_ = 	snop  }
0x90: {  	s2 =	sld [smem:$0x3FD0];
	_ =	sdelay $0x2  }
0x91: {  	s15 =	simm.s32 $0xB;
	s4 =	simm.s32 $0x10  }
0x92: {  	[smem:s4], [sflag:s15] =	dma.local [hbm:s2], $0x1  }
0x93: {  	_ =	swait.eq [sflag:s15], $0x1  }
0x94: {  	[sflag:s15] =	ssyncset.done $0x0  }
0x95: {  	[sflag:s15] =	ssyncadd.s32 $0xFFFFFFFF  }
0x96: {  	s16 =	sld [smem:$0x10];
	(tm) =	ssettm $0x1  }
0x97: {  	s17 =	sld [smem:$0x3FFB];
	_ =	sdelay $0x3  }
0x98: {  	_ =	strace s17  }
0x99: {  	s3 =	sld [smem:$0x3FFC];
	_ =	sdelay $0x3  }
0x9a: {  	_ =	strace s3  }
0x9b: {  	s3 =	sld [smem:$0x3FFD];
	_ =	sdelay $0x3  }
0x9c: {  	_ =	strace s3  }
0x9d: {  	_ =	strace $0x8FFFFFFF  }
0x9e: {  	s18 =	sld [smem:$0x3FDB];
	_ =	sdelay $0x1  }
0x9f: {  	s19 =	simm.s32 $_scs_section_size  }
0xa0: {  	s5 =	simm.s32 $_size__tile_overlayer_lowered;
	s6 =	simm.s32 $_tile_overlayer_lowered  }
0xa1: {  	s22 =	simm.s32 $0x1BFF;
	s21 =	sshll.u32 s6, $0x1;
	s3 =	sadd.s32 s19, s18  }
0xa2: {  	s7 =	simm.s32 $0x0;
	s20 =	sshll.u32 s5, $0x1;
	s5 =	sadd.s32 s21, s3  }
0xa3: {  	[timem:s7], [sflag:s22] =	dma.local [hbm:s5], s20  }
0xa4: {  	_ =	swait.ge [sflag:s22], s20  }
0xa5: {  	s4 =	ssub.s32 $0x0, s20;
	[sflag:s22] =	ssyncset.done $0x0  }
0xa6: {  	[sflag:s22] =	ssyncadd.s32 s4;
	_ =	sdelay $0x1  }
0xa7: {  	s23 =	simm.s32 $0x1B8B  }
0xa8: {  	_ =	swait.ge [sflag:s23], $0x1  }
0xa9: {  	[sflag:s23] =	ssyncset.done $0x0  }
0xaa: {  	s25 =	simm.s32 $0x1B8E;
	s24 =	sld [smem:$0x3FFE];
	[sflag:s23] =	ssyncadd.s32 $0xFFFFFFFF  }
0xab: {  	s26 =	simm.s32 $execute0_lowered;
	[smem:$0x3FD2] =	sst s25  }
0xac: {  	s5 =	sshll.u32 s26, $0x1;
	_ =	strace $0x80000049;
	[dreg:$0x1] =	wrdreg $0xFFFFFFFF  }
0xad: {  	s28 =	simm.s32 $_size_execute0_lowered;
	s3 =	sadd.s32 s3, s5;
	[dreg:$0x0] =	wrdreg $0x0  }
0xae: {  	s5 =	sshll.u32 s28, $0x1;
	[dreg:$0x2] =	wrdreg s3  }
0xaf: {  	[dreg:$0x3] =	wrdreg s5  }
0xb0: {  	[dreg:$0x4] =	wrdreg $0xC0  }
0xb1: {  	_ =	task [dreg:s7], $0x5FFFF  }
0xb2: {  	[dreg:$0x1] =	wrdreg $0xFFFFFFFF  }
0xb3: {  	[dreg:$0x0] =	wrdreg $0x60  }
0xb4: {  	[dreg:$0x2] =	wrdreg s24  }
0xb5: {  	[dreg:$0x3] =	wrdreg s16  }
0xb6: {  	[dreg:$0x4] =	wrdreg $0x9  }
0xb7: {  	_ =	task.clear_ibuf [dreg:s7], $0x5FFFF;
	_ =	strace $0x90000049  }
0xb8: {  	s29 =	simm.s32 $0x9;
	_ =	strace $0x8000004B  }
0xb9: {  	_ =	swait.ge [sflag:s29], $0x1  }
0xba: {  	[sflag:s29] =	ssyncadd.s32 $0xFFFFFFFF  }
0xbb: {  	_ =	strace $0x9000004B  }
0xbc: {  	_ =	sfence  }
0xbd: {  	s30 =	sld [smem:$0x0];
	_ =	sdelay $0x2  }
0xbe: {  	s31 =	sshll.u32 s1, $0xD;
	s1 =	sshrl.u32 s1, $0x2  }
0xbf: {  	s3 =	sand.u32 $0x4000, s31;
	s1 =	sadd.s32 s1, s30  }
0xc0: {  	s0 =	sor.u32 s3, s0;
	s1 =	sshll.u32 s1, $0x11  }
0xc1: {  	s0 =	sor.u32 s1, s0  }
0xc2: {  	s0 =	sadd.s32 $0x8F2B, s0  }
0xc3: {  	[sflag:s0] =	ssyncadd.remote.s32 $0x1  }
0xc4: {  	_ =	sfence.sel $0xFFFF  }
0xc5: {  	[dreg:$0x0] =	wrdreg $0xFFFFFFFF;
	(pc) =	sbr.abs _section_cstart, $3  }
0xc6: {  	[dreg:$0x1] =	wrdreg $0xFFFFFFFF  }
0xc7: {  	_ =	task.clear_ibuf [dreg:s7], $0x2FFFF;
	_ =	strace $0x9FFFFFFF  }
0xc8: {  	(tm) =	ssettm $0x7FFFFFFF  }
0xc9: {  	_ =	shalt  }
tec
execute0_lowered:
.L_overlay_start_1:
0x0: {  	(tag) =	ssettag $0x1  }
0x1: {  	s1 =	srdreg.scid;
	s8 =	rddreg [dreg:$0x0]  }
0x2: {  	s0 =	stileid.u32;
	s2 =	rddreg [dreg:$0x1]  }
0x3: {  	s5 =	simm.s32 $0x1;
	s9 =	simm.s32 $0x1;
	s1 =	sshll.u32 s1, $0x5  }
0x4: {  	s10 =	simm.s32 $0x3;
	s3 =	sshll.u32 s0, $0x6;
	s4 =	sand.u32 $0x20, s1  }
0x5: {  	s13 =	simm.s32 $0x0;
	s12 =	simm.s32 $0x0;
	s3 =	sor.u32 s3, s4  }
0x6: {  	s1 =	rddreg [dreg:$0x2];
	_ =	strace $0x8000004A;
	s7 =	ssub.s32 $0x800, s3  }
.Ltmp0:
0x7: {  	s4 =	sadd.s32 $0x8C00, s8;
	s6 =	sand.u32 $0x3E0, s7;
	(pc) =	sbr.rel .LBB2_1-.Ltmp0, $4  }
0x8: {  	[sflag:s5] =	ssyncpa.u1 $0x0;
	s8 =	sadd.s32 $0x9000, s8;
	p0 =	sne.s32 s6, $0x0  }
0x9: {  	s7 =	sshrl.u32 s7, $0xA;
	s6 =	simm.s32 $0x2;
	s9 =	simm.s32 @!p0 $0x0  }
0xa: {  	s11 =	smov.u32 s3;
	[sflag:s6] =	ssyncpa.u1 $0x0;
	s7 =	sadd.s32 s9, s7  }
0xb: {  	vm0 =	vmmov $0xffff;
	[sflag:s10] =	ssyncpa.u1 $0x0;
	s10 =	simm.s32 $0x0;
	s9 =	sadd.s32 $0x1, s7  }
.LBB2_5:
0xc: {  	s15 =	sadd.s32 $0x400, s11  }
0xd: {  	p1 =	sgt.s32 s15, $0x7FF  }
0xe: {  	s15 =	smov.u32 @p1 s3;
	p1 =	sne.s32 s12, s9  }
.Ltmp1:
0xf: {  	p0 =	slt.u32 s12, $0x2;
	(pc) =	sbr.rel @!p1 .LBB2_6-.Ltmp1, $4  }
0x10: {  	s14 =	simm.s32 @!p0 $0x3  }
0x11: {  	_ =	swait.ge @!p0 [sflag:s14], $0x20  }
0x12: {  	s16 =	sadd.s32 $0x1, s12;
	s13 =	smov.u32 s11;
	[sflag:s14] =	ssyncset.done @!p0 $0x0  }
0x13: {  	s12 =	smov.u32 s16;
	s11 =	smov.u32 s15;
	[sflag:s14] =	ssyncadd.s32 @!p0 $0xFFFFFFE0  }
.LBB2_1:
0x14: {  	p0 =	sge.u32 s12, s7  }
0x15: {  	s14 =	sxor.u32 @!p0 $0xFFFFFFFF, s12  }
0x16: {  	s31 =	sadd.s32 $0xFFFFFFFF, s12;
	s15 =	sshrl.u32 @!p0 s11, $0x3;
	s14 =	sshll.u32 @!p0 s14, $0x5  }
0x17: {  	s16 =	sand.u32 @!p0 $0x7, s11;
	s15 =	sadd.s32 @!p0 s2, s15;
	s14 =	sand.u32 @!p0 $0x20, s14  }
0x18: {  	[tilespmem:s14], [sflag:$0x2] =	stream.linear.gather @!p0 [hbm4b:s15+s16], $0x20, $0x38;
	[tilespmem:$0x80] =	vst v63  }
0x19: {  	p0 =	sge.u32 s31, s7  }
.Ltmp2:
0x1a: {  	_ = 	snop;
	(pc) =	sbr.rel @p0 .LBB2_5-.Ltmp2, $1  }
0x1b: {  	_ =	sdelay $0x3  }
0x1c: {  	_ =	swait.ge [sflag:s6], $0x20;
	s14 =	sshll.u32 s12, $0x5;
	s16 =	simm.s32 $0x0  }
0x1d: {  	p0 =	por $0x1, $0x1;
	[sflag:s6] =	ssyncset.done $0x0;
	s15 =	sand.u32 $0x20, s14  }
0x1e: {  	[sflag:s6] =	ssyncadd.s32 $0xFFFFFFE0;
	(ifvalue) =	ssetifvalue $0x7FFFFFFF;
	s14 =	sor.u32 $0x40, s15  }
.LBB2_3:
0x1f: {  	s17 =	sadd.s32 s16, s15  }
0x20: {  	v0 =	vld.msk [tilespmem:s17+$0x0 ss:$0x1], $0xffff;
	_ =	sdelay $0x4  }
0x21: {  	v1 =	vshrl.u32 v0, $0x1  }
0x22: {  	vm1 =	veq.s32 v0, $0x80000000;
	v1 =	vand.u32 $0xFFF, v1  }
0x23: {  	v0 =	vand.u32 $0x1, v0;
	v1 =	vsel vm1, $0xFFFFFFFF, v1  }
0x24: {  	v0 =	vsel vm1, $0xFFFFFFFF, v0;
	v2 =	vshll.u32 v1, $0x1  }
0x25: {  	v3 =	vand.u32 $0xFFFFE000, v0;
	v0 =	vshll.u32 v0, $0x7;
	v2 =	vand.u32 $0xFFFFFF00, v2  }
0x26: {  	v0 =	vand.u32 $0x80, v0;
	v2 =	vadd.s32 v3, v2  }
0x27: {  	v1 =	vand.u32 $0x7F, v1;
	v0 =	vor.u32 v0, v2  }
0x28: {  	p1 =	por p0, p0;
	v0 =	vor.u32 v1, v0  }
.Ltmp3:
0x29: {  	_ = 	snop;
	(pc) =	sbr.rel @p1 .LBB2_3-.Ltmp3, $4  }
0x2a: {  	_ = 	snop  }
0x2b: {  	s31 =	sadd.s32 s16, s14  }
0x2c: {  	s16 =	simm.s32 $0x10;
	p0 =	por $0x0, $0x0;
	(ifvalue) =	ssetifvalue $0x7FFFFFFF  }
0x2d: {  	[tilespmem:s31], [sflag:$0x1] =	stream.indirect_vreg.gather [hbm4b:s4+s10], $0x1, v0, vm0, $0x4038;
	[tilespmem:$0x80] =	vst v63  }
.Ltmp4:
0x2e: {  	(pc) =	sbr.rel .LBB2_5-.Ltmp4, $4  }
0x2f: {  	_ =	swait.ge [sflag:s5], $0x20  }
0x30: {  	s15 =	sshrl.u32 s13, $0x3;
	[sflag:s5] =	ssyncset.done $0x0  }
0x31: {  	s31 =	sand.u32 $0x7, s13;
	s15 =	sadd.s32 s8, s15;
	[sflag:s5] =	ssyncadd.s32 $0xFFFFFFE0  }
0x32: {  	[hbm4b:s15+s31] =	stream.linear.scatter [tilespmem:s14], [sflag:$0x3], $0x20, $0x38;
	[tilespmem:$0x80] =	vst v63  }
.LBB2_6:
0x33: {  	_ =	sfence.sel $0x180000  }
0x34: {  	s2 =	simm.s32 $0x2;
	[bflag:$0x0] =	sbarrier.arrive $0xFFFF  }
0x35: {  	s30 =	simm.s32 $0x3;
	[sflag:s2] =	ssyncpa.u1 $0x1  }
0x36: {  	s31 =	simm.s32 $0x1;
	[sflag:s30] =	ssyncpa.u1 $0x1  }
0x37: {  	[sflag:s31] =	ssyncpa.u1 $0x1  }
0x38: {  	p0 =	sne.s32 s0, $0x0;
	_ =	strace $0x9000004A  }
0x39: {  	s0 =	sadd.s32 @!p0 $0x100000, s1;
	[bflag:$0x2] =	sbarrier.arrive $0xFFFF  }
0x3a: {  	[sflag:s0] =	ssyncadd.tile.s32 @!p0 $0x1;
	_ =	shalt  }
.Lfunc_end2:
_tile_overlayer_lowered:
.L_overlay_start_2:
0x3b: {  	(tag) =	ssettag $0x2  }
0x3c: {  	s0 =	rddreg [dreg:$0x0];
	s2 =	stileid.u32  }
0x3d: {  	s1 =	rddreg [dreg:$0x1];
	p0 =	sne.s32 s2, $0x0  }
0x3e: {  	s3 =	rddreg [dreg:$0x2];
	[bflag:$0x3] =	sbarrier.arrive $0xFFFF;
	s2 =	simm.s32 @!p0 $0x1C01  }
0x3f: {  	[timem:s3], [sflag:s2] =	dma.local @!p0 [hbm:s0], s1  }
0x40: {  	s0 =	simm.s32 @!p0 $0x1  }
0x41: {  	_ =	swait.ge @!p0 [sflag:s0], s1  }
0x42: {  	s1 =	ssub.s32 @!p0 $0x0, s1;
	[sflag:s0] =	ssyncset.done @!p0 $0x0  }
0x43: {  	[sflag:s0] =	ssyncadd.s32 @!p0 s1  }
0x44: {  	[bflag:$0x3] =	sbarrier.arrive $0xFFFF  }
0x45: {  	_ =	shalt  }

// kernel: gather_offload_async_start
scs
__scs_entry_jumppad:
0x0: {  	(pc) =	sbr.rel $0x88, $3  }
0x1: {  	(tag) =	ssettag $0x0;
	lr =	simm.s32 $0x1  }
0x2: {  	[smem:$0x3F7C] =	sst lr;
	_ =	strace $0xD0000000  }
0x3: {  	_ = 	snop  }
0x4: {  	_ = 	snop  }
0x5: {  	_ = 	snop  }
0x6: {  	_ = 	snop  }
0x7: {  	_ = 	snop  }
__scs_overlays_trampoline_lowered:
0x8: {  	[smem:$0x3F8B] =	sst s0  }
0x9: {  	[smem:$0x3F8C] =	sst s1  }
0xa: {  	[smem:$0x3F8D] =	sst s2  }
0xb: {  	[smem:$0x3F8E] =	sst s3  }
0xc: {  	[smem:$0x3F8F] =	sst s4  }
0xd: {  	[smem:$0x3F90] =	sst s5  }
0xe: {  	[smem:$0x3F91] =	sst s6  }
0xf: {  	[smem:$0x3F92] =	sst s7  }
0x10: {  	[smem:$0x3F93] =	sst s8  }
0x11: {  	[smem:$0x3F94] =	sst s9;
	s0 =	simm.s32 @!p0 $0x0  }
0x12: {  	s1 =	sld [smem:$0x3F7A];
	s0 =	simm.s32 @p0 $0x1  }
0x13: {  	[smem:$0x3F95] =	sst s0;
	s0 =	simm.s32 @!p1 $0x0  }
0x14: {  	s2 =	sld [smem:$0x3F79];
	s0 =	simm.s32 @p1 $0x1  }
0x15: {  	[smem:$0x3F96] =	sst s0;
	s0 =	simm.s32 @!p2 $0x0  }
0x16: {  	s3 =	sld [smem:$0x3FDB];
	s0 =	simm.s32 @p2 $0x1  }
0x17: {  	s4 =	simm.s32 $0x1BF5;
	[smem:$0x3F98] =	sst s0  }
0x18: {  	s0 =	sld [smem:$0x3F7B];
	_ =	swait.ge [sflag:s4], $0x0  }
0x19: {  	s7 =	sld [smem:$0x3F7C]  }
0x1a: {  	s8 =	sadd.s32 $0xFFFFE003, lr  }
0x1b: {  	s9 =	sadd.s32 $0xFFFFFEF7, lr;
	s5 =	simm.s32 $0xFFFFFFFF;
	p2 =	slt.u32 s8, $0xFFFFF086  }
0x1c: {  	p1 =	slt.u32 s9, $0xF7A;
	s5 =	simm.s32 @!p2 $0x0  }
0x1d: {  	s5 =	simm.s32 @p1 $0x1;
	p0 =	seq.s32 s7, s2  }
0x1e: {  	s7 =	smul.u32 @!p0 $0xF7A, s2;
	p2 =	seq.s32 @!p0 s5, $0x0  }
0x1f: {  	s9 =	smul.u32 $0xF7A, s1;
	s8 =	simm.s32 @!p0 $0x1BF5;
	p2 =	por !p2, p0  }
0x20: {  	[sflag:s8] =	ssyncset.s32 @!p0 $0xFFFFF086;
	s6 =	sadd.s32 @!p0 s3, s7;
	s7 =	simm.s32 @!p0 $0x108  }
0x21: {  	s3 =	sadd.s32 s3, s9;
	s6 =	sadd.s32 @!p0 $0x88, s6;
	s7 =	simm.s32 @p2 $0x1082  }
0x22: {  	[simem:s7], [sflag:s8] =	dma.local @!p0 [hbm:s6], $0xF7A  }
0x23: {  	s9 =	sor.u32 $0xD0000000, s2;
	s6 =	simm.s32 $0x108;
	_ =	swait.ge @!p0 [sflag:s8], $0x0  }
0x24: {  	s3 =	sadd.s32 $0x88, s3;
	s6 =	simm.s32 @!p1 $0x1082;
	[sflag:s4] =	ssyncset.s32 $0xFFFFF086  }
0x25: {  	[simem:s6], [sflag:s4] =	dma.local [hbm:s3], $0xF7A  }
0x26: {  	[smem:$0x3F7C] =	sst s1;
	(tag) =	ssettag s2;
	_ =	strace s9  }
0x27: {  	s1 =	sld [smem:$0x3F8C]  }
0x28: {  	s2 =	sld [smem:$0x3F8D]  }
0x29: {  	s4 =	sld [smem:$0x3F8F]  }
0x2a: {  	p0 =	seq.s32 s5, $0x0;
	s5 =	sld [smem:$0x3F90]  }
0x2b: {  	s6 =	sld [smem:$0x3F91]  }
0x2c: {  	s7 =	sld [smem:$0x3F92]  }
0x2d: {  	s3 =	simm.s32 $0x108;
	s8 =	sld [smem:$0x3F93]  }
0x2e: {  	s3 =	simm.s32 @!p0 $0x1082;
	s9 =	sld [smem:$0x3F94]  }
0x2f: {  	lr =	sadd.s32 s0, s3;
	s0 =	sld [smem:$0x3F8B]  }
0x30: {  	s3 =	sld [smem:$0x3F8E]  }
0x31: {  	[smem:$0x3F97] =	sst s10  }
0x32: {  	s10 =	sld [smem:$0x3F95];
	_ =	sdelay $0x3  }
0x33: {  	p0 =	seq.s32 s10, $0x1;
	s10 =	sld [smem:$0x3F97];
	_ =	sdelay $0x3  }
0x34: {  	[smem:$0x3F97] =	sst s10  }
0x35: {  	s10 =	sld [smem:$0x3F96];
	_ =	sdelay $0x3  }
0x36: {  	p1 =	seq.s32 s10, $0x1;
	s10 =	sld [smem:$0x3F97];
	_ =	sdelay $0x3  }
0x37: {  	[smem:$0x3F97] =	sst s10  }
0x38: {  	s10 =	sld [smem:$0x3F98]  }
0x39: {  	_ = 	snop;
	(pc) =	sbr.ind lr, $3  }
0x3a: {  	_ = 	snop  }
0x3b: {  	_ = 	snop  }
0x3c: {  	p2 =	seq.s32 s10, $0x1;
	s10 =	sld [smem:$0x3F97]  }
0x3d: {  	_ =	shalt  }
0x3e: {  	_ =	shalt  }
0x3f: {  	_ =	shalt  }
0x40: {  	_ =	shalt  }
0x41: {  	_ =	shalt  }
0x42: {  	_ =	shalt  }
0x43: {  	_ =	shalt  }
0x44: {  	_ =	shalt  }
0x45: {  	_ =	shalt  }
0x46: {  	_ =	shalt  }
0x47: {  	_ =	shalt  }
0x48: {  	_ =	shalt  }
0x49: {  	_ =	shalt  }
0x4a: {  	_ =	shalt  }
0x4b: {  	_ =	shalt  }
0x4c: {  	_ =	shalt  }
0x4d: {  	_ =	shalt  }
0x4e: {  	_ =	shalt  }
0x4f: {  	_ =	shalt  }
0x50: {  	_ =	shalt  }
0x51: {  	_ =	shalt  }
0x52: {  	_ =	shalt  }
0x53: {  	_ =	shalt  }
0x54: {  	_ =	shalt  }
0x55: {  	_ =	shalt  }
0x56: {  	_ =	shalt  }
0x57: {  	_ =	shalt  }
0x58: {  	_ =	shalt  }
0x59: {  	_ =	shalt  }
0x5a: {  	_ =	shalt  }
0x5b: {  	_ =	shalt  }
0x5c: {  	_ =	shalt  }
0x5d: {  	_ =	shalt  }
0x5e: {  	_ =	shalt  }
0x5f: {  	_ =	shalt  }
0x60: {  	_ =	shalt  }
0x61: {  	_ =	shalt  }
0x62: {  	_ =	shalt  }
0x63: {  	_ =	shalt  }
0x64: {  	_ =	shalt  }
0x65: {  	_ =	shalt  }
0x66: {  	_ =	shalt  }
0x67: {  	_ =	shalt  }
0x68: {  	_ =	shalt  }
0x69: {  	_ =	shalt  }
0x6a: {  	_ =	shalt  }
0x6b: {  	_ =	shalt  }
0x6c: {  	_ =	shalt  }
0x6d: {  	_ =	shalt  }
0x6e: {  	_ =	shalt  }
0x6f: {  	_ =	shalt  }
0x70: {  	_ =	shalt  }
0x71: {  	_ =	shalt  }
0x72: {  	_ =	shalt  }
0x73: {  	_ =	shalt  }
0x74: {  	_ =	shalt  }
0x75: {  	_ =	shalt  }
0x76: {  	_ =	shalt  }
0x77: {  	_ =	shalt  }
0x78: {  	_ =	shalt  }
0x79: {  	_ =	shalt  }
0x7a: {  	_ =	shalt  }
0x7b: {  	_ =	shalt  }
0x7c: {  	_ =	shalt  }
0x7d: {  	_ =	shalt  }
0x7e: {  	_ =	shalt  }
0x7f: {  	_ =	shalt  }
0x80: {  	_ =	shalt  }
0x81: {  	_ =	shalt  }
0x82: {  	_ =	shalt  }
0x83: {  	_ =	shalt  }
0x84: {  	_ =	shalt  }
0x85: {  	_ =	shalt  }
0x86: {  	_ =	shalt  }
0x87: {  	_ =	shalt  }
.Lfunc_end0:
.L_simem_size_0:
called_computation_lowered:
.L_overlay_start_0:
0x88: {  	s2 =	sld [smem:$0x3FD9]  }
0x89: {  	s3 =	sld [smem:$0x3FFE];
	_ =	sdelay $0x1  }
0x8a: {  	s1 =	srdreg.scid  }
0x8b: {  	s0 =	sand.u32 $0x1, s1  }
0x8c: {  	s14 =	sshll.u32 s0, $0xA;
	s2 =	sadd.s32 s3, s2  }
0x8d: {  	s2 =	sadd.s32 s2, s14  }
0x8e: {  	[smem:$0x3FA3] =	sst s2  }
0x8f: {  	_ = 	snop  }
0x90: {  	s2 =	sld [smem:$0x3FD0];
	_ =	sdelay $0x2  }
0x91: {  	s15 =	simm.s32 $0xB;
	s4 =	simm.s32 $0x10  }
0x92: {  	[smem:s4], [sflag:s15] =	dma.local [hbm:s2], $0x1  }
0x93: {  	_ =	swait.eq [sflag:s15], $0x1  }
0x94: {  	[sflag:s15] =	ssyncset.done $0x0  }
0x95: {  	[sflag:s15] =	ssyncadd.s32 $0xFFFFFFFF  }
0x96: {  	s16 =	sld [smem:$0x11];
	(tm) =	ssettm $0x1  }
0x97: {  	s17 =	sld [smem:$0x3FFB];
	_ =	sdelay $0x3  }
0x98: {  	_ =	strace s17  }
0x99: {  	s3 =	sld [smem:$0x3FFC];
	_ =	sdelay $0x3  }
0x9a: {  	_ =	strace s3  }
0x9b: {  	s3 =	sld [smem:$0x3FFD];
	_ =	sdelay $0x3  }
0x9c: {  	_ =	strace s3  }
0x9d: {  	_ =	strace $0x8FFFFFFF  }
0x9e: {  	s18 =	sld [smem:$0x3FDB];
	_ =	sdelay $0x1  }
0x9f: {  	s19 =	simm.s32 $_scs_section_size  }
0xa0: {  	s5 =	simm.s32 $_size__tile_overlayer_lowered;
	s6 =	simm.s32 $_tile_overlayer_lowered  }
0xa1: {  	s22 =	simm.s32 $0x1BFF;
	s21 =	sshll.u32 s6, $0x1;
	s3 =	sadd.s32 s19, s18  }
0xa2: {  	s7 =	simm.s32 $0x0;
	s20 =	sshll.u32 s5, $0x1;
	s5 =	sadd.s32 s21, s3  }
0xa3: {  	[timem:s7], [sflag:s22] =	dma.local [hbm:s5], s20  }
0xa4: {  	_ =	swait.ge [sflag:s22], s20  }
0xa5: {  	s4 =	ssub.s32 $0x0, s20;
	[sflag:s22] =	ssyncset.done $0x0  }
0xa6: {  	[sflag:s22] =	ssyncadd.s32 s4;
	_ =	sdelay $0x1  }
0xa7: {  	s23 =	simm.s32 $0x1B8B  }
0xa8: {  	_ =	swait.ge [sflag:s23], $0x1  }
0xa9: {  	[sflag:s23] =	ssyncset.done $0x0  }
0xaa: {  	s25 =	simm.s32 $0x1B8E;
	s24 =	sld [smem:$0x3FFE];
	[sflag:s23] =	ssyncadd.s32 $0xFFFFFFFF  }
0xab: {  	s26 =	simm.s32 $execute0_lowered;
	[smem:$0x3FD2] =	sst s25  }
0xac: {  	s5 =	sshll.u32 s26, $0x1;
	_ =	strace $0x8000004C;
	[dreg:$0x1] =	wrdreg $0xFFFFFFFF  }
0xad: {  	s28 =	simm.s32 $_size_execute0_lowered;
	s3 =	sadd.s32 s3, s5;
	[dreg:$0x0] =	wrdreg $0x0  }
0xae: {  	s5 =	sshll.u32 s28, $0x1;
	[dreg:$0x2] =	wrdreg s3  }
0xaf: {  	[dreg:$0x3] =	wrdreg s5  }
0xb0: {  	[dreg:$0x4] =	wrdreg $0xC0  }
0xb1: {  	_ =	task [dreg:s7], $0x5FFFF  }
0xb2: {  	[dreg:$0x1] =	wrdreg $0xFFFFFFFF  }
0xb3: {  	[dreg:$0x0] =	wrdreg $0x60  }
0xb4: {  	[dreg:$0x2] =	wrdreg s24  }
0xb5: {  	[dreg:$0x3] =	wrdreg s16  }
0xb6: {  	[dreg:$0x4] =	wrdreg $0x9  }
0xb7: {  	_ =	task.clear_ibuf [dreg:s7], $0x5FFFF;
	_ =	strace $0x9000004C  }
0xb8: {  	s29 =	simm.s32 $0x9;
	_ =	strace $0x8000004E  }
0xb9: {  	_ =	swait.ge [sflag:s29], $0x1  }
0xba: {  	[sflag:s29] =	ssyncadd.s32 $0xFFFFFFFF  }
0xbb: {  	_ =	strace $0x9000004E  }
0xbc: {  	_ =	sfence  }
0xbd: {  	s30 =	sld [smem:$0x0];
	_ =	sdelay $0x2  }
0xbe: {  	s31 =	sshll.u32 s1, $0xD;
	s1 =	sshrl.u32 s1, $0x2  }
0xbf: {  	s3 =	sand.u32 $0x4000, s31;
	s1 =	sadd.s32 s1, s30  }
0xc0: {  	s0 =	sor.u32 s3, s0;
	s1 =	sshll.u32 s1, $0x11  }
0xc1: {  	s0 =	sor.u32 s1, s0  }
0xc2: {  	s0 =	sadd.s32 $0x8F2B, s0  }
0xc3: {  	[sflag:s0] =	ssyncadd.remote.s32 $0x1  }
0xc4: {  	_ =	sfence.sel $0xFFFF  }
0xc5: {  	[dreg:$0x0] =	wrdreg $0xFFFFFFFF;
	(pc) =	sbr.abs _section_cstart, $3  }
0xc6: {  	[dreg:$0x1] =	wrdreg $0xFFFFFFFF  }
0xc7: {  	_ =	task.clear_ibuf [dreg:s7], $0x2FFFF;
	_ =	strace $0x9FFFFFFF  }
0xc8: {  	(tm) =	ssettm $0x7FFFFFFF  }
0xc9: {  	_ =	shalt  }
tec
execute0_lowered:
.L_overlay_start_1:
0x0: {  	(tag) =	ssettag $0x1  }
0x1: {  	s1 =	srdreg.scid;
	s5 =	rddreg [dreg:$0x0]  }
0x2: {  	s0 =	stileid.u32;
	s2 =	rddreg [dreg:$0x1];
	s6 =	simm.s32 $0x1  }
0x3: {  	s9 =	simm.s32 $0x1;
	s10 =	simm.s32 $0x3;
	s1 =	sshll.u32 s1, $0x8  }
0x4: {  	s13 =	simm.s32 $0x0;
	s3 =	sshll.u32 s0, $0x9;
	s4 =	sand.u32 $0x100, s1  }
0x5: {  	s12 =	simm.s32 $0x0;
	s1 =	rddreg [dreg:$0x2];
	s3 =	sor.u32 s3, s4  }
0x6: {  	_ =	strace $0x8000004D;
	s4 =	sadd.s32 $0x8000, s5;
	s8 =	ssub.s32 $0x4000, s3  }
.Ltmp0:
0x7: {  	s5 =	sadd.s32 $0x49800, s5;
	s7 =	sand.u32 $0x1F00, s8;
	(pc) =	sbr.rel .LBB2_1-.Ltmp0, $4  }
0x8: {  	[sflag:s6] =	ssyncpa.u1 $0x0;
	s11 =	smov.u32 s3;
	p0 =	sne.s32 s7, $0x0  }
0x9: {  	s8 =	sshrl.u32 s8, $0xD;
	s7 =	simm.s32 $0x2;
	s9 =	simm.s32 @!p0 $0x0  }
0xa: {  	[sflag:s7] =	ssyncpa.u1 $0x0;
	p0 =	por $0x0, $0x0;
	s8 =	sadd.s32 s9, s8  }
0xb: {  	vm0 =	vmmov $0xffff;
	[sflag:s10] =	ssyncpa.u1 $0x0;
	s10 =	simm.s32 $0x0;
	s9 =	sadd.s32 $0x1, s8  }
.LBB2_4:
0xc: {  	v5 =	vld.msk [tilespmem:s18+$0x0 ss:$0x1], $0xffff  }
0xd: {  	v6 =	vand.u32 $0x3, v1;
	v7 =	vshrl.u32 v1, $0x2  }
0xe: {  	v3 =	vor.u32 v4, v3;
	vm1 =	veq.s32 v1, $0x80000000;
	v53 =	vand.u32 $0xFFF, v7  }
0xf: {  	v2 =	vor.u32 v2, v3;
	v54 =	vsel vm1, $0xFFFFFFFF, v6;
	v1 =	vsel vm1, $0xFFFFFFFF, v53  }
0x10: {  	v6 =	vshll.u32 v54, $0x7;
	v3 =	vand.u32 $0xFFFFC000, v54;
	v55 =	vand.u32 $0x7F, v1  }
0x11: {  	v1 =	vshll.u32 v1, $0x2;
	v6 =	vand.u32 $0x180, v6;
	v56 =	vshrl.u32 v5, $0x2  }
0x12: {  	v1 =	vand.u32 $0xFFFFFE00, v1;
	vm1 =	veq.s32 v5, $0x80000000;
	v57 =	vand.u32 $0xFFF, v56  }
0x13: {  	v1 =	vadd.s32 v3, v1;
	v5 =	vand.u32 $0x3, v5;
	v3 =	vsel vm1, $0xFFFFFFFF, v57  }
0x14: {  	v1 =	vor.u32 v6, v1;
	v5 =	vsel vm1, $0xFFFFFFFF, v5;
	v58 =	vshll.u32 v3, $0x2  }
0x15: {  	v59 =	vshll.u32 v5, $0x7;
	v5 =	vand.u32 $0xFFFFC000, v5;
	v6 =	vand.u32 $0xFFFFFE00, v58  }
0x16: {  	v1 =	vor.u32 v55, v1;
	v61 =	vand.u32 $0x180, v59;
	v60 =	vadd.s32 v5, v6  }
0x17: {  	[tilespmem:s16], [sflag:$0x1] =	stream.indirect_vreg.gather [hbm4b:s4+s10], $0x1, v0, vm0, $0x4038;
	v62 =	vand.u32 $0x7F, v3;
	v63 =	vor.u32 v61, v60;
	[tilespmem:$0x400] =	vst v63  }
0x18: {  	(ifvalue) =	ssetifvalue $0x7FFFFFFF;
	v0 =	vor.u32 v62, v63  }
0x19: {  	[tilespmem:s15], [sflag:$0x1] =	stream.indirect_vreg.gather [hbm4b:s4+s10], $0x1, v2, vm0, $0x4038;
	[tilespmem:$0x400] =	vst v63  }
0x1a: {  	s29 =	sadd.s32 $0x10, s15;
	(ifvalue) =	ssetifvalue $0x7FFFFFFF  }
0x1b: {  	[tilespmem:s29], [sflag:$0x1] =	stream.indirect_vreg.gather [hbm4b:s4+s10], $0x1, v1, vm0, $0x4038;
	[tilespmem:$0x400] =	vst v63  }
0x1c: {  	s15 =	sadd.s32 $0x10, s29;
	(ifvalue) =	ssetifvalue $0x7FFFFFFF  }
0x1d: {  	[tilespmem:s15], [sflag:$0x1] =	stream.indirect_vreg.gather [hbm4b:s4+s10], $0x1, v0, vm0, $0x4038;
	[tilespmem:$0x400] =	vst v63  }
0x1e: {  	_ =	swait.ge [sflag:s6], $0x100  }
0x1f: {  	s30 =	sshrl.u32 s13, $0x3;
	[sflag:s6] =	ssyncset.done $0x0  }
0x20: {  	s31 =	sand.u32 $0x7, s13;
	s15 =	sadd.s32 s5, s30;
	[sflag:s6] =	ssyncadd.s32 $0xFFFFFF00  }
0x21: {  	[hbm4b:s15+s31] =	stream.linear.scatter [tilespmem:s14], [sflag:$0x3], $0x100, $0x38;
	[tilespmem:$0x400] =	vst v63  }
.LBB2_5:
0x22: {  	s15 =	sadd.s32 $0x2000, s11  }
0x23: {  	p2 =	sgt.s32 s15, $0x3FFF  }
0x24: {  	s15 =	smov.u32 @p2 s3;
	p2 =	sne.s32 s12, s9  }
.Ltmp1:
0x25: {  	p1 =	slt.u32 s12, $0x2;
	(pc) =	sbr.rel @!p2 .LBB2_6-.Ltmp1, $4  }
0x26: {  	s14 =	simm.s32 @!p1 $0x3  }
0x27: {  	s16 =	sadd.s32 $0x1, s12;
	_ =	swait.ge @!p1 [sflag:s14], $0x100  }
0x28: {  	s13 =	smov.u32 s11;
	p0 =	por !p0, !p0;
	[sflag:s14] =	ssyncset.done @!p1 $0x0  }
0x29: {  	s12 =	smov.u32 s16;
	s11 =	smov.u32 s15;
	[sflag:s14] =	ssyncadd.s32 @!p1 $0xFFFFFF00  }
.LBB2_1:
0x2a: {  	p1 =	sge.u32 s12, s8  }
0x2b: {  	s14 =	sxor.u32 @!p1 $0xFFFFFFFF, s12  }
0x2c: {  	s31 =	sadd.s32 $0xFFFFFFFF, s12;
	s15 =	sshrl.u32 @!p1 s11, $0x3;
	s14 =	sshll.u32 @!p1 s14, $0x8  }
0x2d: {  	s16 =	sand.u32 @!p1 $0x7, s11;
	s15 =	sadd.s32 @!p1 s2, s15;
	s14 =	sand.u32 @!p1 $0x100, s14  }
0x2e: {  	[tilespmem:s14], [sflag:$0x2] =	stream.linear.gather @!p1 [hbm4b:s15+s16], $0x100, $0x38;
	[tilespmem:$0x400] =	vst v63  }
0x2f: {  	p1 =	sge.u32 s31, s8  }
.Ltmp2:
0x30: {  	_ = 	snop;
	(pc) =	sbr.rel @p1 .LBB2_5-.Ltmp2, $1  }
0x31: {  	_ =	sdelay $0x3  }
0x32: {  	s14 =	simm.s32 $0x1  }
0x33: {  	_ =	swait.ge [sflag:s7], $0x100;
	s14 =	simm.s32 @!p0 $0x0  }
0x34: {  	[sflag:s7] =	ssyncset.done $0x0;
	s14 =	sshll.u32 s14, $0x8  }
0x35: {  	[sflag:s7] =	ssyncadd.s32 $0xFFFFFF00;
	(ifvalue) =	ssetifvalue $0x7FFFFFFF;
	v0 =	vld.msk [tilespmem:s14+$0x0 ss:$0x1], $0xffff;
	_ =	sdelay $0x4  }
0x36: {  	s15 =	sadd.s32 $0x10, s14;
	v2 =	vshrl.u32 v0, $0x2  }
0x37: {  	v1 =	vld.msk [tilespmem:s15+$0x0 ss:$0x1], $0xffff;
	vm1 =	veq.s32 v0, $0x80000000;
	v2 =	vand.u32 $0xFFF, v2  }
0x38: {  	v0 =	vand.u32 $0x3, v0;
	v2 =	vsel vm1, $0xFFFFFFFF, v2  }
0x39: {  	v0 =	vsel vm1, $0xFFFFFFFF, v0;
	v3 =	vshll.u32 v2, $0x2  }
0x3a: {  	v4 =	vand.u32 $0xFFFFC000, v0;
	v0 =	vshll.u32 v0, $0x7;
	v3 =	vand.u32 $0xFFFFFE00, v3  }
0x3b: {  	v0 =	vand.u32 $0x180, v0;
	v3 =	vadd.s32 v4, v3  }
0x3c: {  	v2 =	vand.u32 $0x7F, v2;
	v4 =	vshrl.u32 v1, $0x2;
	v0 =	vor.u32 v0, v3  }
0x3d: {  	vm1 =	veq.s32 v1, $0x80000000;
	v4 =	vand.u32 $0xFFF, v4;
	v0 =	vor.u32 v2, v0  }
0x3e: {  	s16 =	sshll.u32 s12, $0x8;
	s15 =	sadd.s32 $0x10, s15;
	v1 =	vand.u32 $0x3, v1;
	v3 =	vsel vm1, $0xFFFFFFFF, v4  }
0x3f: {  	s17 =	sand.u32 $0x100, s16;
	v2 =	vsel vm1, $0xFFFFFFFF, v1;
	v1 =	vld.msk [tilespmem:s15+$0x0 ss:$0x1], $0xffff;
	v4 =	vshll.u32 v3, $0x2  }
0x40: {  	s16 =	sor.u32 $0x200, s14;
	s14 =	sor.u32 $0x200, s17;
	s17 =	simm.s32 $0x30;
	v5 =	vshll.u32 v2, $0x7;
	v6 =	vand.u32 $0xFFFFC000, v2;
	v4 =	vand.u32 $0xFFFFFE00, v4  }
0x41: {  	s18 =	sadd.s32 $0x10, s15;
	(ifvalue) =	ssetifvalue $0x7FFFFFFF;
	s15 =	sadd.s32 $0x10, s16;
	v2 =	vand.u32 $0x7F, v3;
	v3 =	vadd.s32 v6, v4;
	v4 =	vand.u32 $0x180, v5  }
.LBB2_3:
0x42: {  	[tilespmem:s16], [sflag:$0x1] =	stream.indirect_vreg.gather [hbm4b:s4+s10], $0x1, v0, vm0, $0x4038;
	[tilespmem:$0x400] =	vst v63  }
0x43: {  	s17 =	sadd.s32 $0x10, s17  }
0x44: {  	v5 =	vand.u32 $0x3, v1;
	v6 =	vshrl.u32 v1, $0x2;
	v3 =	vor.u32 v4, v3;
	v0 =	vmovc v1;
	v1 =	vld.msk [tilespmem:s18+$0x0 ss:$0x1], $0xffff;
	p1 =	slt.u32 s17, $0xF0  }
.Ltmp3:
0x45: {  	s16 =	smov.u32 s15;
	vm1 =	veq.s32 v0, $0x80000000;
	v4 =	vand.u32 $0xFFF, v6;
	v0 =	vor.u32 v2, v3;
	(pc) =	sbr.rel @p1 .LBB2_3-.Ltmp3, $4  }
0x46: {  	v3 =	vsel vm1, $0xFFFFFFFF, v5;
	v4 =	vsel vm1, $0xFFFFFFFF, v4  }
0x47: {  	v2 =	vand.u32 $0x7F, v4;
	v4 =	vshll.u32 v4, $0x2;
	v5 =	vshll.u32 v3, $0x7  }
0x48: {  	v3 =	vand.u32 $0xFFFFC000, v3;
	v4 =	vand.u32 $0xFFFFFE00, v4  }
0x49: {  	s18 =	sadd.s32 $0x10, s18;
	s15 =	sadd.s32 $0x10, s15;
	v3 =	vadd.s32 v3, v4;
	v4 =	vand.u32 $0x180, v5;
	(ifvalue) =	ssetifvalue $0x7FFFFFFF  }
.Ltmp4:
0x4a: {  	_ = 	snop;
	(pc) =	sbr.rel .LBB2_4-.Ltmp4, $1  }
0x4b: {  	_ =	sdelay $0x3  }
.LBB2_6:
0x4c: {  	_ =	sfence.sel $0x180000  }
0x4d: {  	s2 =	simm.s32 $0x2;
	[bflag:$0x0] =	sbarrier.arrive $0xFFFF  }
0x4e: {  	s30 =	simm.s32 $0x3;
	[sflag:s2] =	ssyncpa.u1 $0x1  }
0x4f: {  	s31 =	simm.s32 $0x1;
	[sflag:s30] =	ssyncpa.u1 $0x1  }
0x50: {  	[sflag:s31] =	ssyncpa.u1 $0x1  }
0x51: {  	p0 =	sne.s32 s0, $0x0;
	_ =	strace $0x9000004D  }
0x52: {  	s0 =	sadd.s32 @!p0 $0x100000, s1;
	[bflag:$0x2] =	sbarrier.arrive $0xFFFF  }
0x53: {  	[sflag:s0] =	ssyncadd.tile.s32 @!p0 $0x1;
	_ =	shalt  }
.Lfunc_end2:
_tile_overlayer_lowered:
.L_overlay_start_2:
0x54: {  	(tag) =	ssettag $0x2  }
0x55: {  	s0 =	rddreg [dreg:$0x0];
	s2 =	stileid.u32  }
0x56: {  	s1 =	rddreg [dreg:$0x1];
	p0 =	sne.s32 s2, $0x0  }
0x57: {  	s3 =	rddreg [dreg:$0x2];
	[bflag:$0x3] =	sbarrier.arrive $0xFFFF;
	s2 =	simm.s32 @!p0 $0x1C01  }
0x58: {  	[timem:s3], [sflag:s2] =	dma.local @!p0 [hbm:s0], s1  }
0x59: {  	s0 =	simm.s32 @!p0 $0x1  }
0x5a: {  	_ =	swait.ge @!p0 [sflag:s0], s1  }
0x5b: {  	s1 =	ssub.s32 @!p0 $0x0, s1;
	[sflag:s0] =	ssyncset.done @!p0 $0x0  }
0x5c: {  	[sflag:s0] =	ssyncadd.s32 @!p0 s1  }
0x5d: {  	[bflag:$0x3] =	sbarrier.arrive $0xFFFF  }
0x5e: {  	_ =	shalt  }

// kernel: kernel.10.cloned.1.call-start
scs
__scs_entry_jumppad:
0x0: {  	(pc) =	sbr.rel $0x88, $3  }
0x1: {  	(tag) =	ssettag $0x0;
	lr =	simm.s32 $0x1  }
0x2: {  	[smem:$0x3F7C] =	sst lr;
	_ =	strace $0xD0000000  }
0x3: {  	_ = 	snop  }
0x4: {  	_ = 	snop  }
0x5: {  	_ = 	snop  }
0x6: {  	_ = 	snop  }
0x7: {  	_ = 	snop  }
__scs_overlays_trampoline_lowered:
0x8: {  	[smem:$0x3F8B] =	sst s0  }
0x9: {  	[smem:$0x3F8C] =	sst s1  }
0xa: {  	[smem:$0x3F8D] =	sst s2  }
0xb: {  	[smem:$0x3F8E] =	sst s3  }
0xc: {  	[smem:$0x3F8F] =	sst s4  }
0xd: {  	[smem:$0x3F90] =	sst s5  }
0xe: {  	[smem:$0x3F91] =	sst s6  }
0xf: {  	[smem:$0x3F92] =	sst s7  }
0x10: {  	[smem:$0x3F93] =	sst s8  }
0x11: {  	[smem:$0x3F94] =	sst s9;
	s0 =	simm.s32 @!p0 $0x0  }
0x12: {  	s1 =	sld [smem:$0x3F7A];
	s0 =	simm.s32 @p0 $0x1  }
0x13: {  	[smem:$0x3F95] =	sst s0;
	s0 =	simm.s32 @!p1 $0x0  }
0x14: {  	s2 =	sld [smem:$0x3F79];
	s0 =	simm.s32 @p1 $0x1  }
0x15: {  	[smem:$0x3F96] =	sst s0;
	s0 =	simm.s32 @!p2 $0x0  }
0x16: {  	s3 =	sld [smem:$0x3FDB];
	s0 =	simm.s32 @p2 $0x1  }
0x17: {  	s4 =	simm.s32 $0x1BF5;
	[smem:$0x3F98] =	sst s0  }
0x18: {  	s0 =	sld [smem:$0x3F7B];
	_ =	swait.ge [sflag:s4], $0x0  }
0x19: {  	s7 =	sld [smem:$0x3F7C]  }
0x1a: {  	s8 =	sadd.s32 $0xFFFFE003, lr  }
0x1b: {  	s9 =	sadd.s32 $0xFFFFFEF7, lr;
	s5 =	simm.s32 $0xFFFFFFFF;
	p2 =	slt.u32 s8, $0xFFFFF086  }
0x1c: {  	p1 =	slt.u32 s9, $0xF7A;
	s5 =	simm.s32 @!p2 $0x0  }
0x1d: {  	s5 =	simm.s32 @p1 $0x1;
	p0 =	seq.s32 s7, s2  }
0x1e: {  	s7 =	smul.u32 @!p0 $0xF7A, s2;
	p2 =	seq.s32 @!p0 s5, $0x0  }
0x1f: {  	s9 =	smul.u32 $0xF7A, s1;
	s8 =	simm.s32 @!p0 $0x1BF5;
	p2 =	por !p2, p0  }
0x20: {  	[sflag:s8] =	ssyncset.s32 @!p0 $0xFFFFF086;
	s6 =	sadd.s32 @!p0 s3, s7;
	s7 =	simm.s32 @!p0 $0x108  }
0x21: {  	s3 =	sadd.s32 s3, s9;
	s6 =	sadd.s32 @!p0 $0x88, s6;
	s7 =	simm.s32 @p2 $0x1082  }
0x22: {  	[simem:s7], [sflag:s8] =	dma.local @!p0 [hbm:s6], $0xF7A  }
0x23: {  	s9 =	sor.u32 $0xD0000000, s2;
	s6 =	simm.s32 $0x108;
	_ =	swait.ge @!p0 [sflag:s8], $0x0  }
0x24: {  	s3 =	sadd.s32 $0x88, s3;
	s6 =	simm.s32 @!p1 $0x1082;
	[sflag:s4] =	ssyncset.s32 $0xFFFFF086  }
0x25: {  	[simem:s6], [sflag:s4] =	dma.local [hbm:s3], $0xF7A  }
0x26: {  	[smem:$0x3F7C] =	sst s1;
	(tag) =	ssettag s2;
	_ =	strace s9  }
0x27: {  	s1 =	sld [smem:$0x3F8C]  }
0x28: {  	s2 =	sld [smem:$0x3F8D]  }
0x29: {  	s4 =	sld [smem:$0x3F8F]  }
0x2a: {  	p0 =	seq.s32 s5, $0x0;
	s5 =	sld [smem:$0x3F90]  }
0x2b: {  	s6 =	sld [smem:$0x3F91]  }
0x2c: {  	s7 =	sld [smem:$0x3F92]  }
0x2d: {  	s3 =	simm.s32 $0x108;
	s8 =	sld [smem:$0x3F93]  }
0x2e: {  	s3 =	simm.s32 @!p0 $0x1082;
	s9 =	sld [smem:$0x3F94]  }
0x2f: {  	lr =	sadd.s32 s0, s3;
	s0 =	sld [smem:$0x3F8B]  }
0x30: {  	s3 =	sld [smem:$0x3F8E]  }
0x31: {  	[smem:$0x3F97] =	sst s10  }
0x32: {  	s10 =	sld [smem:$0x3F95];
	_ =	sdelay $0x3  }
0x33: {  	p0 =	seq.s32 s10, $0x1;
	s10 =	sld [smem:$0x3F97];
	_ =	sdelay $0x3  }
0x34: {  	[smem:$0x3F97] =	sst s10  }
0x35: {  	s10 =	sld [smem:$0x3F96];
	_ =	sdelay $0x3  }
0x36: {  	p1 =	seq.s32 s10, $0x1;
	s10 =	sld [smem:$0x3F97];
	_ =	sdelay $0x3  }
0x37: {  	[smem:$0x3F97] =	sst s10  }
0x38: {  	s10 =	sld [smem:$0x3F98]  }
0x39: {  	_ = 	snop;
	(pc) =	sbr.ind lr, $3  }
0x3a: {  	_ = 	snop  }
0x3b: {  	_ = 	snop  }
0x3c: {  	p2 =	seq.s32 s10, $0x1;
	s10 =	sld [smem:$0x3F97]  }
0x3d: {  	_ =	shalt  }
0x3e: {  	_ =	shalt  }
0x3f: {  	_ =	shalt  }
0x40: {  	_ =	shalt  }
0x41: {  	_ =	shalt  }
0x42: {  	_ =	shalt  }
0x43: {  	_ =	shalt  }
0x44: {  	_ =	shalt  }
0x45: {  	_ =	shalt  }
0x46: {  	_ =	shalt  }
0x47: {  	_ =	shalt  }
0x48: {  	_ =	shalt  }
0x49: {  	_ =	shalt  }
0x4a: {  	_ =	shalt  }
0x4b: {  	_ =	shalt  }
0x4c: {  	_ =	shalt  }
0x4d: {  	_ =	shalt  }
0x4e: {  	_ =	shalt  }
0x4f: {  	_ =	shalt  }
0x50: {  	_ =	shalt  }
0x51: {  	_ =	shalt  }
0x52: {  	_ =	shalt  }
0x53: {  	_ =	shalt  }
0x54: {  	_ =	shalt  }
0x55: {  	_ =	shalt  }
0x56: {  	_ =	shalt  }
0x57: {  	_ =	shalt  }
0x58: {  	_ =	shalt  }
0x59: {  	_ =	shalt  }
0x5a: {  	_ =	shalt  }
0x5b: {  	_ =	shalt  }
0x5c: {  	_ =	shalt  }
0x5d: {  	_ =	shalt  }
0x5e: {  	_ =	shalt  }
0x5f: {  	_ =	shalt  }
0x60: {  	_ =	shalt  }
0x61: {  	_ =	shalt  }
0x62: {  	_ =	shalt  }
0x63: {  	_ =	shalt  }
0x64: {  	_ =	shalt  }
0x65: {  	_ =	shalt  }
0x66: {  	_ =	shalt  }
0x67: {  	_ =	shalt  }
0x68: {  	_ =	shalt  }
0x69: {  	_ =	shalt  }
0x6a: {  	_ =	shalt  }
0x6b: {  	_ =	shalt  }
0x6c: {  	_ =	shalt  }
0x6d: {  	_ =	shalt  }
0x6e: {  	_ =	shalt  }
0x6f: {  	_ =	shalt  }
0x70: {  	_ =	shalt  }
0x71: {  	_ =	shalt  }
0x72: {  	_ =	shalt  }
0x73: {  	_ =	shalt  }
0x74: {  	_ =	shalt  }
0x75: {  	_ =	shalt  }
0x76: {  	_ =	shalt  }
0x77: {  	_ =	shalt  }
0x78: {  	_ =	shalt  }
0x79: {  	_ =	shalt  }
0x7a: {  	_ =	shalt  }
0x7b: {  	_ =	shalt  }
0x7c: {  	_ =	shalt  }
0x7d: {  	_ =	shalt  }
0x7e: {  	_ =	shalt  }
0x7f: {  	_ =	shalt  }
0x80: {  	_ =	shalt  }
0x81: {  	_ =	shalt  }
0x82: {  	_ =	shalt  }
0x83: {  	_ =	shalt  }
0x84: {  	_ =	shalt  }
0x85: {  	_ =	shalt  }
0x86: {  	_ =	shalt  }
0x87: {  	_ =	shalt  }
.Lfunc_end0:
.L_simem_size_0:
called_computation.4_lowered:
.L_overlay_start_0:
0x88: {  	s2 =	sld [smem:$0x3FD9]  }
0x89: {  	s3 =	sld [smem:$0x3FFE];
	_ =	sdelay $0x1  }
0x8a: {  	s1 =	srdreg.scid  }
0x8b: {  	s0 =	sand.u32 $0x1, s1  }
0x8c: {  	s14 =	sshll.u32 s0, $0xA;
	s2 =	sadd.s32 s3, s2  }
0x8d: {  	s2 =	sadd.s32 s2, s14  }
0x8e: {  	[smem:$0x3FA3] =	sst s2  }
0x8f: {  	_ = 	snop  }
0x90: {  	s2 =	sld [smem:$0x3FD0];
	_ =	sdelay $0x2  }
0x91: {  	s15 =	simm.s32 $0xB;
	s4 =	simm.s32 $0x10  }
0x92: {  	[smem:s4], [sflag:s15] =	dma.local [hbm:s2], $0x1  }
0x93: {  	_ =	swait.eq [sflag:s15], $0x1  }
0x94: {  	[sflag:s15] =	ssyncset.done $0x0  }
0x95: {  	[sflag:s15] =	ssyncadd.s32 $0xFFFFFFFF  }
0x96: {  	s16 =	sld [smem:$0x11];
	(tm) =	ssettm $0x1  }
0x97: {  	s17 =	sld [smem:$0x3FFB];
	_ =	sdelay $0x3  }
0x98: {  	_ =	strace s17  }
0x99: {  	s3 =	sld [smem:$0x3FFC];
	_ =	sdelay $0x3  }
0x9a: {  	_ =	strace s3  }
0x9b: {  	s3 =	sld [smem:$0x3FFD];
	_ =	sdelay $0x3  }
0x9c: {  	_ =	strace s3  }
0x9d: {  	_ =	strace $0x8FFFFFFF  }
0x9e: {  	s18 =	sld [smem:$0x3FDB];
	_ =	sdelay $0x1  }
0x9f: {  	s19 =	simm.s32 $_scs_section_size  }
0xa0: {  	s5 =	simm.s32 $_size__tile_overlayer_lowered;
	s6 =	simm.s32 $_tile_overlayer_lowered  }
0xa1: {  	s22 =	simm.s32 $0x1BFF;
	s21 =	sshll.u32 s6, $0x1;
	s3 =	sadd.s32 s19, s18  }
0xa2: {  	s7 =	simm.s32 $0x0;
	s20 =	sshll.u32 s5, $0x1;
	s5 =	sadd.s32 s21, s3  }
0xa3: {  	[timem:s7], [sflag:s22] =	dma.local [hbm:s5], s20  }
0xa4: {  	_ =	swait.ge [sflag:s22], s20  }
0xa5: {  	s4 =	ssub.s32 $0x0, s20;
	[sflag:s22] =	ssyncset.done $0x0  }
0xa6: {  	[sflag:s22] =	ssyncadd.s32 s4;
	_ =	sdelay $0x1  }
0xa7: {  	s23 =	simm.s32 $0x1B8B  }
0xa8: {  	_ =	swait.ge [sflag:s23], $0x1  }
0xa9: {  	[sflag:s23] =	ssyncset.done $0x0  }
0xaa: {  	s25 =	simm.s32 $0x1B8E;
	s24 =	sld [smem:$0x3FFE];
	[sflag:s23] =	ssyncadd.s32 $0xFFFFFFFF  }
0xab: {  	s26 =	simm.s32 $execute0_lowered;
	[smem:$0x3FD2] =	sst s25  }
0xac: {  	s5 =	sshll.u32 s26, $0x1;
	_ =	strace $0x80000052;
	[dreg:$0x1] =	wrdreg $0xFFFFFFFF  }
0xad: {  	s28 =	simm.s32 $_size_execute0_lowered;
	s3 =	sadd.s32 s3, s5;
	[dreg:$0x0] =	wrdreg $0x0  }
0xae: {  	s5 =	sshll.u32 s28, $0x1;
	[dreg:$0x2] =	wrdreg s3  }
0xaf: {  	[dreg:$0x3] =	wrdreg s5  }
0xb0: {  	[dreg:$0x4] =	wrdreg $0xC0  }
0xb1: {  	_ =	task [dreg:s7], $0x5FFFF  }
0xb2: {  	[dreg:$0x1] =	wrdreg $0xFFFFFFFF  }
0xb3: {  	[dreg:$0x0] =	wrdreg $0x60  }
0xb4: {  	[dreg:$0x2] =	wrdreg s24  }
0xb5: {  	[dreg:$0x3] =	wrdreg s16  }
0xb6: {  	[dreg:$0x4] =	wrdreg $0x9  }
0xb7: {  	_ =	task.clear_ibuf [dreg:s7], $0x5FFFF;
	_ =	strace $0x90000052  }
0xb8: {  	s29 =	simm.s32 $0x9;
	_ =	strace $0x80000054  }
0xb9: {  	_ =	swait.ge [sflag:s29], $0x1  }
0xba: {  	[sflag:s29] =	ssyncadd.s32 $0xFFFFFFFF  }
0xbb: {  	_ =	strace $0x90000054  }
0xbc: {  	_ =	sfence  }
0xbd: {  	s30 =	sld [smem:$0x0];
	_ =	sdelay $0x2  }
0xbe: {  	s31 =	sshll.u32 s1, $0xD;
	s1 =	sshrl.u32 s1, $0x2  }
0xbf: {  	s3 =	sand.u32 $0x4000, s31;
	s1 =	sadd.s32 s1, s30  }
0xc0: {  	s0 =	sor.u32 s3, s0;
	s1 =	sshll.u32 s1, $0x11  }
0xc1: {  	s0 =	sor.u32 s1, s0  }
0xc2: {  	s0 =	sadd.s32 $0x8F2B, s0  }
0xc3: {  	[sflag:s0] =	ssyncadd.remote.s32 $0x1  }
0xc4: {  	_ =	sfence.sel $0xFFFF  }
0xc5: {  	[dreg:$0x0] =	wrdreg $0xFFFFFFFF;
	(pc) =	sbr.abs _section_cstart, $3  }
0xc6: {  	[dreg:$0x1] =	wrdreg $0xFFFFFFFF  }
0xc7: {  	_ =	task.clear_ibuf [dreg:s7], $0x2FFFF;
	_ =	strace $0x9FFFFFFF  }
0xc8: {  	(tm) =	ssettm $0x7FFFFFFF  }
0xc9: {  	_ =	shalt  }
tec
execute0_lowered:
.L_overlay_start_1:
0x0: {  	(tag) =	ssettag $0x1  }
0x1: {  	s1 =	srdreg.scid  }
0x2: {  	s11 =	rddreg [dreg:$0x0];
	s0 =	stileid.u32;
	s12 =	sand.u32 $0x1, s1  }
0x3: {  	s7 =	rddreg [dreg:$0x1];
	s3 =	sshll.u32 s0, $0x9;
	s4 =	sshll.u32 s12, $0x8  }
0x4: {  	s2 =	simm.s32 $0x0;
	s1 =	rddreg [dreg:$0x2];
	s13 =	sor.u32 s4, s3  }
0x5: {  	[smem:$0x7FF] =	sst s2;
	s3 =	sshrl.u32 s13, $0x3  }
0x6: {  	_ =	strace $0x80000053;
	s4 =	sadd.s32 s7, s3;
	s3 =	simm.s32 $0x3  }
0x7: {  	[tilespmem:s2], [sflag:$0x3] =	stream.linear.gather [hbm4b:s4+s2], $0x80, $0x38;
	[tilespmem:$0x8100] =	vst v63  }
0x8: {  	_ =	swait.ge [sflag:s3], $0x80  }
0x9: {  	s6 =	simm.s32 $0x80;
	s14 =	sor.u32 $0x80, s13;
	[sflag:s3] =	ssyncset.done $0x0  }
0xa: {  	s5 =	sadd.s32 $0x8E00, s11;
	s8 =	sshrl.u32 s14, $0x3;
	[sflag:s3] =	ssyncadd.s32 $0xFFFFFF80  }
0xb: {  	[tilespmem:s6], [sflag:$0x1] =	stream.indirect.gather [hbm4b:s5+s6], $0x80, s2, s6, $0xb8;
	[tilespmem:$0x8100] =	vst v63  }
0xc: {  	s7 =	sadd.s32 s7, s8;
	s8 =	simm.s32 $0x4080  }
0xd: {  	[tilespmem:s8], [sflag:$0x3] =	stream.linear.gather [hbm4b:s7+s2], $0x80, $0x38;
	[tilespmem:$0x8100] =	vst v63  }
0xe: {  	_ =	swait.ge [sflag:s3], $0x80  }
0xf: {  	[sflag:s3] =	ssyncset.done $0x0  }
0x10: {  	s9 =	simm.s32 $0x4100;
	s10 =	simm.s32 $0x1;
	[sflag:s3] =	ssyncadd.s32 $0xFFFFFF80  }
0x11: {  	[tilespmem:s9], [sflag:$0x2] =	stream.indirect.gather [hbm4b:s5+s6], $0x80, s8, s6, $0xb8;
	[tilespmem:$0x8100] =	vst v63  }
0x12: {  	_ =	swait.ge [sflag:s10], $0x4000  }
0x13: {  	s15 =	sadd.s32 $0x28E00, s11;
	s28 =	sshll.u32 s13, $0x4;
	[sflag:s10] =	ssyncset.done $0x0  }
0x14: {  	s29 =	ssub.s32 $0x2, s12;
	s11 =	sadd.s32 s15, s28;
	[sflag:s10] =	ssyncadd.s32 $0xFFFFC000  }
0x15: {  	[hbm4b:s11+s2] =	stream.linear.scatter [tilespmem:s6], [sflag:$0x3], $0x4000, $0x38;
	[tilespmem:$0x8100] =	vst v63  }
0x16: {  	s16 =	sshrl.u32 s29, $0x1;
	_ =	swait.ge [sflag:s3], $0x4000  }
0x17: {  	s16 =	ssub.s32 s29, s16;
	[sflag:s3] =	ssyncset.done $0x0  }
0x18: {  	s12 =	simm.s32 $0x2;
	s31 =	smax.u32 s16, $0x1;
	[sflag:s3] =	ssyncadd.s32 $0xFFFFC000  }
0x19: {  	p0 =	sne.s32 s31, $0x1;
	_ =	swait.ge [sflag:s12], $0x4000  }
.Ltmp0:
0x1a: {  	s30 =	sshll.u32 s14, $0x4;
	[sflag:s12] =	ssyncset.done $0x0;
	(pc) =	sbr.rel @!p0 .LBB2_2-.Ltmp0, $4  }
0x1b: {  	s13 =	sadd.s32 s15, s30;
	[sflag:s12] =	ssyncadd.s32 $0xFFFFC000  }
0x1c: {  	[hbm4b:s13+s2] =	stream.linear.scatter [tilespmem:s9], [sflag:$0x3], $0x4000, $0x38;
	[tilespmem:$0x8100] =	vst v63  }
0x1d: {  	_ =	swait.ge [sflag:s3], $0x4000  }
0x1e: {  	s14 =	sadd.s32 $0xFFFFFFFF, s31;
	[sflag:s3] =	ssyncset.done $0x0  }
.LBB2_1:
0x1f: {  	p0 =	sne.s32 s14, $0x1;
	s14 =	sadd.s32 $0xFFFFFFFF, s14;
	[sflag:s3] =	ssyncadd.s32 $0xFFFFC000  }
0x20: {  	[tilespmem:s2], [sflag:$0x3] =	stream.linear.gather [hbm4b:s4+s2], $0x80, $0x38;
	[tilespmem:$0x8100] =	vst v63  }
0x21: {  	_ =	swait.ge [sflag:s3], $0x80  }
0x22: {  	[sflag:s3] =	ssyncset.done $0x0  }
0x23: {  	[sflag:s3] =	ssyncadd.s32 $0xFFFFFF80  }
0x24: {  	[tilespmem:s6], [sflag:$0x1] =	stream.indirect.gather [hbm4b:s5+s6], $0x80, s2, s6, $0xb8;
	[tilespmem:$0x8100] =	vst v63  }
0x25: {  	_ = 	snop  }
0x26: {  	[tilespmem:s8], [sflag:$0x3] =	stream.linear.gather [hbm4b:s7+s2], $0x80, $0x38;
	[tilespmem:$0x8100] =	vst v63  }
0x27: {  	_ =	swait.ge [sflag:s3], $0x80  }
0x28: {  	[sflag:s3] =	ssyncset.done $0x0  }
0x29: {  	[sflag:s3] =	ssyncadd.s32 $0xFFFFFF80  }
0x2a: {  	[tilespmem:s9], [sflag:$0x2] =	stream.indirect.gather [hbm4b:s5+s6], $0x80, s8, s6, $0xb8;
	[tilespmem:$0x8100] =	vst v63  }
0x2b: {  	_ =	swait.ge [sflag:s10], $0x4000  }
0x2c: {  	[sflag:s10] =	ssyncset.done $0x0  }
0x2d: {  	[sflag:s10] =	ssyncadd.s32 $0xFFFFC000  }
0x2e: {  	[hbm4b:s11+s2] =	stream.linear.scatter [tilespmem:s6], [sflag:$0x3], $0x4000, $0x38;
	[tilespmem:$0x8100] =	vst v63  }
0x2f: {  	_ =	swait.ge [sflag:s3], $0x4000  }
0x30: {  	[sflag:s3] =	ssyncset.done $0x0  }
0x31: {  	[sflag:s3] =	ssyncadd.s32 $0xFFFFC000  }
0x32: {  	_ =	swait.ge [sflag:s12], $0x4000  }
.Ltmp1:
0x33: {  	[sflag:s12] =	ssyncset.done $0x0;
	(pc) =	sbr.rel @p0 .LBB2_1-.Ltmp1, $4  }
0x34: {  	[sflag:s12] =	ssyncadd.s32 $0xFFFFC000  }
0x35: {  	[hbm4b:s13+s2] =	stream.linear.scatter [tilespmem:s9], [sflag:$0x3], $0x4000, $0x38;
	[tilespmem:$0x8100] =	vst v63  }
0x36: {  	_ =	swait.ge [sflag:s3], $0x4000  }
0x37: {  	[sflag:s3] =	ssyncset.done $0x0  }
.LBB2_2:
0x38: {  	[sflag:s3] =	ssyncadd.s32 $0xFFFFC000  }
0x39: {  	_ =	sfence.sel $0x180000  }
0x3a: {  	[bflag:$0x0] =	sbarrier.arrive $0xFFFF  }
0x3b: {  	p0 =	sne.s32 s0, $0x0;
	_ =	strace $0x90000053  }
0x3c: {  	s0 =	sadd.s32 @!p0 $0x100000, s1;
	[bflag:$0x2] =	sbarrier.arrive $0xFFFF  }
0x3d: {  	[sflag:s0] =	ssyncadd.tile.s32 @!p0 $0x1;
	_ =	shalt  }
.Lfunc_end2:
_tile_overlayer_lowered:
.L_overlay_start_2:
0x3e: {  	(tag) =	ssettag $0x2  }
0x3f: {  	s0 =	rddreg [dreg:$0x0];
	s2 =	stileid.u32  }
0x40: {  	s1 =	rddreg [dreg:$0x1];
	p0 =	sne.s32 s2, $0x0  }
0x41: {  	s3 =	rddreg [dreg:$0x2];
	[bflag:$0x3] =	sbarrier.arrive $0xFFFF;
	s2 =	simm.s32 @!p0 $0x1C03  }
0x42: {  	[timem:s3], [sflag:s2] =	dma.local @!p0 [hbm:s0], s1  }
0x43: {  	s0 =	simm.s32 @!p0 $0x3  }
0x44: {  	_ =	swait.ge @!p0 [sflag:s0], s1  }
0x45: {  	s1 =	ssub.s32 @!p0 $0x0, s1;
	[sflag:s0] =	ssyncset.done @!p0 $0x0  }
0x46: {  	[sflag:s0] =	ssyncadd.s32 @!p0 s1  }
0x47: {  	[bflag:$0x3] =	sbarrier.arrive $0xFFFF  }
0x48: {  	_ =	shalt  }

// kernel: kernel.13.cloned.1.call-start
scs
__scs_entry_jumppad:
0x0: {  	(pc) =	sbr.rel $0x88, $3  }
0x1: {  	(tag) =	ssettag $0x0;
	lr =	simm.s32 $0x1  }
0x2: {  	[smem:$0x3F7C] =	sst lr;
	_ =	strace $0xD0000000  }
0x3: {  	_ = 	snop  }
0x4: {  	_ = 	snop  }
0x5: {  	_ = 	snop  }
0x6: {  	_ = 	snop  }
0x7: {  	_ = 	snop  }
__scs_overlays_trampoline_lowered:
0x8: {  	[smem:$0x3F8B] =	sst s0  }
0x9: {  	[smem:$0x3F8C] =	sst s1  }
0xa: {  	[smem:$0x3F8D] =	sst s2  }
0xb: {  	[smem:$0x3F8E] =	sst s3  }
0xc: {  	[smem:$0x3F8F] =	sst s4  }
0xd: {  	[smem:$0x3F90] =	sst s5  }
0xe: {  	[smem:$0x3F91] =	sst s6  }
0xf: {  	[smem:$0x3F92] =	sst s7  }
0x10: {  	[smem:$0x3F93] =	sst s8  }
0x11: {  	[smem:$0x3F94] =	sst s9;
	s0 =	simm.s32 @!p0 $0x0  }
0x12: {  	s1 =	sld [smem:$0x3F7A];
	s0 =	simm.s32 @p0 $0x1  }
0x13: {  	[smem:$0x3F95] =	sst s0;
	s0 =	simm.s32 @!p1 $0x0  }
0x14: {  	s2 =	sld [smem:$0x3F79];
	s0 =	simm.s32 @p1 $0x1  }
0x15: {  	[smem:$0x3F96] =	sst s0;
	s0 =	simm.s32 @!p2 $0x0  }
0x16: {  	s3 =	sld [smem:$0x3FDB];
	s0 =	simm.s32 @p2 $0x1  }
0x17: {  	s4 =	simm.s32 $0x1BF5;
	[smem:$0x3F98] =	sst s0  }
0x18: {  	s0 =	sld [smem:$0x3F7B];
	_ =	swait.ge [sflag:s4], $0x0  }
0x19: {  	s7 =	sld [smem:$0x3F7C]  }
0x1a: {  	s8 =	sadd.s32 $0xFFFFE003, lr  }
0x1b: {  	s9 =	sadd.s32 $0xFFFFFEF7, lr;
	s5 =	simm.s32 $0xFFFFFFFF;
	p2 =	slt.u32 s8, $0xFFFFF086  }
0x1c: {  	p1 =	slt.u32 s9, $0xF7A;
	s5 =	simm.s32 @!p2 $0x0  }
0x1d: {  	s5 =	simm.s32 @p1 $0x1;
	p0 =	seq.s32 s7, s2  }
0x1e: {  	s7 =	smul.u32 @!p0 $0xF7A, s2;
	p2 =	seq.s32 @!p0 s5, $0x0  }
0x1f: {  	s9 =	smul.u32 $0xF7A, s1;
	s8 =	simm.s32 @!p0 $0x1BF5;
	p2 =	por !p2, p0  }
0x20: {  	[sflag:s8] =	ssyncset.s32 @!p0 $0xFFFFF086;
	s6 =	sadd.s32 @!p0 s3, s7;
	s7 =	simm.s32 @!p0 $0x108  }
0x21: {  	s3 =	sadd.s32 s3, s9;
	s6 =	sadd.s32 @!p0 $0x88, s6;
	s7 =	simm.s32 @p2 $0x1082  }
0x22: {  	[simem:s7], [sflag:s8] =	dma.local @!p0 [hbm:s6], $0xF7A  }
0x23: {  	s9 =	sor.u32 $0xD0000000, s2;
	s6 =	simm.s32 $0x108;
	_ =	swait.ge @!p0 [sflag:s8], $0x0  }
0x24: {  	s3 =	sadd.s32 $0x88, s3;
	s6 =	simm.s32 @!p1 $0x1082;
	[sflag:s4] =	ssyncset.s32 $0xFFFFF086  }
0x25: {  	[simem:s6], [sflag:s4] =	dma.local [hbm:s3], $0xF7A  }
0x26: {  	[smem:$0x3F7C] =	sst s1;
	(tag) =	ssettag s2;
	_ =	strace s9  }
0x27: {  	s1 =	sld [smem:$0x3F8C]  }
0x28: {  	s2 =	sld [smem:$0x3F8D]  }
0x29: {  	s4 =	sld [smem:$0x3F8F]  }
0x2a: {  	p0 =	seq.s32 s5, $0x0;
	s5 =	sld [smem:$0x3F90]  }
0x2b: {  	s6 =	sld [smem:$0x3F91]  }
0x2c: {  	s7 =	sld [smem:$0x3F92]  }
0x2d: {  	s3 =	simm.s32 $0x108;
	s8 =	sld [smem:$0x3F93]  }
0x2e: {  	s3 =	simm.s32 @!p0 $0x1082;
	s9 =	sld [smem:$0x3F94]  }
0x2f: {  	lr =	sadd.s32 s0, s3;
	s0 =	sld [smem:$0x3F8B]  }
0x30: {  	s3 =	sld [smem:$0x3F8E]  }
0x31: {  	[smem:$0x3F97] =	sst s10  }
0x32: {  	s10 =	sld [smem:$0x3F95];
	_ =	sdelay $0x3  }
0x33: {  	p0 =	seq.s32 s10, $0x1;
	s10 =	sld [smem:$0x3F97];
	_ =	sdelay $0x3  }
0x34: {  	[smem:$0x3F97] =	sst s10  }
0x35: {  	s10 =	sld [smem:$0x3F96];
	_ =	sdelay $0x3  }
0x36: {  	p1 =	seq.s32 s10, $0x1;
	s10 =	sld [smem:$0x3F97];
	_ =	sdelay $0x3  }
0x37: {  	[smem:$0x3F97] =	sst s10  }
0x38: {  	s10 =	sld [smem:$0x3F98]  }
0x39: {  	_ = 	snop;
	(pc) =	sbr.ind lr, $3  }
0x3a: {  	_ = 	snop  }
0x3b: {  	_ = 	snop  }
0x3c: {  	p2 =	seq.s32 s10, $0x1;
	s10 =	sld [smem:$0x3F97]  }
0x3d: {  	_ =	shalt  }
0x3e: {  	_ =	shalt  }
0x3f: {  	_ =	shalt  }
0x40: {  	_ =	shalt  }
0x41: {  	_ =	shalt  }
0x42: {  	_ =	shalt  }
0x43: {  	_ =	shalt  }
0x44: {  	_ =	shalt  }
0x45: {  	_ =	shalt  }
0x46: {  	_ =	shalt  }
0x47: {  	_ =	shalt  }
0x48: {  	_ =	shalt  }
0x49: {  	_ =	shalt  }
0x4a: {  	_ =	shalt  }
0x4b: {  	_ =	shalt  }
0x4c: {  	_ =	shalt  }
0x4d: {  	_ =	shalt  }
0x4e: {  	_ =	shalt  }
0x4f: {  	_ =	shalt  }
0x50: {  	_ =	shalt  }
0x51: {  	_ =	shalt  }
0x52: {  	_ =	shalt  }
0x53: {  	_ =	shalt  }
0x54: {  	_ =	shalt  }
0x55: {  	_ =	shalt  }
0x56: {  	_ =	shalt  }
0x57: {  	_ =	shalt  }
0x58: {  	_ =	shalt  }
0x59: {  	_ =	shalt  }
0x5a: {  	_ =	shalt  }
0x5b: {  	_ =	shalt  }
0x5c: {  	_ =	shalt  }
0x5d: {  	_ =	shalt  }
0x5e: {  	_ =	shalt  }
0x5f: {  	_ =	shalt  }
0x60: {  	_ =	shalt  }
0x61: {  	_ =	shalt  }
0x62: {  	_ =	shalt  }
0x63: {  	_ =	shalt  }
0x64: {  	_ =	shalt  }
0x65: {  	_ =	shalt  }
0x66: {  	_ =	shalt  }
0x67: {  	_ =	shalt  }
0x68: {  	_ =	shalt  }
0x69: {  	_ =	shalt  }
0x6a: {  	_ =	shalt  }
0x6b: {  	_ =	shalt  }
0x6c: {  	_ =	shalt  }
0x6d: {  	_ =	shalt  }
0x6e: {  	_ =	shalt  }
0x6f: {  	_ =	shalt  }
0x70: {  	_ =	shalt  }
0x71: {  	_ =	shalt  }
0x72: {  	_ =	shalt  }
0x73: {  	_ =	shalt  }
0x74: {  	_ =	shalt  }
0x75: {  	_ =	shalt  }
0x76: {  	_ =	shalt  }
0x77: {  	_ =	shalt  }
0x78: {  	_ =	shalt  }
0x79: {  	_ =	shalt  }
0x7a: {  	_ =	shalt  }
0x7b: {  	_ =	shalt  }
0x7c: {  	_ =	shalt  }
0x7d: {  	_ =	shalt  }
0x7e: {  	_ =	shalt  }
0x7f: {  	_ =	shalt  }
0x80: {  	_ =	shalt  }
0x81: {  	_ =	shalt  }
0x82: {  	_ =	shalt  }
0x83: {  	_ =	shalt  }
0x84: {  	_ =	shalt  }
0x85: {  	_ =	shalt  }
0x86: {  	_ =	shalt  }
0x87: {  	_ =	shalt  }
.Lfunc_end0:
.L_simem_size_0:
called_computation.5_lowered:
.L_overlay_start_0:
0x88: {  	s2 =	sld [smem:$0x3FD9]  }
0x89: {  	s3 =	sld [smem:$0x3FFE];
	_ =	sdelay $0x1  }
0x8a: {  	s1 =	srdreg.scid  }
0x8b: {  	s0 =	sand.u32 $0x1, s1  }
0x8c: {  	s14 =	sshll.u32 s0, $0xA;
	s2 =	sadd.s32 s3, s2  }
0x8d: {  	s2 =	sadd.s32 s2, s14  }
0x8e: {  	[smem:$0x3FA3] =	sst s2  }
0x8f: {  	_ = 	snop  }
0x90: {  	s2 =	sld [smem:$0x3FD0];
	_ =	sdelay $0x2  }
0x91: {  	s15 =	simm.s32 $0xB;
	s4 =	simm.s32 $0x10  }
0x92: {  	[smem:s4], [sflag:s15] =	dma.local [hbm:s2], $0x1  }
0x93: {  	_ =	swait.eq [sflag:s15], $0x1  }
0x94: {  	[sflag:s15] =	ssyncset.done $0x0  }
0x95: {  	[sflag:s15] =	ssyncadd.s32 $0xFFFFFFFF  }
0x96: {  	s16 =	sld [smem:$0x11];
	(tm) =	ssettm $0x1  }
0x97: {  	s17 =	sld [smem:$0x3FFB];
	_ =	sdelay $0x3  }
0x98: {  	_ =	strace s17  }
0x99: {  	s3 =	sld [smem:$0x3FFC];
	_ =	sdelay $0x3  }
0x9a: {  	_ =	strace s3  }
0x9b: {  	s3 =	sld [smem:$0x3FFD];
	_ =	sdelay $0x3  }
0x9c: {  	_ =	strace s3  }
0x9d: {  	_ =	strace $0x8FFFFFFF  }
0x9e: {  	s18 =	sld [smem:$0x3FDB];
	_ =	sdelay $0x1  }
0x9f: {  	s19 =	simm.s32 $_scs_section_size  }
0xa0: {  	s5 =	simm.s32 $_size__tile_overlayer_lowered;
	s6 =	simm.s32 $_tile_overlayer_lowered  }
0xa1: {  	s22 =	simm.s32 $0x1BFF;
	s21 =	sshll.u32 s6, $0x1;
	s3 =	sadd.s32 s19, s18  }
0xa2: {  	s7 =	simm.s32 $0x0;
	s20 =	sshll.u32 s5, $0x1;
	s5 =	sadd.s32 s21, s3  }
0xa3: {  	[timem:s7], [sflag:s22] =	dma.local [hbm:s5], s20  }
0xa4: {  	_ =	swait.ge [sflag:s22], s20  }
0xa5: {  	s4 =	ssub.s32 $0x0, s20;
	[sflag:s22] =	ssyncset.done $0x0  }
0xa6: {  	[sflag:s22] =	ssyncadd.s32 s4;
	_ =	sdelay $0x1  }
0xa7: {  	s23 =	simm.s32 $0x1B8B  }
0xa8: {  	_ =	swait.ge [sflag:s23], $0x1  }
0xa9: {  	[sflag:s23] =	ssyncset.done $0x0  }
0xaa: {  	s25 =	simm.s32 $0x1B8E;
	s24 =	sld [smem:$0x3FFE];
	[sflag:s23] =	ssyncadd.s32 $0xFFFFFFFF  }
0xab: {  	s26 =	simm.s32 $execute0_lowered;
	[smem:$0x3FD2] =	sst s25  }
0xac: {  	s5 =	sshll.u32 s26, $0x1;
	_ =	strace $0x80000055;
	[dreg:$0x1] =	wrdreg $0xFFFFFFFF  }
0xad: {  	s28 =	simm.s32 $_size_execute0_lowered;
	s3 =	sadd.s32 s3, s5;
	[dreg:$0x0] =	wrdreg $0x0  }
0xae: {  	s5 =	sshll.u32 s28, $0x1;
	[dreg:$0x2] =	wrdreg s3  }
0xaf: {  	[dreg:$0x3] =	wrdreg s5  }
0xb0: {  	[dreg:$0x4] =	wrdreg $0xC0  }
0xb1: {  	_ =	task [dreg:s7], $0x5FFFF  }
0xb2: {  	[dreg:$0x1] =	wrdreg $0xFFFFFFFF  }
0xb3: {  	[dreg:$0x0] =	wrdreg $0x60  }
0xb4: {  	[dreg:$0x2] =	wrdreg s24  }
0xb5: {  	[dreg:$0x3] =	wrdreg s16  }
0xb6: {  	[dreg:$0x4] =	wrdreg $0x9  }
0xb7: {  	_ =	task.clear_ibuf [dreg:s7], $0x5FFFF;
	_ =	strace $0x90000055  }
0xb8: {  	s29 =	simm.s32 $0x9;
	_ =	strace $0x80000057  }
0xb9: {  	_ =	swait.ge [sflag:s29], $0x1  }
0xba: {  	[sflag:s29] =	ssyncadd.s32 $0xFFFFFFFF  }
0xbb: {  	_ =	strace $0x90000057  }
0xbc: {  	_ =	sfence  }
0xbd: {  	s30 =	sld [smem:$0x0];
	_ =	sdelay $0x2  }
0xbe: {  	s31 =	sshll.u32 s1, $0xD;
	s1 =	sshrl.u32 s1, $0x2  }
0xbf: {  	s3 =	sand.u32 $0x4000, s31;
	s1 =	sadd.s32 s1, s30  }
0xc0: {  	s0 =	sor.u32 s3, s0;
	s1 =	sshll.u32 s1, $0x11  }
0xc1: {  	s0 =	sor.u32 s1, s0  }
0xc2: {  	s0 =	sadd.s32 $0x8F2B, s0  }
0xc3: {  	[sflag:s0] =	ssyncadd.remote.s32 $0x1  }
0xc4: {  	_ =	sfence.sel $0xFFFF  }
0xc5: {  	[dreg:$0x0] =	wrdreg $0xFFFFFFFF;
	(pc) =	sbr.abs _section_cstart, $3  }
0xc6: {  	[dreg:$0x1] =	wrdreg $0xFFFFFFFF  }
0xc7: {  	_ =	task.clear_ibuf [dreg:s7], $0x2FFFF;
	_ =	strace $0x9FFFFFFF  }
0xc8: {  	(tm) =	ssettm $0x7FFFFFFF  }
0xc9: {  	_ =	shalt  }
tec
execute0_lowered:
.L_overlay_start_1:
0x0: {  	(tag) =	ssettag $0x1  }
0x1: {  	s4 =	rddreg [dreg:$0x0]  }
0x2: {  	s5 =	rddreg [dreg:$0x1];
	s2 =	srdreg.scid  }
0x3: {  	s0 =	rddreg [dreg:$0x2];
	s1 =	stileid.u32  }
0x4: {  	s9 =	simm.s32 $0x880;
	s10 =	simm.s32 $0x1080;
	s11 =	simm.s32 $0x1880  }
0x5: {  	s12 =	simm.s32 $0x2080;
	s13 =	simm.s32 $0x2880;
	s14 =	simm.s32 $0x3080  }
0x6: {  	s15 =	simm.s32 $0x3880;
	s16 =	simm.s32 $0x1;
	s3 =	sand.u32 $0x1, s2  }
0x7: {  	s2 =	simm.s32 $0x0;
	s6 =	sshll.u32 s1, $0x7;
	s7 =	sshll.u32 s3, $0x6  }
0x8: {  	[smem:$0x7FF] =	sst s2;
	s8 =	ssub.s32 $0x2, s3;
	s6 =	sor.u32 s7, s6  }
0x9: {  	s3 =	sadd.s32 $0x8E00, s4;
	_ =	strace $0x80000056;
	s7 =	sshrl.u32 s6, $0x3  }
0xa: {  	v2 =	vlaneseq.u32;
	s31 =	sshrl.u32 s8, $0x1;
	s6 =	sshll.u32 s6, $0x5;
	s4 =	sadd.s32 s7, s4  }
0xb: {  	vm0 =	vmmov $0xffff;
	v1 =	vshrl.u32 v2, $0x3;
	s7 =	ssub.s32 s8, s31;
	s5 =	sadd.s32 s5, s6;
	s8 =	simm.s32 $0x80  }
0xc: {  	v0 =	vand.u32 $0x7, v2;
	v2 =	vor.u32 $0x8, v2;
	v1 =	vmul.u32 $0x8, v1;
	s4 =	sadd.s32 $0x8C00, s4;
	s6 =	smax.u32 s7, $0x1;
	s7 =	simm.s32 $0x2  }
.LBB2_1:
0xd: {  	[tilespmem:s2], [sflag:$0x2] =	stream.linear.gather [hbm4b:s4+s2], $0x40, $0x38;
	[tilespmem:$0x4080] =	vst v63  }
0xe: {  	_ =	swait.ge [sflag:s7], $0x40  }
0xf: {  	[sflag:s7] =	ssyncset.done $0x0  }
0x10: {  	[sflag:s7] =	ssyncadd.s32 $0xFFFFFFC0  }
0x11: {  	v3 =	vld [tilespmem:$0x0];
	_ =	sdelay $0x4  }
0x12: {  	v4 =	vshll.u32 v3, $0x1  }
0x13: {  	v3 =	vand.u32 $0x7, v3;
	v4 =	vand.u32 $0xFFFFFFF0, v4  }
0x14: {  	v3 =	vor.u32 v3, v4  }
0x15: {  	v4 =	vperm.xlane v3, v0;
	_ =	sdelay $0x1  }
0x16: {  	v3 =	vperm.xlane v3, v2;
	v4 =	vadd.s32 v1, v4;
	_ =	sdelay $0x1  }
0x17: {  	v3 =	vadd.s32 v1, v3;
	_ =	sdelay $0x2  }
0x18: {  	[tilespmem:s8], [sflag:$0x1] =	stream.indirect_vreg.gather [hbm4b:s3+s2], $0x80, v4, vm0, $0xb8;
	[tilespmem:$0x4080] =	vst v63  }
0x19: {  	_ = 	snop  }
0x1a: {  	[tilespmem:s9], [sflag:$0x1] =	stream.indirect_vreg.gather [hbm4b:s3+s2], $0x80, v3, vm0, $0xb8;
	[tilespmem:$0x4080] =	vst v63  }
0x1b: {  	v3 =	vld [tilespmem:$0x10];
	_ =	sdelay $0x4  }
0x1c: {  	v61 =	vshll.u32 v3, $0x1  }
0x1d: {  	v3 =	vand.u32 $0x7, v3;
	v4 =	vand.u32 $0xFFFFFFF0, v61  }
0x1e: {  	v3 =	vor.u32 v3, v4  }
0x1f: {  	v4 =	vperm.xlane v3, v0;
	_ =	sdelay $0x1  }
0x20: {  	v3 =	vperm.xlane v3, v2;
	v4 =	vadd.s32 v1, v4;
	_ =	sdelay $0x1  }
0x21: {  	v3 =	vadd.s32 v1, v3;
	_ =	sdelay $0x2  }
0x22: {  	[tilespmem:s10], [sflag:$0x1] =	stream.indirect_vreg.gather [hbm4b:s3+s2], $0x80, v4, vm0, $0xb8;
	[tilespmem:$0x4080] =	vst v63  }
0x23: {  	_ = 	snop  }
0x24: {  	[tilespmem:s11], [sflag:$0x1] =	stream.indirect_vreg.gather [hbm4b:s3+s2], $0x80, v3, vm0, $0xb8;
	[tilespmem:$0x4080] =	vst v63  }
0x25: {  	v3 =	vld [tilespmem:$0x20];
	_ =	sdelay $0x4  }
0x26: {  	v62 =	vshll.u32 v3, $0x1  }
0x27: {  	v3 =	vand.u32 $0x7, v3;
	v4 =	vand.u32 $0xFFFFFFF0, v62  }
0x28: {  	v3 =	vor.u32 v3, v4  }
0x29: {  	v4 =	vperm.xlane v3, v0;
	_ =	sdelay $0x1  }
0x2a: {  	v3 =	vperm.xlane v3, v2;
	v4 =	vadd.s32 v1, v4;
	_ =	sdelay $0x1  }
0x2b: {  	v3 =	vadd.s32 v1, v3;
	_ =	sdelay $0x2  }
0x2c: {  	[tilespmem:s12], [sflag:$0x1] =	stream.indirect_vreg.gather [hbm4b:s3+s2], $0x80, v4, vm0, $0xb8;
	[tilespmem:$0x4080] =	vst v63  }
0x2d: {  	_ = 	snop  }
0x2e: {  	[tilespmem:s13], [sflag:$0x1] =	stream.indirect_vreg.gather [hbm4b:s3+s2], $0x80, v3, vm0, $0xb8;
	[tilespmem:$0x4080] =	vst v63  }
0x2f: {  	v3 =	vld [tilespmem:$0x30];
	_ =	sdelay $0x4  }
0x30: {  	v63 =	vshll.u32 v3, $0x1  }
0x31: {  	v3 =	vand.u32 $0x7, v3;
	v4 =	vand.u32 $0xFFFFFFF0, v63  }
0x32: {  	v3 =	vor.u32 v3, v4  }
0x33: {  	v4 =	vperm.xlane v3, v0;
	_ =	sdelay $0x1  }
0x34: {  	v3 =	vperm.xlane v3, v2;
	v4 =	vadd.s32 v1, v4;
	_ =	sdelay $0x1  }
0x35: {  	v3 =	vadd.s32 v1, v3;
	_ =	sdelay $0x2  }
0x36: {  	[tilespmem:s14], [sflag:$0x1] =	stream.indirect_vreg.gather [hbm4b:s3+s2], $0x80, v4, vm0, $0xb8;
	[tilespmem:$0x4080] =	vst v63  }
0x37: {  	_ = 	snop  }
0x38: {  	[tilespmem:s15], [sflag:$0x1] =	stream.indirect_vreg.gather [hbm4b:s3+s2], $0x80, v3, vm0, $0xb8;
	[tilespmem:$0x4080] =	vst v63  }
0x39: {  	_ =	swait.ge [sflag:s16], $0x4000  }
0x3a: {  	p0 =	sne.s32 s6, $0x1;
	[sflag:s16] =	ssyncset.done $0x0  }
.Ltmp0:
0x3b: {  	[sflag:s16] =	ssyncadd.s32 $0xFFFFC000;
	(pc) =	sbr.rel @p0 .LBB2_1-.Ltmp0, $4  }
0x3c: {  	[hbm4b:s5+s2] =	stream.linear.scatter [tilespmem:s8], [sflag:$0x2], $0x4000, $0x38;
	[tilespmem:$0x4080] =	vst v63  }
0x3d: {  	_ =	swait.ge [sflag:s7], $0x4000  }
0x3e: {  	[sflag:s7] =	ssyncset.done $0x0  }
0x3f: {  	s6 =	sadd.s32 $0xFFFFFFFF, s6;
	[sflag:s7] =	ssyncadd.s32 $0xFFFFC000  }
0x40: {  	_ =	sfence.sel $0x180000  }
0x41: {  	[bflag:$0x0] =	sbarrier.arrive $0xFFFF  }
0x42: {  	p0 =	sne.s32 s1, $0x0;
	_ =	strace $0x90000056  }
0x43: {  	s0 =	sadd.s32 @!p0 $0x100000, s0;
	[bflag:$0x2] =	sbarrier.arrive $0xFFFF  }
0x44: {  	[sflag:s0] =	ssyncadd.tile.s32 @!p0 $0x1;
	_ =	shalt  }
.Lfunc_end2:
_tile_overlayer_lowered:
.L_overlay_start_2:
0x45: {  	(tag) =	ssettag $0x2  }
0x46: {  	s0 =	rddreg [dreg:$0x0];
	s2 =	stileid.u32  }
0x47: {  	s1 =	rddreg [dreg:$0x1];
	p0 =	sne.s32 s2, $0x0  }
0x48: {  	s3 =	rddreg [dreg:$0x2];
	[bflag:$0x3] =	sbarrier.arrive $0xFFFF;
	s2 =	simm.s32 @!p0 $0x1C02  }
0x49: {  	[timem:s3], [sflag:s2] =	dma.local @!p0 [hbm:s0], s1  }
0x4a: {  	s0 =	simm.s32 @!p0 $0x2  }
0x4b: {  	_ =	swait.ge @!p0 [sflag:s0], s1  }
0x4c: {  	s1 =	ssub.s32 @!p0 $0x0, s1;
	[sflag:s0] =	ssyncset.done @!p0 $0x0  }
0x4d: {  	[sflag:s0] =	ssyncadd.s32 @!p0 s1  }
0x4e: {  	[bflag:$0x3] =	sbarrier.arrive $0xFFFF  }
0x4f: {  	_ =	shalt  }

// kernel: kernel.7.cloned.1.call-start
scs
__scs_entry_jumppad:
0x0: {  	(pc) =	sbr.rel $0x88, $3  }
0x1: {  	(tag) =	ssettag $0x0;
	lr =	simm.s32 $0x1  }
0x2: {  	[smem:$0x3F7C] =	sst lr;
	_ =	strace $0xD0000000  }
0x3: {  	_ = 	snop  }
0x4: {  	_ = 	snop  }
0x5: {  	_ = 	snop  }
0x6: {  	_ = 	snop  }
0x7: {  	_ = 	snop  }
__scs_overlays_trampoline_lowered:
0x8: {  	[smem:$0x3F8B] =	sst s0  }
0x9: {  	[smem:$0x3F8C] =	sst s1  }
0xa: {  	[smem:$0x3F8D] =	sst s2  }
0xb: {  	[smem:$0x3F8E] =	sst s3  }
0xc: {  	[smem:$0x3F8F] =	sst s4  }
0xd: {  	[smem:$0x3F90] =	sst s5  }
0xe: {  	[smem:$0x3F91] =	sst s6  }
0xf: {  	[smem:$0x3F92] =	sst s7  }
0x10: {  	[smem:$0x3F93] =	sst s8  }
0x11: {  	[smem:$0x3F94] =	sst s9;
	s0 =	simm.s32 @!p0 $0x0  }
0x12: {  	s1 =	sld [smem:$0x3F7A];
	s0 =	simm.s32 @p0 $0x1  }
0x13: {  	[smem:$0x3F95] =	sst s0;
	s0 =	simm.s32 @!p1 $0x0  }
0x14: {  	s2 =	sld [smem:$0x3F79];
	s0 =	simm.s32 @p1 $0x1  }
0x15: {  	[smem:$0x3F96] =	sst s0;
	s0 =	simm.s32 @!p2 $0x0  }
0x16: {  	s3 =	sld [smem:$0x3FDB];
	s0 =	simm.s32 @p2 $0x1  }
0x17: {  	s4 =	simm.s32 $0x1BF5;
	[smem:$0x3F98] =	sst s0  }
0x18: {  	s0 =	sld [smem:$0x3F7B];
	_ =	swait.ge [sflag:s4], $0x0  }
0x19: {  	s7 =	sld [smem:$0x3F7C]  }
0x1a: {  	s8 =	sadd.s32 $0xFFFFE003, lr  }
0x1b: {  	s9 =	sadd.s32 $0xFFFFFEF7, lr;
	s5 =	simm.s32 $0xFFFFFFFF;
	p2 =	slt.u32 s8, $0xFFFFF086  }
0x1c: {  	p1 =	slt.u32 s9, $0xF7A;
	s5 =	simm.s32 @!p2 $0x0  }
0x1d: {  	s5 =	simm.s32 @p1 $0x1;
	p0 =	seq.s32 s7, s2  }
0x1e: {  	s7 =	smul.u32 @!p0 $0xF7A, s2;
	p2 =	seq.s32 @!p0 s5, $0x0  }
0x1f: {  	s9 =	smul.u32 $0xF7A, s1;
	s8 =	simm.s32 @!p0 $0x1BF5;
	p2 =	por !p2, p0  }
0x20: {  	[sflag:s8] =	ssyncset.s32 @!p0 $0xFFFFF086;
	s6 =	sadd.s32 @!p0 s3, s7;
	s7 =	simm.s32 @!p0 $0x108  }
0x21: {  	s3 =	sadd.s32 s3, s9;
	s6 =	sadd.s32 @!p0 $0x88, s6;
	s7 =	simm.s32 @p2 $0x1082  }
0x22: {  	[simem:s7], [sflag:s8] =	dma.local @!p0 [hbm:s6], $0xF7A  }
0x23: {  	s9 =	sor.u32 $0xD0000000, s2;
	s6 =	simm.s32 $0x108;
	_ =	swait.ge @!p0 [sflag:s8], $0x0  }
0x24: {  	s3 =	sadd.s32 $0x88, s3;
	s6 =	simm.s32 @!p1 $0x1082;
	[sflag:s4] =	ssyncset.s32 $0xFFFFF086  }
0x25: {  	[simem:s6], [sflag:s4] =	dma.local [hbm:s3], $0xF7A  }
0x26: {  	[smem:$0x3F7C] =	sst s1;
	(tag) =	ssettag s2;
	_ =	strace s9  }
0x27: {  	s1 =	sld [smem:$0x3F8C]  }
0x28: {  	s2 =	sld [smem:$0x3F8D]  }
0x29: {  	s4 =	sld [smem:$0x3F8F]  }
0x2a: {  	p0 =	seq.s32 s5, $0x0;
	s5 =	sld [smem:$0x3F90]  }
0x2b: {  	s6 =	sld [smem:$0x3F91]  }
0x2c: {  	s7 =	sld [smem:$0x3F92]  }
0x2d: {  	s3 =	simm.s32 $0x108;
	s8 =	sld [smem:$0x3F93]  }
0x2e: {  	s3 =	simm.s32 @!p0 $0x1082;
	s9 =	sld [smem:$0x3F94]  }
0x2f: {  	lr =	sadd.s32 s0, s3;
	s0 =	sld [smem:$0x3F8B]  }
0x30: {  	s3 =	sld [smem:$0x3F8E]  }
0x31: {  	[smem:$0x3F97] =	sst s10  }
0x32: {  	s10 =	sld [smem:$0x3F95];
	_ =	sdelay $0x3  }
0x33: {  	p0 =	seq.s32 s10, $0x1;
	s10 =	sld [smem:$0x3F97];
	_ =	sdelay $0x3  }
0x34: {  	[smem:$0x3F97] =	sst s10  }
0x35: {  	s10 =	sld [smem:$0x3F96];
	_ =	sdelay $0x3  }
0x36: {  	p1 =	seq.s32 s10, $0x1;
	s10 =	sld [smem:$0x3F97];
	_ =	sdelay $0x3  }
0x37: {  	[smem:$0x3F97] =	sst s10  }
0x38: {  	s10 =	sld [smem:$0x3F98]  }
0x39: {  	_ = 	snop;
	(pc) =	sbr.ind lr, $3  }
0x3a: {  	_ = 	snop  }
0x3b: {  	_ = 	snop  }
0x3c: {  	p2 =	seq.s32 s10, $0x1;
	s10 =	sld [smem:$0x3F97]  }
0x3d: {  	_ =	shalt  }
0x3e: {  	_ =	shalt  }
0x3f: {  	_ =	shalt  }
0x40: {  	_ =	shalt  }
0x41: {  	_ =	shalt  }
0x42: {  	_ =	shalt  }
0x43: {  	_ =	shalt  }
0x44: {  	_ =	shalt  }
0x45: {  	_ =	shalt  }
0x46: {  	_ =	shalt  }
0x47: {  	_ =	shalt  }
0x48: {  	_ =	shalt  }
0x49: {  	_ =	shalt  }
0x4a: {  	_ =	shalt  }
0x4b: {  	_ =	shalt  }
0x4c: {  	_ =	shalt  }
0x4d: {  	_ =	shalt  }
0x4e: {  	_ =	shalt  }
0x4f: {  	_ =	shalt  }
0x50: {  	_ =	shalt  }
0x51: {  	_ =	shalt  }
0x52: {  	_ =	shalt  }
0x53: {  	_ =	shalt  }
0x54: {  	_ =	shalt  }
0x55: {  	_ =	shalt  }
0x56: {  	_ =	shalt  }
0x57: {  	_ =	shalt  }
0x58: {  	_ =	shalt  }
0x59: {  	_ =	shalt  }
0x5a: {  	_ =	shalt  }
0x5b: {  	_ =	shalt  }
0x5c: {  	_ =	shalt  }
0x5d: {  	_ =	shalt  }
0x5e: {  	_ =	shalt  }
0x5f: {  	_ =	shalt  }
0x60: {  	_ =	shalt  }
0x61: {  	_ =	shalt  }
0x62: {  	_ =	shalt  }
0x63: {  	_ =	shalt  }
0x64: {  	_ =	shalt  }
0x65: {  	_ =	shalt  }
0x66: {  	_ =	shalt  }
0x67: {  	_ =	shalt  }
0x68: {  	_ =	shalt  }
0x69: {  	_ =	shalt  }
0x6a: {  	_ =	shalt  }
0x6b: {  	_ =	shalt  }
0x6c: {  	_ =	shalt  }
0x6d: {  	_ =	shalt  }
0x6e: {  	_ =	shalt  }
0x6f: {  	_ =	shalt  }
0x70: {  	_ =	shalt  }
0x71: {  	_ =	shalt  }
0x72: {  	_ =	shalt  }
0x73: {  	_ =	shalt  }
0x74: {  	_ =	shalt  }
0x75: {  	_ =	shalt  }
0x76: {  	_ =	shalt  }
0x77: {  	_ =	shalt  }
0x78: {  	_ =	shalt  }
0x79: {  	_ =	shalt  }
0x7a: {  	_ =	shalt  }
0x7b: {  	_ =	shalt  }
0x7c: {  	_ =	shalt  }
0x7d: {  	_ =	shalt  }
0x7e: {  	_ =	shalt  }
0x7f: {  	_ =	shalt  }
0x80: {  	_ =	shalt  }
0x81: {  	_ =	shalt  }
0x82: {  	_ =	shalt  }
0x83: {  	_ =	shalt  }
0x84: {  	_ =	shalt  }
0x85: {  	_ =	shalt  }
0x86: {  	_ =	shalt  }
0x87: {  	_ =	shalt  }
.Lfunc_end0:
.L_simem_size_0:
called_computation.3_lowered:
.L_overlay_start_0:
0x88: {  	s2 =	sld [smem:$0x3FD9]  }
0x89: {  	s3 =	sld [smem:$0x3FFE];
	_ =	sdelay $0x1  }
0x8a: {  	s1 =	srdreg.scid  }
0x8b: {  	s0 =	sand.u32 $0x1, s1  }
0x8c: {  	s15 =	sshll.u32 s0, $0xA;
	s2 =	sadd.s32 s3, s2  }
0x8d: {  	s2 =	sadd.s32 s2, s15  }
0x8e: {  	[smem:$0x3FA3] =	sst s2  }
0x8f: {  	_ = 	snop  }
0x90: {  	s2 =	sld [smem:$0x3FD0];
	_ =	sdelay $0x2  }
0x91: {  	s16 =	simm.s32 $0xB;
	s4 =	simm.s32 $0x10  }
0x92: {  	[smem:s4], [sflag:s16] =	dma.local [hbm:s2], $0x1  }
0x93: {  	_ =	swait.eq [sflag:s16], $0x1  }
0x94: {  	[sflag:s16] =	ssyncset.done $0x0  }
0x95: {  	[sflag:s16] =	ssyncadd.s32 $0xFFFFFFFF  }
0x96: {  	s17 =	sld [smem:$0x10];
	(tm) =	ssettm $0x1  }
0x97: {  	s18 =	sld [smem:$0x3FFB];
	_ =	sdelay $0x3  }
0x98: {  	_ =	strace s18  }
0x99: {  	s2 =	sld [smem:$0x3FFC];
	_ =	sdelay $0x3  }
0x9a: {  	_ =	strace s2  }
0x9b: {  	s2 =	sld [smem:$0x3FFD];
	_ =	sdelay $0x3  }
0x9c: {  	_ =	strace s2  }
0x9d: {  	_ =	strace $0x8FFFFFFF  }
0x9e: {  	s19 =	sld [smem:$0x3FDB];
	_ =	sdelay $0x1  }
0x9f: {  	s20 =	simm.s32 $_scs_section_size  }
0xa0: {  	s5 =	simm.s32 $_size__tile_overlayer_lowered;
	s6 =	simm.s32 $_tile_overlayer_lowered  }
0xa1: {  	s7 =	simm.s32 $0x1BFF;
	s21 =	sshll.u32 s6, $0x1;
	s4 =	sadd.s32 s20, s19  }
0xa2: {  	s22 =	simm.s32 $0x0;
	s5 =	sshll.u32 s5, $0x1;
	s6 =	sadd.s32 s21, s4  }
0xa3: {  	[timem:s22], [sflag:s7] =	dma.local [hbm:s6], s5  }
0xa4: {  	_ =	swait.ge [sflag:s7], s5  }
0xa5: {  	s5 =	ssub.s32 $0x0, s5;
	[sflag:s7] =	ssyncset.done $0x0  }
0xa6: {  	[sflag:s7] =	ssyncadd.s32 s5;
	_ =	sdelay $0x1  }
0xa7: {  	s23 =	simm.s32 $0x1B8B  }
0xa8: {  	_ =	swait.ge [sflag:s23], $0x1  }
0xa9: {  	[sflag:s23] =	ssyncset.done $0x0  }
0xaa: {  	[sflag:s23] =	ssyncadd.s32 $0xFFFFFFFF  }
0xab: {  	s5 =	sld [smem:$0x0]  }
0xac: {  	s6 =	sand.u32 $0xFFFFFFFE, s1  }
0xad: {  	p0 =	sne.s32 s1, s6  }
0xae: {  	s6 =	sshll.u32 @p0 s6, $0xE  }
0xaf: {  	s6 =	sadd.s32 @p0 $0x11B8D, s6;
	s7 =	sshll.u32 @p0 s5, $0x11  }
0xb0: {  	s6 =	sor.u32 @p0 s7, s6  }
0xb1: {  	[sflag:s6] =	ssyncadd.remote.s32 @p0 $0x1;
	_ =	sdelay $0x1  }
0xb2: {  	s6 =	simm.s32 @p0 $0x1B8D  }
0xb3: {  	_ =	swait.eq @p0 [sflag:s6], $0x1  }
0xb4: {  	[sflag:s6] =	ssyncadd.s32 @p0 $0xFFFFFFFF  }
0xb5: {  	s7 =	sshll.u32 @!p0 s1, $0xE  }
0xb6: {  	s7 =	sor.u32 @!p0 $0x4000, s7;
	s6 =	simm.s32 @!p0 $0x1B8D  }
0xb7: {  	s5 =	sshll.u32 @!p0 s5, $0x11;
	s7 =	sadd.s32 @!p0 $0x11B8D, s7;
	_ =	swait.eq @!p0 [sflag:s6], $0x1  }
0xb8: {  	s5 =	sor.u32 @!p0 s5, s7;
	[sflag:s6] =	ssyncadd.s32 @!p0 $0xFFFFFFFF  }
0xb9: {  	s25 =	simm.s32 $0x1B8E;
	s24 =	sld [smem:$0x3FFE];
	[sflag:s5] =	ssyncadd.remote.s32 @!p0 $0x1  }
0xba: {  	s26 =	simm.s32 $execute0_lowered;
	[smem:$0x3FD2] =	sst s25  }
0xbb: {  	s6 =	sshll.u32 s26, $0x1;
	_ =	strace $0x8000004F;
	[dreg:$0x1] =	wrdreg $0xFFFFFFFF  }
0xbc: {  	s28 =	simm.s32 $_size_execute0_lowered;
	s4 =	sadd.s32 s4, s6;
	[dreg:$0x0] =	wrdreg $0x0  }
0xbd: {  	s6 =	sshll.u32 s28, $0x1;
	[dreg:$0x2] =	wrdreg s4  }
0xbe: {  	[dreg:$0x3] =	wrdreg s6  }
0xbf: {  	[dreg:$0x4] =	wrdreg $0xC0  }
0xc0: {  	_ =	task [dreg:s22], $0x5FFFF  }
0xc1: {  	[dreg:$0x1] =	wrdreg $0xFFFFFFFF  }
0xc2: {  	[dreg:$0x0] =	wrdreg $0x60  }
0xc3: {  	[dreg:$0x2] =	wrdreg s24  }
0xc4: {  	[dreg:$0x3] =	wrdreg s17  }
0xc5: {  	[dreg:$0x4] =	wrdreg $0xA  }
0xc6: {  	_ =	task.clear_ibuf [dreg:s22], $0x5FFFF;
	_ =	strace $0x9000004F  }
0xc7: {  	s29 =	simm.s32 $0xA;
	_ =	strace $0x80000051  }
0xc8: {  	_ =	swait.ge [sflag:s29], $0x1  }
0xc9: {  	[sflag:s29] =	ssyncadd.s32 $0xFFFFFFFF  }
0xca: {  	_ =	strace $0x90000051  }
0xcb: {  	_ =	sfence  }
0xcc: {  	s30 =	sld [smem:$0x0];
	_ =	sdelay $0x2  }
0xcd: {  	s31 =	sshll.u32 s1, $0xD;
	s1 =	sshrl.u32 s1, $0x2  }
0xce: {  	s4 =	sand.u32 $0x4000, s31;
	s1 =	sadd.s32 s1, s30  }
0xcf: {  	s0 =	sor.u32 s4, s0;
	s1 =	sshll.u32 s1, $0x11  }
0xd0: {  	s0 =	sor.u32 s1, s0  }
0xd1: {  	s0 =	sadd.s32 $0x8F2B, s0  }
0xd2: {  	[sflag:s0] =	ssyncadd.remote.s32 $0x1  }
0xd3: {  	_ =	sfence.sel $0xFFFF  }
0xd4: {  	[dreg:$0x0] =	wrdreg $0xFFFFFFFF;
	(pc) =	sbr.abs _section_cstart, $3  }
0xd5: {  	[dreg:$0x1] =	wrdreg $0xFFFFFFFF  }
0xd6: {  	_ =	task.clear_ibuf [dreg:s22], $0x2FFFF;
	_ =	strace $0x9FFFFFFF  }
0xd7: {  	(tm) =	ssettm $0x7FFFFFFF  }
tec
execute0_lowered:
.L_overlay_start_1:
0x0: {  	(tag) =	ssettag $0x1  }
0x1: {  	s9 =	rddreg [dreg:$0x0]  }
0x2: {  	s1 =	rddreg [dreg:$0x1]  }
0x3: {  	s3 =	srdreg.scid;
	s0 =	stileid.u32;
	s2 =	simm.s32 $0x0  }
0x4: {  	s30 =	sand.u32 $0x1, s3;
	s18 =	sshll.u32 s0, $0x1;
	[smem:$0x7FF] =	sst s2  }
0x5: {  	s4 =	sadd.s32 $0x29400, s9;
	s6 =	sadd.s32 $0x4A000, s9;
	s31 =	sor.u32 s30, s18  }
0x6: {  	s22 =	sadd.s32 $0x6A000, s9;
	_ =	strace $0x80000050;
	s5 =	sshll.u32 s31, $0x5  }
0x7: {  	s3 =	sshll.u32 s31, $0x8;
	s19 =	sshll.u32 s31, $0x3;
	s8 =	sadd.s32 s4, s5  }
0x8: {  	s20 =	sshll.u32 s31, $0xC;
	s1 =	sadd.s32 s1, s19;
	[dreg:$0x3] =	wrdreg s8  }
0x9: {  	s3 =	sor.u32 $0x80, s3;
	s21 =	sadd.s32 s6, s20;
	[dreg:$0x5] =	wrdreg s1  }
0xa: {  	s24 =	sadd.s32 s22, s20;
	s7 =	sshrl.u32 s3, $0x3;
	[dreg:$0x6] =	wrdreg s21  }
0xb: {  	s29 =	sshll.u32 s3, $0x4;
	[dreg:$0x8] =	wrdreg s24;
	s4 =	sadd.s32 s4, s7  }
0xc: {  	s23 =	sadd.s32 s6, s29;
	[dreg:$0x4] =	wrdreg s4  }
0xd: {  	s1 =	sadd.s32 $0x8A000, s9;
	s3 =	sadd.s32 s22, s29;
	[dreg:$0x7] =	wrdreg s23  }
0xe: {  	s25 =	sadd.s32 $0x8800, s9;
	[dreg:$0x9] =	wrdreg s3;
	s4 =	sadd.s32 s1, s20  }
0xf: {  	s3 =	sadd.s32 s25, s5;
	[dreg:$0xa] =	wrdreg s4;
	s4 =	simm.s32 $0x8  }
0x10: {  	[tilespmem:s2], [sflag:$0x8] =	stream.linear.gather [hbm4b:s3+s2], $0x80, $0x38;
	[tilespmem:$0x1A380] =	vst v63  }
0x11: {  	_ =	swait.ge [sflag:s4], $0x80  }
0x12: {  	[sflag:s4] =	ssyncset.done $0x0  }
0x13: {  	s6 =	simm.s32 $0x80;
	s5 =	sadd.s32 $0x29800, s9;
	[sflag:s4] =	ssyncadd.s32 $0xFFFFFF80  }
0x14: {  	[tilespmem:s6], [sflag:$0x1] =	stream.indirect.gather [hbm4b:s5+s6], $0x80, s2, s6, $0xb8;
	[tilespmem:$0x1A380] =	vst v63  }
0x15: {  	s8 =	simm.s32 $0x4080;
	s7 =	sadd.s32 s25, s7  }
0x16: {  	[tilespmem:s8], [sflag:$0x8] =	stream.linear.gather [hbm4b:s7+s2], $0x80, $0x38;
	[tilespmem:$0x1A380] =	vst v63  }
0x17: {  	_ =	swait.ge [sflag:s4], $0x80  }
0x18: {  	[sflag:s4] =	ssyncset.done $0x0  }
0x19: {  	s26 =	smov.u32 s9;
	s9 =	simm.s32 $0x4100;
	[sflag:s4] =	ssyncadd.s32 $0xFFFFFF80  }
0x1a: {  	[tilespmem:s9], [sflag:$0x2] =	stream.indirect.gather [hbm4b:s5+s6], $0x80, s8, s6, $0xb8;
	[tilespmem:$0x1A380] =	vst v63  }
0x1b: {  	s10 =	simm.s32 $0x8100  }
0x1c: {  	[tilespmem:s10], [sflag:$0x8] =	stream.linear.gather [hbm4b:s3+s2], $0x80, $0x38;
	[tilespmem:$0x1A380] =	vst v63  }
0x1d: {  	_ =	swait.ge [sflag:s4], $0x80  }
0x1e: {  	[sflag:s4] =	ssyncset.done $0x0  }
0x1f: {  	s12 =	simm.s32 $0x8180;
	s11 =	sadd.s32 $0x9400, s26;
	[sflag:s4] =	ssyncadd.s32 $0xFFFFFF80  }
0x20: {  	[tilespmem:s12], [sflag:$0x3] =	stream.indirect.gather [hbm4b:s11+s6], $0x80, s10, s6, $0xb8;
	[tilespmem:$0x1A380] =	vst v63  }
0x21: {  	s13 =	simm.s32 $0xC180  }
0x22: {  	[tilespmem:s13], [sflag:$0x8] =	stream.linear.gather [hbm4b:s7+s2], $0x80, $0x38;
	[tilespmem:$0x1A380] =	vst v63  }
0x23: {  	_ =	swait.ge [sflag:s4], $0x80  }
0x24: {  	[sflag:s4] =	ssyncset.done $0x0  }
0x25: {  	s14 =	simm.s32 $0xC200;
	[sflag:s4] =	ssyncadd.s32 $0xFFFFFF80  }
0x26: {  	[tilespmem:s14], [sflag:$0x4] =	stream.indirect.gather [hbm4b:s11+s6], $0x80, s13, s6, $0xb8;
	[tilespmem:$0x1A380] =	vst v63  }
0x27: {  	s15 =	simm.s32 $0x10200;
	s16 =	rddreg [dreg:$0x3]  }
0x28: {  	[tilespmem:s15], [sflag:$0x8] =	stream.linear.gather [hbm4b:s16+s2], $0x80, $0x38;
	[tilespmem:$0x1A380] =	vst v63  }
0x29: {  	_ =	swait.ge [sflag:s4], $0x80  }
0x2a: {  	[sflag:s4] =	ssyncset.done $0x0  }
0x2b: {  	s16 =	simm.s32 $0x10280;
	[sflag:s4] =	ssyncadd.s32 $0xFFFFFF80  }
0x2c: {  	[tilespmem:s16], [sflag:$0x5] =	stream.indirect.gather [hbm4b:s5+s6], $0x80, s15, s6, $0xb8;
	[tilespmem:$0x1A380] =	vst v63  }
0x2d: {  	s17 =	simm.s32 $0x14280;
	s18 =	rddreg [dreg:$0x4]  }
0x2e: {  	[tilespmem:s17], [sflag:$0x8] =	stream.linear.gather [hbm4b:s18+s2], $0x80, $0x38;
	[tilespmem:$0x1A380] =	vst v63  }
0x2f: {  	_ =	swait.ge [sflag:s4], $0x80  }
0x30: {  	[sflag:s4] =	ssyncset.done $0x0  }
0x31: {  	s18 =	simm.s32 $0x14300;
	[sflag:s4] =	ssyncadd.s32 $0xFFFFFF80  }
0x32: {  	[tilespmem:s18], [sflag:$0x6] =	stream.indirect.gather [hbm4b:s5+s6], $0x80, s17, s6, $0xb8;
	[tilespmem:$0x1A380] =	vst v63  }
0x33: {  	s19 =	simm.s32 $0x18300;
	s20 =	rddreg [dreg:$0x5]  }
0x34: {  	[tilespmem:s19], [sflag:$0x8] =	stream.linear.gather [hbm4b:s20+s2], $0x40, $0x38;
	[tilespmem:$0x1A380] =	vst v63  }
0x35: {  	_ =	swait.ge [sflag:s4], $0x40  }
0x36: {  	s21 =	simm.s32 $0x18380;
	[sflag:s4] =	ssyncset.done $0x0  }
0x37: {  	s22 =	simm.s32 $0x1;
	s20 =	simm.s32 $0x40;
	[sflag:s4] =	ssyncadd.s32 $0xFFFFFFC0  }
0x38: {  	[tilespmem:s21], [sflag:$0x7] =	stream.indirect.gather [hbm4b:s5+s20], $0x80, s19, s20, $0xb8;
	[tilespmem:$0x1A380] =	vst v63  }
0x39: {  	_ =	swait.ge [sflag:s22], $0x4000  }
0x3a: {  	[sflag:s22] =	ssyncset.done $0x0  }
0x3b: {  	s23 =	rddreg [dreg:$0x6];
	[sflag:s22] =	ssyncadd.s32 $0xFFFFC000  }
0x3c: {  	[hbm4b:s23+s2] =	stream.linear.scatter [tilespmem:s6], [sflag:$0x8], $0x4000, $0x38;
	[tilespmem:$0x1A380] =	vst v63  }
0x3d: {  	_ =	swait.ge [sflag:s4], $0x4000  }
0x3e: {  	[sflag:s4] =	ssyncset.done $0x0  }
0x3f: {  	s23 =	simm.s32 $0x2;
	[sflag:s4] =	ssyncadd.s32 $0xFFFFC000  }
0x40: {  	_ =	swait.ge [sflag:s23], $0x4000  }
0x41: {  	[sflag:s23] =	ssyncset.done $0x0  }
0x42: {  	s24 =	rddreg [dreg:$0x7];
	[sflag:s23] =	ssyncadd.s32 $0xFFFFC000  }
0x43: {  	[hbm4b:s24+s2] =	stream.linear.scatter [tilespmem:s9], [sflag:$0x8], $0x4000, $0x38;
	[tilespmem:$0x1A380] =	vst v63  }
0x44: {  	_ =	swait.ge [sflag:s4], $0x4000  }
0x45: {  	[sflag:s4] =	ssyncset.done $0x0  }
0x46: {  	s24 =	simm.s32 $0x3;
	[sflag:s4] =	ssyncadd.s32 $0xFFFFC000  }
0x47: {  	_ =	swait.ge [sflag:s24], $0x4000  }
0x48: {  	[sflag:s24] =	ssyncset.done $0x0  }
0x49: {  	s25 =	rddreg [dreg:$0x8];
	[sflag:s24] =	ssyncadd.s32 $0xFFFFC000  }
0x4a: {  	[hbm4b:s25+s2] =	stream.linear.scatter [tilespmem:s12], [sflag:$0x8], $0x4000, $0x38;
	[tilespmem:$0x1A380] =	vst v63  }
0x4b: {  	_ =	swait.ge [sflag:s4], $0x4000  }
0x4c: {  	[sflag:s4] =	ssyncset.done $0x0  }
0x4d: {  	s25 =	simm.s32 $0x4;
	[sflag:s4] =	ssyncadd.s32 $0xFFFFC000  }
0x4e: {  	_ =	swait.ge [sflag:s25], $0x4000  }
0x4f: {  	[sflag:s25] =	ssyncset.done $0x0  }
0x50: {  	s26 =	rddreg [dreg:$0x9];
	[sflag:s25] =	ssyncadd.s32 $0xFFFFC000  }
0x51: {  	[hbm4b:s26+s2] =	stream.linear.scatter [tilespmem:s14], [sflag:$0x8], $0x4000, $0x38;
	[tilespmem:$0x1A380] =	vst v63  }
0x52: {  	_ =	swait.ge [sflag:s4], $0x4000  }
0x53: {  	[sflag:s4] =	ssyncset.done $0x0  }
0x54: {  	s26 =	simm.s32 $0x5;
	[sflag:s4] =	ssyncadd.s32 $0xFFFFC000  }
0x55: {  	_ =	swait.ge [sflag:s26], $0x4000  }
0x56: {  	[sflag:s26] =	ssyncset.done $0x0  }
0x57: {  	s28 =	rddreg [dreg:$0xa];
	[sflag:s26] =	ssyncadd.s32 $0xFFFFC000  }
0x58: {  	[hbm4b:s28+s2] =	stream.linear.scatter [tilespmem:s16], [sflag:$0x8], $0x4000, $0x38;
	[tilespmem:$0x1A380] =	vst v63  }
0x59: {  	_ =	swait.ge [sflag:s4], $0x4000  }
0x5a: {  	[sflag:s4] =	ssyncset.done $0x0  }
0x5b: {  	s28 =	simm.s32 $0x6;
	[sflag:s4] =	ssyncadd.s32 $0xFFFFC000  }
0x5c: {  	_ =	swait.ge [sflag:s28], $0x4000  }
0x5d: {  	[sflag:s28] =	ssyncset.done $0x0  }
0x5e: {  	s29 =	sadd.s32 s1, s29;
	[sflag:s28] =	ssyncadd.s32 $0xFFFFC000  }
0x5f: {  	[hbm4b:s29+s2] =	stream.linear.scatter [tilespmem:s18], [sflag:$0x8], $0x4000, $0x38;
	[tilespmem:$0x1A380] =	vst v63  }
0x60: {  	s0 =	sshll.u32 s31, $0xA;
	_ =	swait.ge [sflag:s4], $0x4000  }
0x61: {  	s1 =	ssub.s32 $0x2, s30;
	s30 =	simm.s32 $0x7;
	[sflag:s4] =	ssyncset.done $0x0  }
0x62: {  	[dreg:$0xb] =	wrdreg s0;
	s0 =	sshrl.u32 s1, $0x1;
	[sflag:s4] =	ssyncadd.s32 $0xFFFFC000  }
0x63: {  	_ =	swait.ge [sflag:s30], $0x2000;
	[dreg:$0xc] =	wrdreg s0  }
0x64: {  	s31 =	rddreg [dreg:$0x0]  }
0x65: {  	s0 =	rddreg [dreg:$0xb]  }
0x66: {  	s31 =	sadd.s32 s0, s31;
	s0 =	rddreg [dreg:$0xc]  }
0x67: {  	s0 =	ssub.s32 s1, s0  }
0x68: {  	s0 =	smax.u32 s0, $0x1  }
0x69: {  	p0 =	sne.s32 s0, $0x1  }
.Ltmp0:
0x6a: {  	[sflag:s30] =	ssyncset.done $0x0;
	(pc) =	sbr.rel @!p0 .LBB2_2-.Ltmp0, $4  }
0x6b: {  	[sflag:s30] =	ssyncadd.s32 $0xFFFFE000;
	s31 =	sadd.s32 $0xAA000, s31  }
0x6c: {  	[hbm4b:s31+s2] =	stream.linear.scatter [tilespmem:s21], [sflag:$0x8], $0x2000, $0x38;
	[tilespmem:$0x1A380] =	vst v63  }
0x6d: {  	_ =	swait.ge [sflag:s4], $0x2000  }
0x6e: {  	s0 =	sadd.s32 $0xFFFFFFFF, s0;
	[sflag:s4] =	ssyncset.done $0x0  }
.LBB2_1:
0x6f: {  	[sflag:s4] =	ssyncadd.s32 $0xFFFFE000  }
0x70: {  	[tilespmem:s2], [sflag:$0x8] =	stream.linear.gather [hbm4b:s3+s2], $0x80, $0x38;
	[tilespmem:$0x1A380] =	vst v63  }
0x71: {  	_ =	swait.ge [sflag:s4], $0x80  }
0x72: {  	[sflag:s4] =	ssyncset.done $0x0  }
0x73: {  	[sflag:s4] =	ssyncadd.s32 $0xFFFFFF80  }
0x74: {  	[tilespmem:s6], [sflag:$0x1] =	stream.indirect.gather [hbm4b:s5+s6], $0x80, s2, s6, $0xb8;
	[tilespmem:$0x1A380] =	vst v63  }
0x75: {  	_ = 	snop  }
0x76: {  	[tilespmem:s8], [sflag:$0x8] =	stream.linear.gather [hbm4b:s7+s2], $0x80, $0x38;
	[tilespmem:$0x1A380] =	vst v63  }
0x77: {  	_ =	swait.ge [sflag:s4], $0x80  }
0x78: {  	[sflag:s4] =	ssyncset.done $0x0  }
0x79: {  	[sflag:s4] =	ssyncadd.s32 $0xFFFFFF80  }
0x7a: {  	[tilespmem:s9], [sflag:$0x2] =	stream.indirect.gather [hbm4b:s5+s6], $0x80, s8, s6, $0xb8;
	[tilespmem:$0x1A380] =	vst v63  }
0x7b: {  	_ = 	snop  }
0x7c: {  	[tilespmem:s10], [sflag:$0x8] =	stream.linear.gather [hbm4b:s3+s2], $0x80, $0x38;
	[tilespmem:$0x1A380] =	vst v63  }
0x7d: {  	_ =	swait.ge [sflag:s4], $0x80  }
0x7e: {  	[sflag:s4] =	ssyncset.done $0x0  }
0x7f: {  	[sflag:s4] =	ssyncadd.s32 $0xFFFFFF80  }
0x80: {  	[tilespmem:s12], [sflag:$0x3] =	stream.indirect.gather [hbm4b:s11+s6], $0x80, s10, s6, $0xb8;
	[tilespmem:$0x1A380] =	vst v63  }
0x81: {  	_ = 	snop  }
0x82: {  	[tilespmem:s13], [sflag:$0x8] =	stream.linear.gather [hbm4b:s7+s2], $0x80, $0x38;
	[tilespmem:$0x1A380] =	vst v63  }
0x83: {  	_ =	swait.ge [sflag:s4], $0x80  }
0x84: {  	[sflag:s4] =	ssyncset.done $0x0  }
0x85: {  	[sflag:s4] =	ssyncadd.s32 $0xFFFFFF80  }
0x86: {  	[tilespmem:s14], [sflag:$0x4] =	stream.indirect.gather [hbm4b:s11+s6], $0x80, s13, s6, $0xb8;
	[tilespmem:$0x1A380] =	vst v63  }
0x87: {  	s1 =	rddreg [dreg:$0x3]  }
0x88: {  	[tilespmem:s15], [sflag:$0x8] =	stream.linear.gather [hbm4b:s1+s2], $0x80, $0x38;
	[tilespmem:$0x1A380] =	vst v63  }
0x89: {  	_ =	swait.ge [sflag:s4], $0x80  }
0x8a: {  	[sflag:s4] =	ssyncset.done $0x0  }
0x8b: {  	[sflag:s4] =	ssyncadd.s32 $0xFFFFFF80  }
0x8c: {  	[tilespmem:s16], [sflag:$0x5] =	stream.indirect.gather [hbm4b:s5+s6], $0x80, s15, s6, $0xb8;
	[tilespmem:$0x1A380] =	vst v63  }
0x8d: {  	s1 =	rddreg [dreg:$0x4]  }
0x8e: {  	[tilespmem:s17], [sflag:$0x8] =	stream.linear.gather [hbm4b:s1+s2], $0x80, $0x38;
	[tilespmem:$0x1A380] =	vst v63  }
0x8f: {  	_ =	swait.ge [sflag:s4], $0x80  }
0x90: {  	[sflag:s4] =	ssyncset.done $0x0  }
0x91: {  	[sflag:s4] =	ssyncadd.s32 $0xFFFFFF80  }
0x92: {  	[tilespmem:s18], [sflag:$0x6] =	stream.indirect.gather [hbm4b:s5+s6], $0x80, s17, s6, $0xb8;
	[tilespmem:$0x1A380] =	vst v63  }
0x93: {  	s1 =	rddreg [dreg:$0x5]  }
0x94: {  	[tilespmem:s19], [sflag:$0x8] =	stream.linear.gather [hbm4b:s1+s2], $0x40, $0x38;
	[tilespmem:$0x1A380] =	vst v63  }
0x95: {  	_ =	swait.ge [sflag:s4], $0x40  }
0x96: {  	[sflag:s4] =	ssyncset.done $0x0  }
0x97: {  	[sflag:s4] =	ssyncadd.s32 $0xFFFFFFC0  }
0x98: {  	[tilespmem:s21], [sflag:$0x7] =	stream.indirect.gather [hbm4b:s5+s20], $0x80, s19, s20, $0xb8;
	[tilespmem:$0x1A380] =	vst v63  }
0x99: {  	_ =	swait.ge [sflag:s22], $0x4000  }
0x9a: {  	[sflag:s22] =	ssyncset.done $0x0  }
0x9b: {  	s1 =	rddreg [dreg:$0x6];
	[sflag:s22] =	ssyncadd.s32 $0xFFFFC000  }
0x9c: {  	[hbm4b:s1+s2] =	stream.linear.scatter [tilespmem:s6], [sflag:$0x8], $0x4000, $0x38;
	[tilespmem:$0x1A380] =	vst v63  }
0x9d: {  	_ =	swait.ge [sflag:s4], $0x4000  }
0x9e: {  	[sflag:s4] =	ssyncset.done $0x0  }
0x9f: {  	[sflag:s4] =	ssyncadd.s32 $0xFFFFC000  }
0xa0: {  	_ =	swait.ge [sflag:s23], $0x4000  }
0xa1: {  	[sflag:s23] =	ssyncset.done $0x0  }
0xa2: {  	s1 =	rddreg [dreg:$0x7];
	[sflag:s23] =	ssyncadd.s32 $0xFFFFC000  }
0xa3: {  	[hbm4b:s1+s2] =	stream.linear.scatter [tilespmem:s9], [sflag:$0x8], $0x4000, $0x38;
	[tilespmem:$0x1A380] =	vst v63  }
0xa4: {  	_ =	swait.ge [sflag:s4], $0x4000  }
0xa5: {  	[sflag:s4] =	ssyncset.done $0x0  }
0xa6: {  	[sflag:s4] =	ssyncadd.s32 $0xFFFFC000  }
0xa7: {  	_ =	swait.ge [sflag:s24], $0x4000  }
0xa8: {  	[sflag:s24] =	ssyncset.done $0x0  }
0xa9: {  	s1 =	rddreg [dreg:$0x8];
	[sflag:s24] =	ssyncadd.s32 $0xFFFFC000  }
0xaa: {  	[hbm4b:s1+s2] =	stream.linear.scatter [tilespmem:s12], [sflag:$0x8], $0x4000, $0x38;
	[tilespmem:$0x1A380] =	vst v63  }
0xab: {  	_ =	swait.ge [sflag:s4], $0x4000  }
0xac: {  	[sflag:s4] =	ssyncset.done $0x0  }
0xad: {  	[sflag:s4] =	ssyncadd.s32 $0xFFFFC000  }
0xae: {  	_ =	swait.ge [sflag:s25], $0x4000  }
0xaf: {  	[sflag:s25] =	ssyncset.done $0x0  }
0xb0: {  	s1 =	rddreg [dreg:$0x9];
	[sflag:s25] =	ssyncadd.s32 $0xFFFFC000  }
0xb1: {  	[hbm4b:s1+s2] =	stream.linear.scatter [tilespmem:s14], [sflag:$0x8], $0x4000, $0x38;
	[tilespmem:$0x1A380] =	vst v63  }
0xb2: {  	_ =	swait.ge [sflag:s4], $0x4000  }
0xb3: {  	[sflag:s4] =	ssyncset.done $0x0  }
0xb4: {  	[sflag:s4] =	ssyncadd.s32 $0xFFFFC000  }
0xb5: {  	_ =	swait.ge [sflag:s26], $0x4000  }
0xb6: {  	[sflag:s26] =	ssyncset.done $0x0  }
0xb7: {  	s1 =	rddreg [dreg:$0xa];
	[sflag:s26] =	ssyncadd.s32 $0xFFFFC000  }
0xb8: {  	[hbm4b:s1+s2] =	stream.linear.scatter [tilespmem:s16], [sflag:$0x8], $0x4000, $0x38;
	[tilespmem:$0x1A380] =	vst v63  }
0xb9: {  	_ =	swait.ge [sflag:s4], $0x4000  }
0xba: {  	[sflag:s4] =	ssyncset.done $0x0  }
0xbb: {  	[sflag:s4] =	ssyncadd.s32 $0xFFFFC000  }
0xbc: {  	_ =	swait.ge [sflag:s28], $0x4000  }
0xbd: {  	[sflag:s28] =	ssyncset.done $0x0  }
0xbe: {  	[sflag:s28] =	ssyncadd.s32 $0xFFFFC000  }
0xbf: {  	[hbm4b:s29+s2] =	stream.linear.scatter [tilespmem:s18], [sflag:$0x8], $0x4000, $0x38;
	[tilespmem:$0x1A380] =	vst v63  }
0xc0: {  	_ =	swait.ge [sflag:s4], $0x4000  }
0xc1: {  	[sflag:s4] =	ssyncset.done $0x0  }
0xc2: {  	[sflag:s4] =	ssyncadd.s32 $0xFFFFC000  }
0xc3: {  	p0 =	sne.s32 s0, $0x1;
	_ =	swait.ge [sflag:s30], $0x2000  }
.Ltmp1:
0xc4: {  	[sflag:s30] =	ssyncset.done $0x0;
	(pc) =	sbr.rel @p0 .LBB2_1-.Ltmp1, $4  }
0xc5: {  	[sflag:s30] =	ssyncadd.s32 $0xFFFFE000  }
0xc6: {  	[hbm4b:s31+s2] =	stream.linear.scatter [tilespmem:s21], [sflag:$0x8], $0x2000, $0x38;
	[tilespmem:$0x1A380] =	vst v63  }
0xc7: {  	_ =	swait.ge [sflag:s4], $0x2000  }
0xc8: {  	s0 =	sadd.s32 $0xFFFFFFFF, s0;
	[sflag:s4] =	ssyncset.done $0x0  }
.LBB2_2:
0xc9: {  	[sflag:s4] =	ssyncadd.s32 $0xFFFFE000  }
0xca: {  	_ =	sfence.sel $0x180000  }
0xcb: {  	[bflag:$0x0] =	sbarrier.arrive $0xFFFF  }
0xcc: {  	_ =	strace $0x90000050  }
0xcd: {  	s0 =	stileid.u32;
	[bflag:$0x2] =	sbarrier.arrive $0xFFFF  }
0xce: {  	p0 =	sne.s32 s0, $0x0;
	s0 =	rddreg [dreg:$0x2]  }
0xcf: {  	s0 =	sadd.s32 @!p0 $0x100000, s0  }
0xd0: {  	[sflag:s0] =	ssyncadd.tile.s32 @!p0 $0x1;
	_ =	shalt  }
.Lfunc_end2:
_tile_overlayer_lowered:
.L_overlay_start_2:
0xd1: {  	(tag) =	ssettag $0x2  }
0xd2: {  	s0 =	rddreg [dreg:$0x0];
	s2 =	stileid.u32  }
0xd3: {  	s1 =	rddreg [dreg:$0x1];
	p0 =	sne.s32 s2, $0x0  }
0xd4: {  	s3 =	rddreg [dreg:$0x2];
	[bflag:$0x3] =	sbarrier.arrive $0xFFFF;
	s2 =	simm.s32 @!p0 $0x1C08  }
0xd5: {  	[timem:s3], [sflag:s2] =	dma.local @!p0 [hbm:s0], s1  }
0xd6: {  	s0 =	simm.s32 @!p0 $0x8  }
0xd7: {  	_ =	swait.ge @!p0 [sflag:s0], s1  }
0xd8: {  	s1 =	ssub.s32 @!p0 $0x0, s1;
	[sflag:s0] =	ssyncset.done @!p0 $0x0  }
0xd9: {  	[sflag:s0] =	ssyncadd.s32 @!p0 s1  }
0xda: {  	[bflag:$0x3] =	sbarrier.arrive $0xFFFF  }
0xdb: {  	_ =	shalt  }

</sc_bundles>
